<compile_context>
chip_gen: v7x
topology: tpu7x:2x2x1
jax: 0.10.2.dev20260603
libtpu: 0.0.44.dev20260713+nightly
codegen_flags: <defaults>
</compile_context>

<pallas_src>
import functools

import jax
import jax.numpy as jnp
from jax import lax
from jax.experimental import pallas as pl
from jax.experimental.pallas import tpu as pltpu
from jax.experimental.pallas import tpu_sc as plsc

GRID = 128
B = 1048576
NC = 2
NS = 16
NW = NC * NS
B_PER_W = B // NW
CHUNK = 4096
NSUB = B_PER_W // CHUNK
VPC = CHUNK // 16


def _flat_index(ox, oy, oz, vx, vy, vz):
    s = jnp.maximum(jnp.maximum(jnp.abs(vx), jnp.abs(vy)), jnp.abs(vz))
    a = vx / s
    b = vy / s
    c = vz / s
    one = jnp.float32(1.0)
    face = jnp.where(
        c <= -one, jnp.int32(5),
        jnp.where(c >= one, jnp.int32(4),
                  jnp.where(b <= -one, jnp.int32(3),
                            jnp.where(b >= one, jnp.int32(2),
                                      jnp.where(a <= -one, jnp.int32(1),
                                                jnp.int32(0))))))

    def coord(o):
        w = (o / jnp.float32(2.0) + jnp.float32(0.5)) * jnp.float32(GRID - 1)
        w = jnp.minimum(jnp.maximum(w, jnp.float32(0.0)), jnp.float32(GRID - 1))
        return w.astype(jnp.int32)

    i = coord(ox)
    j = coord(oy)
    k = coord(oz)
    return (i * 6 + face) * 16384 + j * 128 + k


def _sc_body(o_hbm, v_hbm, numer_hbm, denom_hbm, out_hbm,
             c00, c01, c02, c03, c04, c05,
             c10, c11, c12, c13, c14, c15,
             idx0, idx1, n0, d0, n1, d1, ob0, ob1,
             in_sem, g_sem, out_sem):
    wid = lax.axis_index("s") * NC + lax.axis_index("c")
    base = wid * B_PER_W
    comp = ((c00, c01, c02, c03, c04, c05),
            (c10, c11, c12, c13, c14, c15))
    idxb = (idx0, idx1)
    ndb = ((n0, d0), (n1, d1))
    obb = (ob0, ob1)

    def fire_in(s):
        cbase = base + s * CHUNK
        cps = []
        for c in range(3):
            cps.append(pltpu.async_copy(
                o_hbm.at[pl.ds(c * B + cbase, CHUNK)],
                comp[s % 2][c], in_sem))
            cps.append(pltpu.async_copy(
                v_hbm.at[pl.ds(c * B + cbase, CHUNK)],
                comp[s % 2][c + 3], in_sem))
        return cps

    def fire_gather(s):
        p = s % 2
        cp_n = pltpu.async_copy(numer_hbm.at[idxb[p]], ndb[p][0], g_sem)
        cp_d = pltpu.async_copy(denom_hbm.at[idxb[p]], ndb[p][1], g_sem)
        return [cp_n, cp_d]

    def compute(s):
        p = s % 2
        cbuf = comp[p]
        ibuf = idxb[p]

        def body(t, _):
            sl = pl.ds(t * 16, 16)
            ibuf[sl] = _flat_index(cbuf[0][sl], cbuf[1][sl], cbuf[2][sl],
                                   cbuf[3][sl], cbuf[4][sl], cbuf[5][sl])
            return 0

        lax.fori_loop(0, VPC, body, 0)

    def divide(s):
        p = s % 2
        nd = ndb[p]
        ob = obb[p]

        def body(t, _):
            sl = pl.ds(t * 16, 16)
            n = nd[0][sl].astype(jnp.float32)
            d = nd[1][sl].astype(jnp.float32)
            ob[sl] = n / d
            return 0

        lax.fori_loop(0, VPC, body, 0)

    def fire_out(s):
        p = s % 2
        return [pltpu.async_copy(
            obb[p], out_hbm.at[pl.ds(base + s * CHUNK, CHUNK)], out_sem)]

    pend_in = fire_in(0)
    pend_g = []
    pend_out = []
    for s in range(NSUB):
        for cp in pend_in:
            cp.wait()
        pend_in = []
        compute(s)
        if s > 0:
            for cp in pend_g:
                cp.wait()
            pend_g = []
        new_g = fire_gather(s)
        if s + 1 < NSUB:
            pend_in = fire_in(s + 1)
        if s > 0:
            if len(pend_out) == 2:
                for cp in pend_out.pop(0):
                    cp.wait()
            divide(s - 1)
            pend_out.append(fire_out(s - 1))
        pend_g = new_g
    for cp in pend_g:
        cp.wait()
    divide(NSUB - 1)
    pend_out.append(fire_out(NSUB - 1))
    for cps in pend_out:
        for cp in cps:
            cp.wait()


@jax.jit
def _run(o_flat, v_flat, numer_flat, denom_flat):
    mesh = plsc.VectorSubcoreMesh(core_axis_name="c", subcore_axis_name="s")
    call = functools.partial(
        pl.kernel,
        mesh=mesh,
        out_type=jax.ShapeDtypeStruct((B,), jnp.float32),
        scratch_types=(
            [pltpu.VMEM((CHUNK,), jnp.float32)] * 12
            + [pltpu.VMEM((CHUNK,), jnp.int32)] * 2
            + [pltpu.VMEM((CHUNK,), jnp.int32)] * 4
            + [pltpu.VMEM((CHUNK,), jnp.float32)] * 2
            + [pltpu.SemaphoreType.DMA] * 3
        ),
    )(_sc_body)
    return call(o_flat, v_flat, numer_flat, denom_flat)


def kernel(norm_ray_origins, viewdirs, numer, denom):
    o_flat = norm_ray_origins.T.reshape(-1)
    v_flat = viewdirs.T.reshape(-1)
    numer_flat = jnp.transpose(numer, (0, 3, 1, 2)).reshape(-1)
    denom_flat = jnp.transpose(denom, (0, 3, 1, 2)).reshape(-1)
    return _run(o_flat, v_flat, numer_flat, denom_flat)

# --- scband reference (transcript-rebuilt; emitter-appended) ---
"""Pipeline reference for scband-naive-vis-cache-28192165331586 (READ-ONLY COPY).

The authoritative reference and input builder live on the scoring server;
editing this copy changes nothing except your own understanding.
"""

import jax, jax.numpy as jnp
import numpy as np

GRID = 128


def _rays2inds(norm_ray_origins, viewdirs, grid_size):
    mul = 1.0
    # normalize by inf-norm: divide each row by its max-abs component
    s = jnp.max(jnp.abs(viewdirs), axis=-1, keepdims=True)
    sqdirs = mul * viewdirs / s
    a, b, c = sqdirs[:, 0], sqdirs[:, 1], sqdirs[:, 2]
    face_index = jnp.zeros(viewdirs.shape[0], dtype=jnp.int32)
    quadrants = [a >= mul, a <= -mul, b >= mul, b <= -mul, c >= mul, c <= -mul]
    for i, cond in enumerate(quadrants):
        # sequential overwrite: later true condition wins, matching torch loop
        face_index = jnp.where(cond, jnp.int32(i), face_index)
    coords = jnp.clip((norm_ray_origins / 2.0 + 0.5) * (grid_size - 1), 0, grid_size - 1).astype(jnp.int32)
    return coords[..., 0], coords[..., 1], coords[..., 2], face_index


def setup_inputs(seed: int = 0) -> dict:
    key = jax.random.key(seed)
    k1, k2, k3, k4 = jax.random.split(key, 4)
    B = 1048576
    norm_ray_origins = jax.random.uniform(k1, (B, 3), dtype=jnp.float32)
    viewdirs = jax.random.normal(k2, (B, 3), dtype=jnp.float32)
    # buffers registered in __init__ are torch.ones; use random positive ints
    # to emulate a cache after some fit() updates (denom >= 1 so no div-by-zero)
    numer = jax.random.randint(k3, (GRID, GRID, GRID, 6), 1, 256, dtype=jnp.int32)
    denom = jax.random.randint(k4, (GRID, GRID, GRID, 6), 1, 256, dtype=jnp.int32)
    return {
        "norm_ray_origins": norm_ray_origins,
        "viewdirs": viewdirs,
        "numer": numer,
        "denom": denom,
    }


def reference(norm_ray_origins, viewdirs, numer, denom):
    i, j, k, face_index = _rays2inds(norm_ray_origins, viewdirs, GRID)
    n = numer[i, j, k, face_index]
    d = denom[i, j, k, face_index]
    return n / d

if __name__ == "__main__":
    import jax
    _d = setup_inputs()
    print(jax.jit(kernel)(*tuple(_d.values())))

</pallas_src>

<mosaic_0001>
#map = affine_map<(d0, d1) -> (0)>
module attributes {stable_mosaic.version = 14 : i64} {
  func.func @_sc_body(%arg0: i32, %arg1: i32, %arg2: memref<3145728xf32, #tpu.memory_space<hbm>>, %arg3: memref<3145728xf32, #tpu.memory_space<hbm>>, %arg4: memref<12582912xi32, #tpu.memory_space<hbm>>, %arg5: memref<12582912xi32, #tpu.memory_space<hbm>>, %arg6: memref<1048576xf32, #tpu.memory_space<hbm>>, %arg7: memref<4096xf32, #tpu.memory_space<vmem>>, %arg8: memref<4096xf32, #tpu.memory_space<vmem>>, %arg9: memref<4096xf32, #tpu.memory_space<vmem>>, %arg10: memref<4096xf32, #tpu.memory_space<vmem>>, %arg11: memref<4096xf32, #tpu.memory_space<vmem>>, %arg12: memref<4096xf32, #tpu.memory_space<vmem>>, %arg13: memref<4096xf32, #tpu.memory_space<vmem>>, %arg14: memref<4096xf32, #tpu.memory_space<vmem>>, %arg15: memref<4096xf32, #tpu.memory_space<vmem>>, %arg16: memref<4096xf32, #tpu.memory_space<vmem>>, %arg17: memref<4096xf32, #tpu.memory_space<vmem>>, %arg18: memref<4096xf32, #tpu.memory_space<vmem>>, %arg19: memref<4096xi32, #tpu.memory_space<vmem>>, %arg20: memref<4096xi32, #tpu.memory_space<vmem>>, %arg21: memref<4096xi32, #tpu.memory_space<vmem>>, %arg22: memref<4096xi32, #tpu.memory_space<vmem>>, %arg23: memref<4096xi32, #tpu.memory_space<vmem>>, %arg24: memref<4096xi32, #tpu.memory_space<vmem>>, %arg25: memref<4096xf32, #tpu.memory_space<vmem>>, %arg26: memref<4096xf32, #tpu.memory_space<vmem>>, %arg27: memref<!tpu.dma_semaphore, #tpu.memory_space<semaphore_mem>>, %arg28: memref<!tpu.dma_semaphore, #tpu.memory_space<semaphore_mem>>, %arg29: memref<!tpu.dma_semaphore, #tpu.memory_space<semaphore_mem>>) attributes {dimension_semantics = [#tpu.dimension_semantics<core_parallel>, #tpu.dimension_semantics<subcore_parallel>], iteration_bounds = array<i64: 2, 16>, scalar_prefetch = 0 : i64, scratch_operands = 23 : i64, tpu.core_type = #tpu.core_type<sc_vector_subcore>, window_params = [{transform_indices = #map}, {transform_indices = #map}, {transform_indices = #map}, {transform_indices = #map}, {transform_indices = #map}]} {
    %mul3A = arith.constant 2 : i32
    %mul3A_0 = arith.muli %arg1, %mul3A : i32
    %add3A = arith.addi %mul3A_0, %arg0 : i32
    %mul3A_1 = arith.constant 32768 : i32
    %mul3A_2 = arith.muli %add3A, %mul3A_1 : i32
    %add3A_3 = arith.constant 0 : i32
    %add3A_4 = arith.addi %mul3A_2, %add3A_3 : i32
    %add3A_5 = arith.constant 0 : i32
    %add3A_6 = arith.addi %add3A_5, %add3A_4 : i32
    %dma_start3A = tpu.memref_slice %arg2[%add3A_6] : memref<3145728xf32, #tpu.memory_space<hbm>> -> memref<4096xf32, #tpu.memory_space<hbm>>
    %dma_start3A_7 = tpu.memref_slice %arg2[%add3A_6] : memref<3145728xf32, #tpu.memory_space<hbm>> -> memref<4096xf32, #tpu.memory_space<hbm>>
    tpu.enqueue_dma source(%dma_start3A_7 : memref<4096xf32, #tpu.memory_space<hbm>>) target(%arg7 : memref<4096xf32, #tpu.memory_space<vmem>>) target_semaphore(%arg27 : memref<!tpu.dma_semaphore, #tpu.memory_space<semaphore_mem>>)
    %add3A_8 = arith.constant 0 : i32
    %add3A_9 = arith.addi %add3A_8, %add3A_4 : i32
    %dma_start3A_10 = tpu.memref_slice %arg3[%add3A_9] : memref<3145728xf32, #tpu.memory_space<hbm>> -> memref<4096xf32, #tpu.memory_space<hbm>>
    %dma_start3A_11 = tpu.memref_slice %arg3[%add3A_9] : memref<3145728xf32, #tpu.memory_space<hbm>> -> memref<4096xf32, #tpu.memory_space<hbm>>
    tpu.enqueue_dma source(%dma_start3A_11 : memref<4096xf32, #tpu.memory_space<hbm>>) target(%arg10 : memref<4096xf32, #tpu.memory_space<vmem>>) target_semaphore(%arg27 : memref<!tpu.dma_semaphore, #tpu.memory_space<semaphore_mem>>)
    %add3A_12 = arith.constant 1048576 : i32
    %add3A_13 = arith.addi %add3A_12, %add3A_4 : i32
    %dma_start3A_14 = tpu.memref_slice %arg2[%add3A_13] : memref<3145728xf32, #tpu.memory_space<hbm>> -> memref<4096xf32, #tpu.memory_space<hbm>>
    %dma_start3A_15 = tpu.memref_slice %arg2[%add3A_13] : memref<3145728xf32, #tpu.memory_space<hbm>> -> memref<4096xf32, #tpu.memory_space<hbm>>
    tpu.enqueue_dma source(%dma_start3A_15 : memref<4096xf32, #tpu.memory_space<hbm>>) target(%arg8 : memref<4096xf32, #tpu.memory_space<vmem>>) target_semaphore(%arg27 : memref<!tpu.dma_semaphore, #tpu.memory_space<semaphore_mem>>)
    %add3A_16 = arith.constant 1048576 : i32
    %add3A_17 = arith.addi %add3A_16, %add3A_4 : i32
    %dma_start3A_18 = tpu.memref_slice %arg3[%add3A_17] : memref<3145728xf32, #tpu.memory_space<hbm>> -> memref<4096xf32, #tpu.memory_space<hbm>>
    %dma_start3A_19 = tpu.memref_slice %arg3[%add3A_17] : memref<3145728xf32, #tpu.memory_space<hbm>> -> memref<4096xf32, #tpu.memory_space<hbm>>
    tpu.enqueue_dma source(%dma_start3A_19 : memref<4096xf32, #tpu.memory_space<hbm>>) target(%arg11 : memref<4096xf32, #tpu.memory_space<vmem>>) target_semaphore(%arg27 : memref<!tpu.dma_semaphore, #tpu.memory_space<semaphore_mem>>)
    %add3A_20 = arith.constant 2097152 : i32
    %add3A_21 = arith.addi %add3A_20, %add3A_4 : i32
    %dma_start3A_22 = tpu.memref_slice %arg2[%add3A_21] : memref<3145728xf32, #tpu.memory_space<hbm>> -> memref<4096xf32, #tpu.memory_space<hbm>>
    %dma_start3A_23 = tpu.memref_slice %arg2[%add3A_21] : memref<3145728xf32, #tpu.memory_space<hbm>> -> memref<4096xf32, #tpu.memory_space<hbm>>
    tpu.enqueue_dma source(%dma_start3A_23 : memref<4096xf32, #tpu.memory_space<hbm>>) target(%arg9 : memref<4096xf32, #tpu.memory_space<vmem>>) target_semaphore(%arg27 : memref<!tpu.dma_semaphore, #tpu.memory_space<semaphore_mem>>)
    %add3A_24 = arith.constant 2097152 : i32
    %add3A_25 = arith.addi %add3A_24, %add3A_4 : i32
    %dma_start3A_26 = tpu.memref_slice %arg3[%add3A_25] : memref<3145728xf32, #tpu.memory_space<hbm>> -> memref<4096xf32, #tpu.memory_space<hbm>>
    %dma_start3A_27 = tpu.memref_slice %arg3[%add3A_25] : memref<3145728xf32, #tpu.memory_space<hbm>> -> memref<4096xf32, #tpu.memory_space<hbm>>
    tpu.enqueue_dma source(%dma_start3A_27 : memref<4096xf32, #tpu.memory_space<hbm>>) target(%arg12 : memref<4096xf32, #tpu.memory_space<vmem>>) target_semaphore(%arg27 : memref<!tpu.dma_semaphore, #tpu.memory_space<semaphore_mem>>)
    %dma_wait3A = tpu.memref_slice %arg2[%add3A_6] : memref<3145728xf32, #tpu.memory_space<hbm>> -> memref<4096xf32, #tpu.memory_space<hbm>>
    %dma_wait3A_28 = tpu.memref_slice %arg2[%add3A_6] : memref<3145728xf32, #tpu.memory_space<hbm>> -> memref<4096xf32, #tpu.memory_space<hbm>>
    tpu.wait_dma2 semaphore(%arg27 : memref<!tpu.dma_semaphore, #tpu.memory_space<semaphore_mem>>) src(%dma_wait3A_28 : memref<4096xf32, #tpu.memory_space<hbm>>) dst(%arg7 : memref<4096xf32, #tpu.memory_space<vmem>>)
    %dma_wait3A_29 = tpu.memref_slice %arg3[%add3A_9] : memref<3145728xf32, #tpu.memory_space<hbm>> -> memref<4096xf32, #tpu.memory_space<hbm>>
    %dma_wait3A_30 = tpu.memref_slice %arg3[%add3A_9] : memref<3145728xf32, #tpu.memory_space<hbm>> -> memref<4096xf32, #tpu.memory_space<hbm>>
    tpu.wait_dma2 semaphore(%arg27 : memref<!tpu.dma_semaphore, #tpu.memory_space<semaphore_mem>>) src(%dma_wait3A_30 : memref<4096xf32, #tpu.memory_space<hbm>>) dst(%arg10 : memref<4096xf32, #tpu.memory_space<vmem>>)
    %dma_wait3A_31 = tpu.memref_slice %arg2[%add3A_13] : memref<3145728xf32, #tpu.memory_space<hbm>> -> memref<4096xf32, #tpu.memory_space<hbm>>
    %dma_wait3A_32 = tpu.memref_slice %arg2[%add3A_13] : memref<3145728xf32, #tpu.memory_space<hbm>> -> memref<4096xf32, #tpu.memory_space<hbm>>
    tpu.wait_dma2 semaphore(%arg27 : memref<!tpu.dma_semaphore, #tpu.memory_space<semaphore_mem>>) src(%dma_wait3A_32 : memref<4096xf32, #tpu.memory_space<hbm>>) dst(%arg8 : memref<4096xf32, #tpu.memory_space<vmem>>)
    %dma_wait3A_33 = tpu.memref_slice %arg3[%add3A_17] : memref<3145728xf32, #tpu.memory_space<hbm>> -> memref<4096xf32, #tpu.memory_space<hbm>>
    %dma_wait3A_34 = tpu.memref_slice %arg3[%add3A_17] : memref<3145728xf32, #tpu.memory_space<hbm>> -> memref<4096xf32, #tpu.memory_space<hbm>>
    tpu.wait_dma2 semaphore(%arg27 : memref<!tpu.dma_semaphore, #tpu.memory_space<semaphore_mem>>) src(%dma_wait3A_34 : memref<4096xf32, #tpu.memory_space<hbm>>) dst(%arg11 : memref<4096xf32, #tpu.memory_space<vmem>>)
    %dma_wait3A_35 = tpu.memref_slice %arg2[%add3A_21] : memref<3145728xf32, #tpu.memory_space<hbm>> -> memref<4096xf32, #tpu.memory_space<hbm>>
    %dma_wait3A_36 = tpu.memref_slice %arg2[%add3A_21] : memref<3145728xf32, #tpu.memory_space<hbm>> -> memref<4096xf32, #tpu.memory_space<hbm>>
    tpu.wait_dma2 semaphore(%arg27 : memref<!tpu.dma_semaphore, #tpu.memory_space<semaphore_mem>>) src(%dma_wait3A_36 : memref<4096xf32, #tpu.memory_space<hbm>>) dst(%arg9 : memref<4096xf32, #tpu.memory_space<vmem>>)
    %dma_wait3A_37 = tpu.memref_slice %arg3[%add3A_25] : memref<3145728xf32, #tpu.memory_space<hbm>> -> memref<4096xf32, #tpu.memory_space<hbm>>
    %dma_wait3A_38 = tpu.memref_slice %arg3[%add3A_25] : memref<3145728xf32, #tpu.memory_space<hbm>> -> memref<4096xf32, #tpu.memory_space<hbm>>
    tpu.wait_dma2 semaphore(%arg27 : memref<!tpu.dma_semaphore, #tpu.memory_space<semaphore_mem>>) src(%dma_wait3A_38 : memref<4096xf32, #tpu.memory_space<hbm>>) dst(%arg12 : memref<4096xf32, #tpu.memory_space<vmem>>)
    %scan3A = arith.constant 0 : i32
    %scan3A_39 = arith.constant 0 : i32
    %scan3A_40 = arith.constant 256 : i32
    %scan3A_41 = arith.addi %scan3A_39, %scan3A_40 : i32
    %scan3A_42 = arith.constant 1 : i32
    %scan3A_43 = scf.for %scan3A_528 = %scan3A_39 to %scan3A_41 step %scan3A_42 iter_args(%scan3A_529 = %scan3A) -> (i32)  : i32 {
      %mul3A_530 = arith.constant 16 : i32
      %mul3A_531 = arith.muli %scan3A_528, %mul3A_530 : i32
      %get3A = arith.index_cast %mul3A_531 : i32 to index
      %get3A_532 = tpu.vector_load %arg7[%get3A] {strides = array<i32>} : memref<4096xf32, #tpu.memory_space<vmem>>, vector<16xf32>,
      %get3A_533 = vector.shape_cast %get3A_532 : vector<16xf32> to vector<16xf32>
      %get3A_534 = arith.index_cast %mul3A_531 : i32 to index
      %get3A_535 = tpu.vector_load %arg8[%get3A_534] {strides = array<i32>} : memref<4096xf32, #tpu.memory_space<vmem>>, vector<16xf32>,
      %get3A_536 = vector.shape_cast %get3A_535 : vector<16xf32> to vector<16xf32>
      %get3A_537 = arith.index_cast %mul3A_531 : i32 to index
      %get3A_538 = tpu.vector_load %arg9[%get3A_537] {strides = array<i32>} : memref<4096xf32, #tpu.memory_space<vmem>>, vector<16xf32>,
      %get3A_539 = vector.shape_cast %get3A_538 : vector<16xf32> to vector<16xf32>
      %get3A_540 = arith.index_cast %mul3A_531 : i32 to index
      %get3A_541 = tpu.vector_load %arg10[%get3A_540] {strides = array<i32>} : memref<4096xf32, #tpu.memory_space<vmem>>, vector<16xf32>,
      %get3A_542 = vector.shape_cast %get3A_541 : vector<16xf32> to vector<16xf32>
      %get3A_543 = arith.index_cast %mul3A_531 : i32 to index
      %get3A_544 = tpu.vector_load %arg11[%get3A_543] {strides = array<i32>} : memref<4096xf32, #tpu.memory_space<vmem>>, vector<16xf32>,
      %get3A_545 = vector.shape_cast %get3A_544 : vector<16xf32> to vector<16xf32>
      %get3A_546 = arith.index_cast %mul3A_531 : i32 to index
      %get3A_547 = tpu.vector_load %arg12[%get3A_546] {strides = array<i32>} : memref<4096xf32, #tpu.memory_space<vmem>>, vector<16xf32>,
      %get3A_548 = vector.shape_cast %get3A_547 : vector<16xf32> to vector<16xf32>
      %abs3A = math.absf %get3A_542 : vector<16xf32>
      %abs3A_549 = math.absf %get3A_545 : vector<16xf32>
      %max3A = arith.maximumf %abs3A, %abs3A_549 : vector<16xf32>
      %abs3A_550 = math.absf %get3A_548 : vector<16xf32>
      %max3A_551 = arith.maximumf %max3A, %abs3A_550 : vector<16xf32>
      %div3A = arith.divf %get3A_542, %max3A_551 : vector<16xf32>
      %div3A_552 = arith.divf %get3A_545, %max3A_551 : vector<16xf32>
      %div3A_553 = arith.divf %get3A_548, %max3A_551 : vector<16xf32>
      %neg3A = arith.constant 0.000000e+00 : f32
      %neg3A_554 = arith.constant 1.000000e+00 : f32
      %neg3A_555 = arith.subf %neg3A, %neg3A_554 : f32
      %le3A = vector.broadcast %neg3A_555 : f32 to vector<16xf32>
      %le3A_556 = arith.cmpf ole, %div3A_553, %le3A : vector<16xf32>
      %ge3A = arith.constant 1.000000e+00 : f32
      %ge3A_557 = vector.broadcast %ge3A : f32 to vector<16xf32>
      %ge3A_558 = arith.cmpf oge, %div3A_553, %ge3A_557 : vector<16xf32>
      %neg3A_559 = arith.constant 0.000000e+00 : f32
      %neg3A_560 = arith.constant 1.000000e+00 : f32
      %neg3A_561 = arith.subf %neg3A_559, %neg3A_560 : f32
      %le3A_562 = vector.broadcast %neg3A_561 : f32 to vector<16xf32>
      %le3A_563 = arith.cmpf ole, %div3A_552, %le3A_562 : vector<16xf32>
      %ge3A_564 = arith.constant 1.000000e+00 : f32
      %ge3A_565 = vector.broadcast %ge3A_564 : f32 to vector<16xf32>
      %ge3A_566 = arith.cmpf oge, %div3A_552, %ge3A_565 : vector<16xf32>
      %neg3A_567 = arith.constant 0.000000e+00 : f32
      %neg3A_568 = arith.constant 1.000000e+00 : f32
      %neg3A_569 = arith.subf %neg3A_567, %neg3A_568 : f32
      %le3A_570 = vector.broadcast %neg3A_569 : f32 to vector<16xf32>
      %le3A_571 = arith.cmpf ole, %div3A, %le3A_570 : vector<16xf32>
      %jit3A = arith.constant 1 : i32
      %jit3A_572 = arith.constant 0 : i32
      %broadcast_in_dim3A = vector.broadcast %jit3A : i32 to vector<16xi32>
      %broadcast_in_dim3A_573 = vector.broadcast %jit3A_572 : i32 to vector<16xi32>
      %select_n3A = arith.select %le3A_571, %broadcast_in_dim3A, %broadcast_in_dim3A_573 : vector<16xi1>, vector<16xi32>
      %jit3A_574 = arith.constant 2 : i32
      %broadcast_in_dim3A_575 = vector.broadcast %jit3A_574 : i32 to vector<16xi32>
      %select_n3A_576 = arith.select %ge3A_566, %broadcast_in_dim3A_575, %select_n3A : vector<16xi1>, vector<16xi32>
      %jit3A_577 = arith.constant 3 : i32
      %broadcast_in_dim3A_578 = vector.broadcast %jit3A_577 : i32 to vector<16xi32>
      %select_n3A_579 = arith.select %le3A_563, %broadcast_in_dim3A_578, %select_n3A_576 : vector<16xi1>, vector<16xi32>
      %jit3A_580 = arith.constant 4 : i32
      %broadcast_in_dim3A_581 = vector.broadcast %jit3A_580 : i32 to vector<16xi32>
      %select_n3A_582 = arith.select %ge3A_558, %broadcast_in_dim3A_581, %select_n3A_579 : vector<16xi1>, vector<16xi32>
      %jit3A_583 = arith.constant 5 : i32
      %broadcast_in_dim3A_584 = vector.broadcast %jit3A_583 : i32 to vector<16xi32>
      %select_n3A_585 = arith.select %le3A_556, %broadcast_in_dim3A_584, %select_n3A_582 : vector<16xi1>, vector<16xi32>
      %div3A_586 = arith.constant 2.000000e+00 : f32
      %div3A_587 = vector.broadcast %div3A_586 : f32 to vector<16xf32>
      %div3A_588 = arith.divf %get3A_533, %div3A_587 : vector<16xf32>
      %add3A_589 = arith.constant 5.000000e-01 : f32
      %add3A_590 = vector.broadcast %add3A_589 : f32 to vector<16xf32>
      %add3A_591 = arith.addf %div3A_588, %add3A_590 : vector<16xf32>
      %mul3A_592 = arith.constant 1.270000e+02 : f32
      %mul3A_593 = vector.broadcast %mul3A_592 : f32 to vector<16xf32>
      %mul3A_594 = arith.mulf %add3A_591, %mul3A_593 : vector<16xf32>
      %max3A_595 = arith.constant 0.000000e+00 : f32
      %max3A_596 = vector.broadcast %max3A_595 : f32 to vector<16xf32>
      %max3A_597 = arith.maximumf %mul3A_594, %max3A_596 : vector<16xf32>
      %min3A = arith.constant 1.270000e+02 : f32
      %min3A_598 = vector.broadcast %min3A : f32 to vector<16xf32>
      %min3A_599 = arith.minimumf %max3A_597, %min3A_598 : vector<16xf32>
      %convert_element_type3A = arith.fptosi %min3A_599 : vector<16xf32> to vector<16xi32>
      %div3A_600 = arith.constant 2.000000e+00 : f32
      %div3A_601 = vector.broadcast %div3A_600 : f32 to vector<16xf32>
      %div3A_602 = arith.divf %get3A_536, %div3A_601 : vector<16xf32>
      %add3A_603 = arith.constant 5.000000e-01 : f32
      %add3A_604 = vector.broadcast %add3A_603 : f32 to vector<16xf32>
      %add3A_605 = arith.addf %div3A_602, %add3A_604 : vector<16xf32>
      %mul3A_606 = arith.constant 1.270000e+02 : f32
      %mul3A_607 = vector.broadcast %mul3A_606 : f32 to vector<16xf32>
      %mul3A_608 = arith.mulf %add3A_605, %mul3A_607 : vector<16xf32>
      %max3A_609 = arith.constant 0.000000e+00 : f32
      %max3A_610 = vector.broadcast %max3A_609 : f32 to vector<16xf32>
      %max3A_611 = arith.maximumf %mul3A_608, %max3A_610 : vector<16xf32>
      %min3A_612 = arith.constant 1.270000e+02 : f32
      %min3A_613 = vector.broadcast %min3A_612 : f32 to vector<16xf32>
      %min3A_614 = arith.minimumf %max3A_611, %min3A_613 : vector<16xf32>
      %convert_element_type3A_615 = arith.fptosi %min3A_614 : vector<16xf32> to vector<16xi32>
      %div3A_616 = arith.constant 2.000000e+00 : f32
      %div3A_617 = vector.broadcast %div3A_616 : f32 to vector<16xf32>
      %div3A_618 = arith.divf %get3A_539, %div3A_617 : vector<16xf32>
      %add3A_619 = arith.constant 5.000000e-01 : f32
      %add3A_620 = vector.broadcast %add3A_619 : f32 to vector<16xf32>
      %add3A_621 = arith.addf %div3A_618, %add3A_620 : vector<16xf32>
      %mul3A_622 = arith.constant 1.270000e+02 : f32
      %mul3A_623 = vector.broadcast %mul3A_622 : f32 to vector<16xf32>
      %mul3A_624 = arith.mulf %add3A_621, %mul3A_623 : vector<16xf32>
      %max3A_625 = arith.constant 0.000000e+00 : f32
      %max3A_626 = vector.broadcast %max3A_625 : f32 to vector<16xf32>
      %max3A_627 = arith.maximumf %mul3A_624, %max3A_626 : vector<16xf32>
      %min3A_628 = arith.constant 1.270000e+02 : f32
      %min3A_629 = vector.broadcast %min3A_628 : f32 to vector<16xf32>
      %min3A_630 = arith.minimumf %max3A_627, %min3A_629 : vector<16xf32>
      %convert_element_type3A_631 = arith.fptosi %min3A_630 : vector<16xf32> to vector<16xi32>
      %mul3A_632 = arith.constant 6 : i32
      %mul3A_633 = vector.broadcast %mul3A_632 : i32 to vector<16xi32>
      %mul3A_634 = arith.muli %convert_element_type3A, %mul3A_633 : vector<16xi32>
      %add3A_635 = arith.addi %mul3A_634, %select_n3A_585 : vector<16xi32>
      %mul3A_636 = arith.constant 16384 : i32
      %mul3A_637 = vector.broadcast %mul3A_636 : i32 to vector<16xi32>
      %mul3A_638 = arith.muli %add3A_635, %mul3A_637 : vector<16xi32>
      %mul3A_639 = arith.constant 128 : i32
      %mul3A_640 = vector.broadcast %mul3A_639 : i32 to vector<16xi32>
      %mul3A_641 = arith.muli %convert_element_type3A_615, %mul3A_640 : vector<16xi32>
      %add3A_642 = arith.addi %mul3A_638, %mul3A_641 : vector<16xi32>
      %add3A_643 = arith.addi %add3A_642, %convert_element_type3A_631 : vector<16xi32>
      %swap3A = arith.index_cast %mul3A_531 : i32 to index
      %swap3A_644 = tpu.vector_load %arg19[%swap3A] {strides = array<i32>} : memref<4096xi32, #tpu.memory_space<vmem>>, vector<16xi32>,
      %swap3A_645 = vector.shape_cast %swap3A_644 : vector<16xi32> to vector<16xi32>
      %swap3A_646 = vector.shape_cast %add3A_643 : vector<16xi32> to vector<16xi32>
      tpu.vector_store %arg19[%swap3A], %swap3A_646 {strides = array<i32>} : memref<4096xi32, #tpu.memory_space<vmem>>, vector<16xi32>,
      %scan3A_647 = arith.constant 0 : i32
      scf.yield %scan3A_647 : i32
    }
    %scan3A_44 = arith.constant 256 : i32
    %dma_start3A_45 = arith.constant 0 : i32
    %dma_start3A_46 = tpu.memref_slice %arg4[%dma_start3A_45] : memref<12582912xi32, #tpu.memory_space<hbm>> -> memref<12582912xi32, #tpu.memory_space<hbm>>
    tpu.enqueue_indirect_dma source(%dma_start3A_46 : memref<12582912xi32, #tpu.memory_space<hbm>>) target(%arg21 : memref<4096xi32, #tpu.memory_space<vmem>>) offsets(%arg19 : memref<4096xi32, #tpu.memory_space<vmem>>) semaphore(%arg28 : memref<!tpu.dma_semaphore, #tpu.memory_space<semaphore_mem>>)
    %dma_start3A_47 = arith.constant 0 : i32
    %dma_start3A_48 = tpu.memref_slice %arg5[%dma_start3A_47] : memref<12582912xi32, #tpu.memory_space<hbm>> -> memref<12582912xi32, #tpu.memory_space<hbm>>
    tpu.enqueue_indirect_dma source(%dma_start3A_48 : memref<12582912xi32, #tpu.memory_space<hbm>>) target(%arg22 : memref<4096xi32, #tpu.memory_space<vmem>>) offsets(%arg19 : memref<4096xi32, #tpu.memory_space<vmem>>) semaphore(%arg28 : memref<!tpu.dma_semaphore, #tpu.memory_space<semaphore_mem>>)
    %add3A_49 = arith.constant 4096 : i32
    %add3A_50 = arith.addi %mul3A_2, %add3A_49 : i32
    %add3A_51 = arith.constant 0 : i32
    %add3A_52 = arith.addi %add3A_51, %add3A_50 : i32
    %dma_start3A_53 = tpu.memref_slice %arg2[%add3A_52] : memref<3145728xf32, #tpu.memory_space<hbm>> -> memref<4096xf32, #tpu.memory_space<hbm>>
    %dma_start3A_54 = tpu.memref_slice %arg2[%add3A_52] : memref<3145728xf32, #tpu.memory_space<hbm>> -> memref<4096xf32, #tpu.memory_space<hbm>>
    tpu.enqueue_dma source(%dma_start3A_54 : memref<4096xf32, #tpu.memory_space<hbm>>) target(%arg13 : memref<4096xf32, #tpu.memory_space<vmem>>) target_semaphore(%arg27 : memref<!tpu.dma_semaphore, #tpu.memory_space<semaphore_mem>>)
    %add3A_55 = arith.constant 0 : i32
    %add3A_56 = arith.addi %add3A_55, %add3A_50 : i32
    %dma_start3A_57 = tpu.memref_slice %arg3[%add3A_56] : memref<3145728xf32, #tpu.memory_space<hbm>> -> memref<4096xf32, #tpu.memory_space<hbm>>
    %dma_start3A_58 = tpu.memref_slice %arg3[%add3A_56] : memref<3145728xf32, #tpu.memory_space<hbm>> -> memref<4096xf32, #tpu.memory_space<hbm>>
    tpu.enqueue_dma source(%dma_start3A_58 : memref<4096xf32, #tpu.memory_space<hbm>>) target(%arg16 : memref<4096xf32, #tpu.memory_space<vmem>>) target_semaphore(%arg27 : memref<!tpu.dma_semaphore, #tpu.memory_space<semaphore_mem>>)
    %add3A_59 = arith.constant 1048576 : i32
    %add3A_60 = arith.addi %add3A_59, %add3A_50 : i32
    %dma_start3A_61 = tpu.memref_slice %arg2[%add3A_60] : memref<3145728xf32, #tpu.memory_space<hbm>> -> memref<4096xf32, #tpu.memory_space<hbm>>
    %dma_start3A_62 = tpu.memref_slice %arg2[%add3A_60] : memref<3145728xf32, #tpu.memory_space<hbm>> -> memref<4096xf32, #tpu.memory_space<hbm>>
    tpu.enqueue_dma source(%dma_start3A_62 : memref<4096xf32, #tpu.memory_space<hbm>>) target(%arg14 : memref<4096xf32, #tpu.memory_space<vmem>>) target_semaphore(%arg27 : memref<!tpu.dma_semaphore, #tpu.memory_space<semaphore_mem>>)
    %add3A_63 = arith.constant 1048576 : i32
    %add3A_64 = arith.addi %add3A_63, %add3A_50 : i32
    %dma_start3A_65 = tpu.memref_slice %arg3[%add3A_64] : memref<3145728xf32, #tpu.memory_space<hbm>> -> memref<4096xf32, #tpu.memory_space<hbm>>
    %dma_start3A_66 = tpu.memref_slice %arg3[%add3A_64] : memref<3145728xf32, #tpu.memory_space<hbm>> -> memref<4096xf32, #tpu.memory_space<hbm>>
    tpu.enqueue_dma source(%dma_start3A_66 : memref<4096xf32, #tpu.memory_space<hbm>>) target(%arg17 : memref<4096xf32, #tpu.memory_space<vmem>>) target_semaphore(%arg27 : memref<!tpu.dma_semaphore, #tpu.memory_space<semaphore_mem>>)
    %add3A_67 = arith.constant 2097152 : i32
    %add3A_68 = arith.addi %add3A_67, %add3A_50 : i32
    %dma_start3A_69 = tpu.memref_slice %arg2[%add3A_68] : memref<3145728xf32, #tpu.memory_space<hbm>> -> memref<4096xf32, #tpu.memory_space<hbm>>
    %dma_start3A_70 = tpu.memref_slice %arg2[%add3A_68] : memref<3145728xf32, #tpu.memory_space<hbm>> -> memref<4096xf32, #tpu.memory_space<hbm>>
    tpu.enqueue_dma source(%dma_start3A_70 : memref<4096xf32, #tpu.memory_space<hbm>>) target(%arg15 : memref<4096xf32, #tpu.memory_space<vmem>>) target_semaphore(%arg27 : memref<!tpu.dma_semaphore, #tpu.memory_space<semaphore_mem>>)
    %add3A_71 = arith.constant 2097152 : i32
    %add3A_72 = arith.addi %add3A_71, %add3A_50 : i32
    %dma_start3A_73 = tpu.memref_slice %arg3[%add3A_72] : memref<3145728xf32, #tpu.memory_space<hbm>> -> memref<4096xf32, #tpu.memory_space<hbm>>
    %dma_start3A_74 = tpu.memref_slice %arg3[%add3A_72] : memref<3145728xf32, #tpu.memory_space<hbm>> -> memref<4096xf32, #tpu.memory_space<hbm>>
    tpu.enqueue_dma source(%dma_start3A_74 : memref<4096xf32, #tpu.memory_space<hbm>>) target(%arg18 : memref<4096xf32, #tpu.memory_space<vmem>>) target_semaphore(%arg27 : memref<!tpu.dma_semaphore, #tpu.memory_space<semaphore_mem>>)
    %dma_wait3A_75 = tpu.memref_slice %arg2[%add3A_52] : memref<3145728xf32, #tpu.memory_space<hbm>> -> memref<4096xf32, #tpu.memory_space<hbm>>
    %dma_wait3A_76 = tpu.memref_slice %arg2[%add3A_52] : memref<3145728xf32, #tpu.memory_space<hbm>> -> memref<4096xf32, #tpu.memory_space<hbm>>
    tpu.wait_dma2 semaphore(%arg27 : memref<!tpu.dma_semaphore, #tpu.memory_space<semaphore_mem>>) src(%dma_wait3A_76 : memref<4096xf32, #tpu.memory_space<hbm>>) dst(%arg13 : memref<4096xf32, #tpu.memory_space<vmem>>)
    %dma_wait3A_77 = tpu.memref_slice %arg3[%add3A_56] : memref<3145728xf32, #tpu.memory_space<hbm>> -> memref<4096xf32, #tpu.memory_space<hbm>>
    %dma_wait3A_78 = tpu.memref_slice %arg3[%add3A_56] : memref<3145728xf32, #tpu.memory_space<hbm>> -> memref<4096xf32, #tpu.memory_space<hbm>>
    tpu.wait_dma2 semaphore(%arg27 : memref<!tpu.dma_semaphore, #tpu.memory_space<semaphore_mem>>) src(%dma_wait3A_78 : memref<4096xf32, #tpu.memory_space<hbm>>) dst(%arg16 : memref<4096xf32, #tpu.memory_space<vmem>>)
    %dma_wait3A_79 = tpu.memref_slice %arg2[%add3A_60] : memref<3145728xf32, #tpu.memory_space<hbm>> -> memref<4096xf32, #tpu.memory_space<hbm>>
    %dma_wait3A_80 = tpu.memref_slice %arg2[%add3A_60] : memref<3145728xf32, #tpu.memory_space<hbm>> -> memref<4096xf32, #tpu.memory_space<hbm>>
    tpu.wait_dma2 semaphore(%arg27 : memref<!tpu.dma_semaphore, #tpu.memory_space<semaphore_mem>>) src(%dma_wait3A_80 : memref<4096xf32, #tpu.memory_space<hbm>>) dst(%arg14 : memref<4096xf32, #tpu.memory_space<vmem>>)
    %dma_wait3A_81 = tpu.memref_slice %arg3[%add3A_64] : memref<3145728xf32, #tpu.memory_space<hbm>> -> memref<4096xf32, #tpu.memory_space<hbm>>
    %dma_wait3A_82 = tpu.memref_slice %arg3[%add3A_64] : memref<3145728xf32, #tpu.memory_space<hbm>> -> memref<4096xf32, #tpu.memory_space<hbm>>
    tpu.wait_dma2 semaphore(%arg27 : memref<!tpu.dma_semaphore, #tpu.memory_space<semaphore_mem>>) src(%dma_wait3A_82 : memref<4096xf32, #tpu.memory_space<hbm>>) dst(%arg17 : memref<4096xf32, #tpu.memory_space<vmem>>)
    %dma_wait3A_83 = tpu.memref_slice %arg2[%add3A_68] : memref<3145728xf32, #tpu.memory_space<hbm>> -> memref<4096xf32, #tpu.memory_space<hbm>>
    %dma_wait3A_84 = tpu.memref_slice %arg2[%add3A_68] : memref<3145728xf32, #tpu.memory_space<hbm>> -> memref<4096xf32, #tpu.memory_space<hbm>>
    tpu.wait_dma2 semaphore(%arg27 : memref<!tpu.dma_semaphore, #tpu.memory_space<semaphore_mem>>) src(%dma_wait3A_84 : memref<4096xf32, #tpu.memory_space<hbm>>) dst(%arg15 : memref<4096xf32, #tpu.memory_space<vmem>>)
    %dma_wait3A_85 = tpu.memref_slice %arg3[%add3A_72] : memref<3145728xf32, #tpu.memory_space<hbm>> -> memref<4096xf32, #tpu.memory_space<hbm>>
    %dma_wait3A_86 = tpu.memref_slice %arg3[%add3A_72] : memref<3145728xf32, #tpu.memory_space<hbm>> -> memref<4096xf32, #tpu.memory_space<hbm>>
    tpu.wait_dma2 semaphore(%arg27 : memref<!tpu.dma_semaphore, #tpu.memory_space<semaphore_mem>>) src(%dma_wait3A_86 : memref<4096xf32, #tpu.memory_space<hbm>>) dst(%arg18 : memref<4096xf32, #tpu.memory_space<vmem>>)
    %scan3A_87 = arith.constant 0 : i32
    %scan3A_88 = arith.constant 0 : i32
    %scan3A_89 = arith.constant 256 : i32
    %scan3A_90 = arith.addi %scan3A_88, %scan3A_89 : i32
    %scan3A_91 = arith.constant 1 : i32
    %scan3A_92 = scf.for %scan3A_528 = %scan3A_88 to %scan3A_90 step %scan3A_91 iter_args(%scan3A_529 = %scan3A_87) -> (i32)  : i32 {
      %mul3A_530 = arith.constant 16 : i32
      %mul3A_531 = arith.muli %scan3A_528, %mul3A_530 : i32
      %get3A = arith.index_cast %mul3A_531 : i32 to index
      %get3A_532 = tpu.vector_load %arg13[%get3A] {strides = array<i32>} : memref<4096xf32, #tpu.memory_space<vmem>>, vector<16xf32>,
      %get3A_533 = vector.shape_cast %get3A_532 : vector<16xf32> to vector<16xf32>
      %get3A_534 = arith.index_cast %mul3A_531 : i32 to index
      %get3A_535 = tpu.vector_load %arg14[%get3A_534] {strides = array<i32>} : memref<4096xf32, #tpu.memory_space<vmem>>, vector<16xf32>,
      %get3A_536 = vector.shape_cast %get3A_535 : vector<16xf32> to vector<16xf32>
      %get3A_537 = arith.index_cast %mul3A_531 : i32 to index
      %get3A_538 = tpu.vector_load %arg15[%get3A_537] {strides = array<i32>} : memref<4096xf32, #tpu.memory_space<vmem>>, vector<16xf32>,
      %get3A_539 = vector.shape_cast %get3A_538 : vector<16xf32> to vector<16xf32>
      %get3A_540 = arith.index_cast %mul3A_531 : i32 to index
      %get3A_541 = tpu.vector_load %arg16[%get3A_540] {strides = array<i32>} : memref<4096xf32, #tpu.memory_space<vmem>>, vector<16xf32>,
      %get3A_542 = vector.shape_cast %get3A_541 : vector<16xf32> to vector<16xf32>
      %get3A_543 = arith.index_cast %mul3A_531 : i32 to index
      %get3A_544 = tpu.vector_load %arg17[%get3A_543] {strides = array<i32>} : memref<4096xf32, #tpu.memory_space<vmem>>, vector<16xf32>,
      %get3A_545 = vector.shape_cast %get3A_544 : vector<16xf32> to vector<16xf32>
      %get3A_546 = arith.index_cast %mul3A_531 : i32 to index
      %get3A_547 = tpu.vector_load %arg18[%get3A_546] {strides = array<i32>} : memref<4096xf32, #tpu.memory_space<vmem>>, vector<16xf32>,
      %get3A_548 = vector.shape_cast %get3A_547 : vector<16xf32> to vector<16xf32>
      %abs3A = math.absf %get3A_542 : vector<16xf32>
      %abs3A_549 = math.absf %get3A_545 : vector<16xf32>
      %max3A = arith.maximumf %abs3A, %abs3A_549 : vector<16xf32>
      %abs3A_550 = math.absf %get3A_548 : vector<16xf32>
      %max3A_551 = arith.maximumf %max3A, %abs3A_550 : vector<16xf32>
      %div3A = arith.divf %get3A_542, %max3A_551 : vector<16xf32>
      %div3A_552 = arith.divf %get3A_545, %max3A_551 : vector<16xf32>
      %div3A_553 = arith.divf %get3A_548, %max3A_551 : vector<16xf32>
      %neg3A = arith.constant 0.000000e+00 : f32
      %neg3A_554 = arith.constant 1.000000e+00 : f32
      %neg3A_555 = arith.subf %neg3A, %neg3A_554 : f32
      %le3A = vector.broadcast %neg3A_555 : f32 to vector<16xf32>
      %le3A_556 = arith.cmpf ole, %div3A_553, %le3A : vector<16xf32>
      %ge3A = arith.constant 1.000000e+00 : f32
      %ge3A_557 = vector.broadcast %ge3A : f32 to vector<16xf32>
      %ge3A_558 = arith.cmpf oge, %div3A_553, %ge3A_557 : vector<16xf32>
      %neg3A_559 = arith.constant 0.000000e+00 : f32
      %neg3A_560 = arith.constant 1.000000e+00 : f32
      %neg3A_561 = arith.subf %neg3A_559, %neg3A_560 : f32
      %le3A_562 = vector.broadcast %neg3A_561 : f32 to vector<16xf32>
      %le3A_563 = arith.cmpf ole, %div3A_552, %le3A_562 : vector<16xf32>
      %ge3A_564 = arith.constant 1.000000e+00 : f32
      %ge3A_565 = vector.broadcast %ge3A_564 : f32 to vector<16xf32>
      %ge3A_566 = arith.cmpf oge, %div3A_552, %ge3A_565 : vector<16xf32>
      %neg3A_567 = arith.constant 0.000000e+00 : f32
      %neg3A_568 = arith.constant 1.000000e+00 : f32
      %neg3A_569 = arith.subf %neg3A_567, %neg3A_568 : f32
      %le3A_570 = vector.broadcast %neg3A_569 : f32 to vector<16xf32>
      %le3A_571 = arith.cmpf ole, %div3A, %le3A_570 : vector<16xf32>
      %jit3A = arith.constant 1 : i32
      %jit3A_572 = arith.constant 0 : i32
      %broadcast_in_dim3A = vector.broadcast %jit3A : i32 to vector<16xi32>
      %broadcast_in_dim3A_573 = vector.broadcast %jit3A_572 : i32 to vector<16xi32>
      %select_n3A = arith.select %le3A_571, %broadcast_in_dim3A, %broadcast_in_dim3A_573 : vector<16xi1>, vector<16xi32>
      %jit3A_574 = arith.constant 2 : i32
      %broadcast_in_dim3A_575 = vector.broadcast %jit3A_574 : i32 to vector<16xi32>
      %select_n3A_576 = arith.select %ge3A_566, %broadcast_in_dim3A_575, %select_n3A : vector<16xi1>, vector<16xi32>
      %jit3A_577 = arith.constant 3 : i32
      %broadcast_in_dim3A_578 = vector.broadcast %jit3A_577 : i32 to vector<16xi32>
      %select_n3A_579 = arith.select %le3A_563, %broadcast_in_dim3A_578, %select_n3A_576 : vector<16xi1>, vector<16xi32>
      %jit3A_580 = arith.constant 4 : i32
      %broadcast_in_dim3A_581 = vector.broadcast %jit3A_580 : i32 to vector<16xi32>
      %select_n3A_582 = arith.select %ge3A_558, %broadcast_in_dim3A_581, %select_n3A_579 : vector<16xi1>, vector<16xi32>
      %jit3A_583 = arith.constant 5 : i32
      %broadcast_in_dim3A_584 = vector.broadcast %jit3A_583 : i32 to vector<16xi32>
      %select_n3A_585 = arith.select %le3A_556, %broadcast_in_dim3A_584, %select_n3A_582 : vector<16xi1>, vector<16xi32>
      %div3A_586 = arith.constant 2.000000e+00 : f32
      %div3A_587 = vector.broadcast %div3A_586 : f32 to vector<16xf32>
      %div3A_588 = arith.divf %get3A_533, %div3A_587 : vector<16xf32>
      %add3A_589 = arith.constant 5.000000e-01 : f32
      %add3A_590 = vector.broadcast %add3A_589 : f32 to vector<16xf32>
      %add3A_591 = arith.addf %div3A_588, %add3A_590 : vector<16xf32>
      %mul3A_592 = arith.constant 1.270000e+02 : f32
      %mul3A_593 = vector.broadcast %mul3A_592 : f32 to vector<16xf32>
      %mul3A_594 = arith.mulf %add3A_591, %mul3A_593 : vector<16xf32>
      %max3A_595 = arith.constant 0.000000e+00 : f32
      %max3A_596 = vector.broadcast %max3A_595 : f32 to vector<16xf32>
      %max3A_597 = arith.maximumf %mul3A_594, %max3A_596 : vector<16xf32>
      %min3A = arith.constant 1.270000e+02 : f32
      %min3A_598 = vector.broadcast %min3A : f32 to vector<16xf32>
      %min3A_599 = arith.minimumf %max3A_597, %min3A_598 : vector<16xf32>
      %convert_element_type3A = arith.fptosi %min3A_599 : vector<16xf32> to vector<16xi32>
      %div3A_600 = arith.constant 2.000000e+00 : f32
      %div3A_601 = vector.broadcast %div3A_600 : f32 to vector<16xf32>
      %div3A_602 = arith.divf %get3A_536, %div3A_601 : vector<16xf32>
      %add3A_603 = arith.constant 5.000000e-01 : f32
      %add3A_604 = vector.broadcast %add3A_603 : f32 to vector<16xf32>
      %add3A_605 = arith.addf %div3A_602, %add3A_604 : vector<16xf32>
      %mul3A_606 = arith.constant 1.270000e+02 : f32
      %mul3A_607 = vector.broadcast %mul3A_606 : f32 to vector<16xf32>
      %mul3A_608 = arith.mulf %add3A_605, %mul3A_607 : vector<16xf32>
      %max3A_609 = arith.constant 0.000000e+00 : f32
      %max3A_610 = vector.broadcast %max3A_609 : f32 to vector<16xf32>
      %max3A_611 = arith.maximumf %mul3A_608, %max3A_610 : vector<16xf32>
      %min3A_612 = arith.constant 1.270000e+02 : f32
      %min3A_613 = vector.broadcast %min3A_612 : f32 to vector<16xf32>
      %min3A_614 = arith.minimumf %max3A_611, %min3A_613 : vector<16xf32>
      %convert_element_type3A_615 = arith.fptosi %min3A_614 : vector<16xf32> to vector<16xi32>
      %div3A_616 = arith.constant 2.000000e+00 : f32
      %div3A_617 = vector.broadcast %div3A_616 : f32 to vector<16xf32>
      %div3A_618 = arith.divf %get3A_539, %div3A_617 : vector<16xf32>
      %add3A_619 = arith.constant 5.000000e-01 : f32
      %add3A_620 = vector.broadcast %add3A_619 : f32 to vector<16xf32>
      %add3A_621 = arith.addf %div3A_618, %add3A_620 : vector<16xf32>
      %mul3A_622 = arith.constant 1.270000e+02 : f32
      %mul3A_623 = vector.broadcast %mul3A_622 : f32 to vector<16xf32>
      %mul3A_624 = arith.mulf %add3A_621, %mul3A_623 : vector<16xf32>
      %max3A_625 = arith.constant 0.000000e+00 : f32
      %max3A_626 = vector.broadcast %max3A_625 : f32 to vector<16xf32>
      %max3A_627 = arith.maximumf %mul3A_624, %max3A_626 : vector<16xf32>
      %min3A_628 = arith.constant 1.270000e+02 : f32
      %min3A_629 = vector.broadcast %min3A_628 : f32 to vector<16xf32>
      %min3A_630 = arith.minimumf %max3A_627, %min3A_629 : vector<16xf32>
      %convert_element_type3A_631 = arith.fptosi %min3A_630 : vector<16xf32> to vector<16xi32>
      %mul3A_632 = arith.constant 6 : i32
      %mul3A_633 = vector.broadcast %mul3A_632 : i32 to vector<16xi32>
      %mul3A_634 = arith.muli %convert_element_type3A, %mul3A_633 : vector<16xi32>
      %add3A_635 = arith.addi %mul3A_634, %select_n3A_585 : vector<16xi32>
      %mul3A_636 = arith.constant 16384 : i32
      %mul3A_637 = vector.broadcast %mul3A_636 : i32 to vector<16xi32>
      %mul3A_638 = arith.muli %add3A_635, %mul3A_637 : vector<16xi32>
      %mul3A_639 = arith.constant 128 : i32
      %mul3A_640 = vector.broadcast %mul3A_639 : i32 to vector<16xi32>
      %mul3A_641 = arith.muli %convert_element_type3A_615, %mul3A_640 : vector<16xi32>
      %add3A_642 = arith.addi %mul3A_638, %mul3A_641 : vector<16xi32>
      %add3A_643 = arith.addi %add3A_642, %convert_element_type3A_631 : vector<16xi32>
      %swap3A = arith.index_cast %mul3A_531 : i32 to index
      %swap3A_644 = tpu.vector_load %arg20[%swap3A] {strides = array<i32>} : memref<4096xi32, #tpu.memory_space<vmem>>, vector<16xi32>,
      %swap3A_645 = vector.shape_cast %swap3A_644 : vector<16xi32> to vector<16xi32>
      %swap3A_646 = vector.shape_cast %add3A_643 : vector<16xi32> to vector<16xi32>
      tpu.vector_store %arg20[%swap3A], %swap3A_646 {strides = array<i32>} : memref<4096xi32, #tpu.memory_space<vmem>>, vector<16xi32>,
      %scan3A_647 = arith.constant 0 : i32
      scf.yield %scan3A_647 : i32
    }
    %scan3A_93 = arith.constant 256 : i32
    %dma_wait3A_94 = arith.constant 0 : i32
    %dma_wait3A_95 = tpu.memref_slice %arg4[%dma_wait3A_94] : memref<12582912xi32, #tpu.memory_space<hbm>> -> memref<12582912xi32, #tpu.memory_space<hbm>>
    tpu.wait_indirect_dma semaphore(%arg28 : memref<!tpu.dma_semaphore, #tpu.memory_space<semaphore_mem>>) src(%dma_wait3A_95 : memref<12582912xi32, #tpu.memory_space<hbm>>) dst(%arg21 : memref<4096xi32, #tpu.memory_space<vmem>>)
    %dma_wait3A_96 = arith.constant 0 : i32
    %dma_wait3A_97 = tpu.memref_slice %arg5[%dma_wait3A_96] : memref<12582912xi32, #tpu.memory_space<hbm>> -> memref<12582912xi32, #tpu.memory_space<hbm>>
    tpu.wait_indirect_dma semaphore(%arg28 : memref<!tpu.dma_semaphore, #tpu.memory_space<semaphore_mem>>) src(%dma_wait3A_97 : memref<12582912xi32, #tpu.memory_space<hbm>>) dst(%arg22 : memref<4096xi32, #tpu.memory_space<vmem>>)
    %dma_start3A_98 = arith.constant 0 : i32
    %dma_start3A_99 = tpu.memref_slice %arg4[%dma_start3A_98] : memref<12582912xi32, #tpu.memory_space<hbm>> -> memref<12582912xi32, #tpu.memory_space<hbm>>
    tpu.enqueue_indirect_dma source(%dma_start3A_99 : memref<12582912xi32, #tpu.memory_space<hbm>>) target(%arg23 : memref<4096xi32, #tpu.memory_space<vmem>>) offsets(%arg20 : memref<4096xi32, #tpu.memory_space<vmem>>) semaphore(%arg28 : memref<!tpu.dma_semaphore, #tpu.memory_space<semaphore_mem>>)
    %dma_start3A_100 = arith.constant 0 : i32
    %dma_start3A_101 = tpu.memref_slice %arg5[%dma_start3A_100] : memref<12582912xi32, #tpu.memory_space<hbm>> -> memref<12582912xi32, #tpu.memory_space<hbm>>
    tpu.enqueue_indirect_dma source(%dma_start3A_101 : memref<12582912xi32, #tpu.memory_space<hbm>>) target(%arg24 : memref<4096xi32, #tpu.memory_space<vmem>>) offsets(%arg20 : memref<4096xi32, #tpu.memory_space<vmem>>) semaphore(%arg28 : memref<!tpu.dma_semaphore, #tpu.memory_space<semaphore_mem>>)
    %add3A_102 = arith.constant 8192 : i32
    %add3A_103 = arith.addi %mul3A_2, %add3A_102 : i32
    %add3A_104 = arith.constant 0 : i32
    %add3A_105 = arith.addi %add3A_104, %add3A_103 : i32
    %dma_start3A_106 = tpu.memref_slice %arg2[%add3A_105] : memref<3145728xf32, #tpu.memory_space<hbm>> -> memref<4096xf32, #tpu.memory_space<hbm>>
    %dma_start3A_107 = tpu.memref_slice %arg2[%add3A_105] : memref<3145728xf32, #tpu.memory_space<hbm>> -> memref<4096xf32, #tpu.memory_space<hbm>>
    tpu.enqueue_dma source(%dma_start3A_107 : memref<4096xf32, #tpu.memory_space<hbm>>) target(%arg7 : memref<4096xf32, #tpu.memory_space<vmem>>) target_semaphore(%arg27 : memref<!tpu.dma_semaphore, #tpu.memory_space<semaphore_mem>>)
    %add3A_108 = arith.constant 0 : i32
    %add3A_109 = arith.addi %add3A_108, %add3A_103 : i32
    %dma_start3A_110 = tpu.memref_slice %arg3[%add3A_109] : memref<3145728xf32, #tpu.memory_space<hbm>> -> memref<4096xf32, #tpu.memory_space<hbm>>
    %dma_start3A_111 = tpu.memref_slice %arg3[%add3A_109] : memref<3145728xf32, #tpu.memory_space<hbm>> -> memref<4096xf32, #tpu.memory_space<hbm>>
    tpu.enqueue_dma source(%dma_start3A_111 : memref<4096xf32, #tpu.memory_space<hbm>>) target(%arg10 : memref<4096xf32, #tpu.memory_space<vmem>>) target_semaphore(%arg27 : memref<!tpu.dma_semaphore, #tpu.memory_space<semaphore_mem>>)
    %add3A_112 = arith.constant 1048576 : i32
    %add3A_113 = arith.addi %add3A_112, %add3A_103 : i32
    %dma_start3A_114 = tpu.memref_slice %arg2[%add3A_113] : memref<3145728xf32, #tpu.memory_space<hbm>> -> memref<4096xf32, #tpu.memory_space<hbm>>
    %dma_start3A_115 = tpu.memref_slice %arg2[%add3A_113] : memref<3145728xf32, #tpu.memory_space<hbm>> -> memref<4096xf32, #tpu.memory_space<hbm>>
    tpu.enqueue_dma source(%dma_start3A_115 : memref<4096xf32, #tpu.memory_space<hbm>>) target(%arg8 : memref<4096xf32, #tpu.memory_space<vmem>>) target_semaphore(%arg27 : memref<!tpu.dma_semaphore, #tpu.memory_space<semaphore_mem>>)
    %add3A_116 = arith.constant 1048576 : i32
    %add3A_117 = arith.addi %add3A_116, %add3A_103 : i32
    %dma_start3A_118 = tpu.memref_slice %arg3[%add3A_117] : memref<3145728xf32, #tpu.memory_space<hbm>> -> memref<4096xf32, #tpu.memory_space<hbm>>
    %dma_start3A_119 = tpu.memref_slice %arg3[%add3A_117] : memref<3145728xf32, #tpu.memory_space<hbm>> -> memref<4096xf32, #tpu.memory_space<hbm>>
    tpu.enqueue_dma source(%dma_start3A_119 : memref<4096xf32, #tpu.memory_space<hbm>>) target(%arg11 : memref<4096xf32, #tpu.memory_space<vmem>>) target_semaphore(%arg27 : memref<!tpu.dma_semaphore, #tpu.memory_space<semaphore_mem>>)
    %add3A_120 = arith.constant 2097152 : i32
    %add3A_121 = arith.addi %add3A_120, %add3A_103 : i32
    %dma_start3A_122 = tpu.memref_slice %arg2[%add3A_121] : memref<3145728xf32, #tpu.memory_space<hbm>> -> memref<4096xf32, #tpu.memory_space<hbm>>
    %dma_start3A_123 = tpu.memref_slice %arg2[%add3A_121] : memref<3145728xf32, #tpu.memory_space<hbm>> -> memref<4096xf32, #tpu.memory_space<hbm>>
    tpu.enqueue_dma source(%dma_start3A_123 : memref<4096xf32, #tpu.memory_space<hbm>>) target(%arg9 : memref<4096xf32, #tpu.memory_space<vmem>>) target_semaphore(%arg27 : memref<!tpu.dma_semaphore, #tpu.memory_space<semaphore_mem>>)
    %add3A_124 = arith.constant 2097152 : i32
    %add3A_125 = arith.addi %add3A_124, %add3A_103 : i32
    %dma_start3A_126 = tpu.memref_slice %arg3[%add3A_125] : memref<3145728xf32, #tpu.memory_space<hbm>> -> memref<4096xf32, #tpu.memory_space<hbm>>
    %dma_start3A_127 = tpu.memref_slice %arg3[%add3A_125] : memref<3145728xf32, #tpu.memory_space<hbm>> -> memref<4096xf32, #tpu.memory_space<hbm>>
    tpu.enqueue_dma source(%dma_start3A_127 : memref<4096xf32, #tpu.memory_space<hbm>>) target(%arg12 : memref<4096xf32, #tpu.memory_space<vmem>>) target_semaphore(%arg27 : memref<!tpu.dma_semaphore, #tpu.memory_space<semaphore_mem>>)
    %scan3A_128 = arith.constant 0 : i32
    %scan3A_129 = arith.constant 0 : i32
    %scan3A_130 = arith.constant 256 : i32
    %scan3A_131 = arith.addi %scan3A_129, %scan3A_130 : i32
    %scan3A_132 = arith.constant 1 : i32
    %scan3A_133 = scf.for %scan3A_528 = %scan3A_129 to %scan3A_131 step %scan3A_132 iter_args(%scan3A_529 = %scan3A_128) -> (i32)  : i32 {
      %mul3A_530 = arith.constant 16 : i32
      %mul3A_531 = arith.muli %scan3A_528, %mul3A_530 : i32
      %get3A = arith.index_cast %mul3A_531 : i32 to index
      %get3A_532 = tpu.vector_load %arg21[%get3A] {strides = array<i32>} : memref<4096xi32, #tpu.memory_space<vmem>>, vector<16xi32>,
      %get3A_533 = vector.shape_cast %get3A_532 : vector<16xi32> to vector<16xi32>
      %convert_element_type3A = arith.sitofp %get3A_533 : vector<16xi32> to vector<16xf32>
      %get3A_534 = arith.index_cast %mul3A_531 : i32 to index
      %get3A_535 = tpu.vector_load %arg22[%get3A_534] {strides = array<i32>} : memref<4096xi32, #tpu.memory_space<vmem>>, vector<16xi32>,
      %get3A_536 = vector.shape_cast %get3A_535 : vector<16xi32> to vector<16xi32>
      %convert_element_type3A_537 = arith.sitofp %get3A_536 : vector<16xi32> to vector<16xf32>
      %div3A = arith.divf %convert_element_type3A, %convert_element_type3A_537 : vector<16xf32>
      %swap3A = arith.index_cast %mul3A_531 : i32 to index
      %swap3A_538 = tpu.vector_load %arg25[%swap3A] {strides = array<i32>} : memref<4096xf32, #tpu.memory_space<vmem>>, vector<16xf32>,
      %swap3A_539 = vector.shape_cast %swap3A_538 : vector<16xf32> to vector<16xf32>
      %swap3A_540 = vector.shape_cast %div3A : vector<16xf32> to vector<16xf32>
      tpu.vector_store %arg25[%swap3A], %swap3A_540 {strides = array<i32>} : memref<4096xf32, #tpu.memory_space<vmem>>, vector<16xf32>,
      %scan3A_541 = arith.constant 0 : i32
      scf.yield %scan3A_541 : i32
    }
    %scan3A_134 = arith.constant 256 : i32
    %add3A_135 = arith.constant 0 : i32
    %add3A_136 = arith.addi %mul3A_2, %add3A_135 : i32
    %dma_start3A_137 = tpu.memref_slice %arg6[%add3A_136] : memref<1048576xf32, #tpu.memory_space<hbm>> -> memref<4096xf32, #tpu.memory_space<hbm>>
    %dma_start3A_138 = tpu.memref_slice %arg6[%add3A_136] : memref<1048576xf32, #tpu.memory_space<hbm>> -> memref<4096xf32, #tpu.memory_space<hbm>>
    tpu.enqueue_dma source(%arg25 : memref<4096xf32, #tpu.memory_space<vmem>>) target(%dma_start3A_138 : memref<4096xf32, #tpu.memory_space<hbm>>) target_semaphore(%arg29 : memref<!tpu.dma_semaphore, #tpu.memory_space<semaphore_mem>>)
    %dma_wait3A_139 = tpu.memref_slice %arg2[%add3A_105] : memref<3145728xf32, #tpu.memory_space<hbm>> -> memref<4096xf32, #tpu.memory_space<hbm>>
    %dma_wait3A_140 = tpu.memref_slice %arg2[%add3A_105] : memref<3145728xf32, #tpu.memory_space<hbm>> -> memref<4096xf32, #tpu.memory_space<hbm>>
    tpu.wait_dma2 semaphore(%arg27 : memref<!tpu.dma_semaphore, #tpu.memory_space<semaphore_mem>>) src(%dma_wait3A_140 : memref<4096xf32, #tpu.memory_space<hbm>>) dst(%arg7 : memref<4096xf32, #tpu.memory_space<vmem>>)
    %dma_wait3A_141 = tpu.memref_slice %arg3[%add3A_109] : memref<3145728xf32, #tpu.memory_space<hbm>> -> memref<4096xf32, #tpu.memory_space<hbm>>
    %dma_wait3A_142 = tpu.memref_slice %arg3[%add3A_109] : memref<3145728xf32, #tpu.memory_space<hbm>> -> memref<4096xf32, #tpu.memory_space<hbm>>
    tpu.wait_dma2 semaphore(%arg27 : memref<!tpu.dma_semaphore, #tpu.memory_space<semaphore_mem>>) src(%dma_wait3A_142 : memref<4096xf32, #tpu.memory_space<hbm>>) dst(%arg10 : memref<4096xf32, #tpu.memory_space<vmem>>)
    %dma_wait3A_143 = tpu.memref_slice %arg2[%add3A_113] : memref<3145728xf32, #tpu.memory_space<hbm>> -> memref<4096xf32, #tpu.memory_space<hbm>>
    %dma_wait3A_144 = tpu.memref_slice %arg2[%add3A_113] : memref<3145728xf32, #tpu.memory_space<hbm>> -> memref<4096xf32, #tpu.memory_space<hbm>>
    tpu.wait_dma2 semaphore(%arg27 : memref<!tpu.dma_semaphore, #tpu.memory_space<semaphore_mem>>) src(%dma_wait3A_144 : memref<4096xf32, #tpu.memory_space<hbm>>) dst(%arg8 : memref<4096xf32, #tpu.memory_space<vmem>>)
    %dma_wait3A_145 = tpu.memref_slice %arg3[%add3A_117] : memref<3145728xf32, #tpu.memory_space<hbm>> -> memref<4096xf32, #tpu.memory_space<hbm>>
    %dma_wait3A_146 = tpu.memref_slice %arg3[%add3A_117] : memref<3145728xf32, #tpu.memory_space<hbm>> -> memref<4096xf32, #tpu.memory_space<hbm>>
    tpu.wait_dma2 semaphore(%arg27 : memref<!tpu.dma_semaphore, #tpu.memory_space<semaphore_mem>>) src(%dma_wait3A_146 : memref<4096xf32, #tpu.memory_space<hbm>>) dst(%arg11 : memref<4096xf32, #tpu.memory_space<vmem>>)
    %dma_wait3A_147 = tpu.memref_slice %arg2[%add3A_121] : memref<3145728xf32, #tpu.memory_space<hbm>> -> memref<4096xf32, #tpu.memory_space<hbm>>
    %dma_wait3A_148 = tpu.memref_slice %arg2[%add3A_121] : memref<3145728xf32, #tpu.memory_space<hbm>> -> memref<4096xf32, #tpu.memory_space<hbm>>
    tpu.wait_dma2 semaphore(%arg27 : memref<!tpu.dma_semaphore, #tpu.memory_space<semaphore_mem>>) src(%dma_wait3A_148 : memref<4096xf32, #tpu.memory_space<hbm>>) dst(%arg9 : memref<4096xf32, #tpu.memory_space<vmem>>)
    %dma_wait3A_149 = tpu.memref_slice %arg3[%add3A_125] : memref<3145728xf32, #tpu.memory_space<hbm>> -> memref<4096xf32, #tpu.memory_space<hbm>>
    %dma_wait3A_150 = tpu.memref_slice %arg3[%add3A_125] : memref<3145728xf32, #tpu.memory_space<hbm>> -> memref<4096xf32, #tpu.memory_space<hbm>>
    tpu.wait_dma2 semaphore(%arg27 : memref<!tpu.dma_semaphore, #tpu.memory_space<semaphore_mem>>) src(%dma_wait3A_150 : memref<4096xf32, #tpu.memory_space<hbm>>) dst(%arg12 : memref<4096xf32, #tpu.memory_space<vmem>>)
    %scan3A_151 = arith.constant 0 : i32
    %scan3A_152 = arith.constant 0 : i32
    %scan3A_153 = arith.constant 256 : i32
    %scan3A_154 = arith.addi %scan3A_152, %scan3A_153 : i32
    %scan3A_155 = arith.constant 1 : i32
    %scan3A_156 = scf.for %scan3A_528 = %scan3A_152 to %scan3A_154 step %scan3A_155 iter_args(%scan3A_529 = %scan3A_151) -> (i32)  : i32 {
      %mul3A_530 = arith.constant 16 : i32
      %mul3A_531 = arith.muli %scan3A_528, %mul3A_530 : i32
      %get3A = arith.index_cast %mul3A_531 : i32 to index
      %get3A_532 = tpu.vector_load %arg7[%get3A] {strides = array<i32>} : memref<4096xf32, #tpu.memory_space<vmem>>, vector<16xf32>,
      %get3A_533 = vector.shape_cast %get3A_532 : vector<16xf32> to vector<16xf32>
      %get3A_534 = arith.index_cast %mul3A_531 : i32 to index
      %get3A_535 = tpu.vector_load %arg8[%get3A_534] {strides = array<i32>} : memref<4096xf32, #tpu.memory_space<vmem>>, vector<16xf32>,
      %get3A_536 = vector.shape_cast %get3A_535 : vector<16xf32> to vector<16xf32>
      %get3A_537 = arith.index_cast %mul3A_531 : i32 to index
      %get3A_538 = tpu.vector_load %arg9[%get3A_537] {strides = array<i32>} : memref<4096xf32, #tpu.memory_space<vmem>>, vector<16xf32>,
      %get3A_539 = vector.shape_cast %get3A_538 : vector<16xf32> to vector<16xf32>
      %get3A_540 = arith.index_cast %mul3A_531 : i32 to index
      %get3A_541 = tpu.vector_load %arg10[%get3A_540] {strides = array<i32>} : memref<4096xf32, #tpu.memory_space<vmem>>, vector<16xf32>,
      %get3A_542 = vector.shape_cast %get3A_541 : vector<16xf32> to vector<16xf32>
      %get3A_543 = arith.index_cast %mul3A_531 : i32 to index
      %get3A_544 = tpu.vector_load %arg11[%get3A_543] {strides = array<i32>} : memref<4096xf32, #tpu.memory_space<vmem>>, vector<16xf32>,
      %get3A_545 = vector.shape_cast %get3A_544 : vector<16xf32> to vector<16xf32>
      %get3A_546 = arith.index_cast %mul3A_531 : i32 to index
      %get3A_547 = tpu.vector_load %arg12[%get3A_546] {strides = array<i32>} : memref<4096xf32, #tpu.memory_space<vmem>>, vector<16xf32>,
      %get3A_548 = vector.shape_cast %get3A_547 : vector<16xf32> to vector<16xf32>
      %abs3A = math.absf %get3A_542 : vector<16xf32>
      %abs3A_549 = math.absf %get3A_545 : vector<16xf32>
      %max3A = arith.maximumf %abs3A, %abs3A_549 : vector<16xf32>
      %abs3A_550 = math.absf %get3A_548 : vector<16xf32>
      %max3A_551 = arith.maximumf %max3A, %abs3A_550 : vector<16xf32>
      %div3A = arith.divf %get3A_542, %max3A_551 : vector<16xf32>
      %div3A_552 = arith.divf %get3A_545, %max3A_551 : vector<16xf32>
      %div3A_553 = arith.divf %get3A_548, %max3A_551 : vector<16xf32>
      %neg3A = arith.constant 0.000000e+00 : f32
      %neg3A_554 = arith.constant 1.000000e+00 : f32
      %neg3A_555 = arith.subf %neg3A, %neg3A_554 : f32
      %le3A = vector.broadcast %neg3A_555 : f32 to vector<16xf32>
      %le3A_556 = arith.cmpf ole, %div3A_553, %le3A : vector<16xf32>
      %ge3A = arith.constant 1.000000e+00 : f32
      %ge3A_557 = vector.broadcast %ge3A : f32 to vector<16xf32>
      %ge3A_558 = arith.cmpf oge, %div3A_553, %ge3A_557 : vector<16xf32>
      %neg3A_559 = arith.constant 0.000000e+00 : f32
      %neg3A_560 = arith.constant 1.000000e+00 : f32
      %neg3A_561 = arith.subf %neg3A_559, %neg3A_560 : f32
      %le3A_562 = vector.broadcast %neg3A_561 : f32 to vector<16xf32>
      %le3A_563 = arith.cmpf ole, %div3A_552, %le3A_562 : vector<16xf32>
      %ge3A_564 = arith.constant 1.000000e+00 : f32
      %ge3A_565 = vector.broadcast %ge3A_564 : f32 to vector<16xf32>
      %ge3A_566 = arith.cmpf oge, %div3A_552, %ge3A_565 : vector<16xf32>
      %neg3A_567 = arith.constant 0.000000e+00 : f32
      %neg3A_568 = arith.constant 1.000000e+00 : f32
      %neg3A_569 = arith.subf %neg3A_567, %neg3A_568 : f32
      %le3A_570 = vector.broadcast %neg3A_569 : f32 to vector<16xf32>
      %le3A_571 = arith.cmpf ole, %div3A, %le3A_570 : vector<16xf32>
      %jit3A = arith.constant 1 : i32
      %jit3A_572 = arith.constant 0 : i32
      %broadcast_in_dim3A = vector.broadcast %jit3A : i32 to vector<16xi32>
      %broadcast_in_dim3A_573 = vector.broadcast %jit3A_572 : i32 to vector<16xi32>
      %select_n3A = arith.select %le3A_571, %broadcast_in_dim3A, %broadcast_in_dim3A_573 : vector<16xi1>, vector<16xi32>
      %jit3A_574 = arith.constant 2 : i32
      %broadcast_in_dim3A_575 = vector.broadcast %jit3A_574 : i32 to vector<16xi32>
      %select_n3A_576 = arith.select %ge3A_566, %broadcast_in_dim3A_575, %select_n3A : vector<16xi1>, vector<16xi32>
      %jit3A_577 = arith.constant 3 : i32
      %broadcast_in_dim3A_578 = vector.broadcast %jit3A_577 : i32 to vector<16xi32>
      %select_n3A_579 = arith.select %le3A_563, %broadcast_in_dim3A_578, %select_n3A_576 : vector<16xi1>, vector<16xi32>
      %jit3A_580 = arith.constant 4 : i32
      %broadcast_in_dim3A_581 = vector.broadcast %jit3A_580 : i32 to vector<16xi32>
      %select_n3A_582 = arith.select %ge3A_558, %broadcast_in_dim3A_581, %select_n3A_579 : vector<16xi1>, vector<16xi32>
      %jit3A_583 = arith.constant 5 : i32
      %broadcast_in_dim3A_584 = vector.broadcast %jit3A_583 : i32 to vector<16xi32>
      %select_n3A_585 = arith.select %le3A_556, %broadcast_in_dim3A_584, %select_n3A_582 : vector<16xi1>, vector<16xi32>
      %div3A_586 = arith.constant 2.000000e+00 : f32
      %div3A_587 = vector.broadcast %div3A_586 : f32 to vector<16xf32>
      %div3A_588 = arith.divf %get3A_533, %div3A_587 : vector<16xf32>
      %add3A_589 = arith.constant 5.000000e-01 : f32
      %add3A_590 = vector.broadcast %add3A_589 : f32 to vector<16xf32>
      %add3A_591 = arith.addf %div3A_588, %add3A_590 : vector<16xf32>
      %mul3A_592 = arith.constant 1.270000e+02 : f32
      %mul3A_593 = vector.broadcast %mul3A_592 : f32 to vector<16xf32>
      %mul3A_594 = arith.mulf %add3A_591, %mul3A_593 : vector<16xf32>
      %max3A_595 = arith.constant 0.000000e+00 : f32
      %max3A_596 = vector.broadcast %max3A_595 : f32 to vector<16xf32>
      %max3A_597 = arith.maximumf %mul3A_594, %max3A_596 : vector<16xf32>
      %min3A = arith.constant 1.270000e+02 : f32
      %min3A_598 = vector.broadcast %min3A : f32 to vector<16xf32>
      %min3A_599 = arith.minimumf %max3A_597, %min3A_598 : vector<16xf32>
      %convert_element_type3A = arith.fptosi %min3A_599 : vector<16xf32> to vector<16xi32>
      %div3A_600 = arith.constant 2.000000e+00 : f32
      %div3A_601 = vector.broadcast %div3A_600 : f32 to vector<16xf32>
      %div3A_602 = arith.divf %get3A_536, %div3A_601 : vector<16xf32>
      %add3A_603 = arith.constant 5.000000e-01 : f32
      %add3A_604 = vector.broadcast %add3A_603 : f32 to vector<16xf32>
      %add3A_605 = arith.addf %div3A_602, %add3A_604 : vector<16xf32>
      %mul3A_606 = arith.constant 1.270000e+02 : f32
      %mul3A_607 = vector.broadcast %mul3A_606 : f32 to vector<16xf32>
      %mul3A_608 = arith.mulf %add3A_605, %mul3A_607 : vector<16xf32>
      %max3A_609 = arith.constant 0.000000e+00 : f32
      %max3A_610 = vector.broadcast %max3A_609 : f32 to vector<16xf32>
      %max3A_611 = arith.maximumf %mul3A_608, %max3A_610 : vector<16xf32>
      %min3A_612 = arith.constant 1.270000e+02 : f32
      %min3A_613 = vector.broadcast %min3A_612 : f32 to vector<16xf32>
      %min3A_614 = arith.minimumf %max3A_611, %min3A_613 : vector<16xf32>
      %convert_element_type3A_615 = arith.fptosi %min3A_614 : vector<16xf32> to vector<16xi32>
      %div3A_616 = arith.constant 2.000000e+00 : f32
      %div3A_617 = vector.broadcast %div3A_616 : f32 to vector<16xf32>
      %div3A_618 = arith.divf %get3A_539, %div3A_617 : vector<16xf32>
      %add3A_619 = arith.constant 5.000000e-01 : f32
      %add3A_620 = vector.broadcast %add3A_619 : f32 to vector<16xf32>
      %add3A_621 = arith.addf %div3A_618, %add3A_620 : vector<16xf32>
      %mul3A_622 = arith.constant 1.270000e+02 : f32
      %mul3A_623 = vector.broadcast %mul3A_622 : f32 to vector<16xf32>
      %mul3A_624 = arith.mulf %add3A_621, %mul3A_623 : vector<16xf32>
      %max3A_625 = arith.constant 0.000000e+00 : f32
      %max3A_626 = vector.broadcast %max3A_625 : f32 to vector<16xf32>
      %max3A_627 = arith.maximumf %mul3A_624, %max3A_626 : vector<16xf32>
      %min3A_628 = arith.constant 1.270000e+02 : f32
      %min3A_629 = vector.broadcast %min3A_628 : f32 to vector<16xf32>
      %min3A_630 = arith.minimumf %max3A_627, %min3A_629 : vector<16xf32>
      %convert_element_type3A_631 = arith.fptosi %min3A_630 : vector<16xf32> to vector<16xi32>
      %mul3A_632 = arith.constant 6 : i32
      %mul3A_633 = vector.broadcast %mul3A_632 : i32 to vector<16xi32>
      %mul3A_634 = arith.muli %convert_element_type3A, %mul3A_633 : vector<16xi32>
      %add3A_635 = arith.addi %mul3A_634, %select_n3A_585 : vector<16xi32>
      %mul3A_636 = arith.constant 16384 : i32
      %mul3A_637 = vector.broadcast %mul3A_636 : i32 to vector<16xi32>
      %mul3A_638 = arith.muli %add3A_635, %mul3A_637 : vector<16xi32>
      %mul3A_639 = arith.constant 128 : i32
      %mul3A_640 = vector.broadcast %mul3A_639 : i32 to vector<16xi32>
      %mul3A_641 = arith.muli %convert_element_type3A_615, %mul3A_640 : vector<16xi32>
      %add3A_642 = arith.addi %mul3A_638, %mul3A_641 : vector<16xi32>
      %add3A_643 = arith.addi %add3A_642, %convert_element_type3A_631 : vector<16xi32>
      %swap3A = arith.index_cast %mul3A_531 : i32 to index
      %swap3A_644 = tpu.vector_load %arg19[%swap3A] {strides = array<i32>} : memref<4096xi32, #tpu.memory_space<vmem>>, vector<16xi32>,
      %swap3A_645 = vector.shape_cast %swap3A_644 : vector<16xi32> to vector<16xi32>
      %swap3A_646 = vector.shape_cast %add3A_643 : vector<16xi32> to vector<16xi32>
      tpu.vector_store %arg19[%swap3A], %swap3A_646 {strides = array<i32>} : memref<4096xi32, #tpu.memory_space<vmem>>, vector<16xi32>,
      %scan3A_647 = arith.constant 0 : i32
      scf.yield %scan3A_647 : i32
    }
    %scan3A_157 = arith.constant 256 : i32
    %dma_wait3A_158 = arith.constant 0 : i32
    %dma_wait3A_159 = tpu.memref_slice %arg4[%dma_wait3A_158] : memref<12582912xi32, #tpu.memory_space<hbm>> -> memref<12582912xi32, #tpu.memory_space<hbm>>
    tpu.wait_indirect_dma semaphore(%arg28 : memref<!tpu.dma_semaphore, #tpu.memory_space<semaphore_mem>>) src(%dma_wait3A_159 : memref<12582912xi32, #tpu.memory_space<hbm>>) dst(%arg23 : memref<4096xi32, #tpu.memory_space<vmem>>)
    %dma_wait3A_160 = arith.constant 0 : i32
    %dma_wait3A_161 = tpu.memref_slice %arg5[%dma_wait3A_160] : memref<12582912xi32, #tpu.memory_space<hbm>> -> memref<12582912xi32, #tpu.memory_space<hbm>>
    tpu.wait_indirect_dma semaphore(%arg28 : memref<!tpu.dma_semaphore, #tpu.memory_space<semaphore_mem>>) src(%dma_wait3A_161 : memref<12582912xi32, #tpu.memory_space<hbm>>) dst(%arg24 : memref<4096xi32, #tpu.memory_space<vmem>>)
    %dma_start3A_162 = arith.constant 0 : i32
    %dma_start3A_163 = tpu.memref_slice %arg4[%dma_start3A_162] : memref<12582912xi32, #tpu.memory_space<hbm>> -> memref<12582912xi32, #tpu.memory_space<hbm>>
    tpu.enqueue_indirect_dma source(%dma_start3A_163 : memref<12582912xi32, #tpu.memory_space<hbm>>) target(%arg21 : memref<4096xi32, #tpu.memory_space<vmem>>) offsets(%arg19 : memref<4096xi32, #tpu.memory_space<vmem>>) semaphore(%arg28 : memref<!tpu.dma_semaphore, #tpu.memory_space<semaphore_mem>>)
    %dma_start3A_164 = arith.constant 0 : i32
    %dma_start3A_165 = tpu.memref_slice %arg5[%dma_start3A_164] : memref<12582912xi32, #tpu.memory_space<hbm>> -> memref<12582912xi32, #tpu.memory_space<hbm>>
    tpu.enqueue_indirect_dma source(%dma_start3A_165 : memref<12582912xi32, #tpu.memory_space<hbm>>) target(%arg22 : memref<4096xi32, #tpu.memory_space<vmem>>) offsets(%arg19 : memref<4096xi32, #tpu.memory_space<vmem>>) semaphore(%arg28 : memref<!tpu.dma_semaphore, #tpu.memory_space<semaphore_mem>>)
    %add3A_166 = arith.constant 12288 : i32
    %add3A_167 = arith.addi %mul3A_2, %add3A_166 : i32
    %add3A_168 = arith.constant 0 : i32
    %add3A_169 = arith.addi %add3A_168, %add3A_167 : i32
    %dma_start3A_170 = tpu.memref_slice %arg2[%add3A_169] : memref<3145728xf32, #tpu.memory_space<hbm>> -> memref<4096xf32, #tpu.memory_space<hbm>>
    %dma_start3A_171 = tpu.memref_slice %arg2[%add3A_169] : memref<3145728xf32, #tpu.memory_space<hbm>> -> memref<4096xf32, #tpu.memory_space<hbm>>
    tpu.enqueue_dma source(%dma_start3A_171 : memref<4096xf32, #tpu.memory_space<hbm>>) target(%arg13 : memref<4096xf32, #tpu.memory_space<vmem>>) target_semaphore(%arg27 : memref<!tpu.dma_semaphore, #tpu.memory_space<semaphore_mem>>)
    %add3A_172 = arith.constant 0 : i32
    %add3A_173 = arith.addi %add3A_172, %add3A_167 : i32
    %dma_start3A_174 = tpu.memref_slice %arg3[%add3A_173] : memref<3145728xf32, #tpu.memory_space<hbm>> -> memref<4096xf32, #tpu.memory_space<hbm>>
    %dma_start3A_175 = tpu.memref_slice %arg3[%add3A_173] : memref<3145728xf32, #tpu.memory_space<hbm>> -> memref<4096xf32, #tpu.memory_space<hbm>>
    tpu.enqueue_dma source(%dma_start3A_175 : memref<4096xf32, #tpu.memory_space<hbm>>) target(%arg16 : memref<4096xf32, #tpu.memory_space<vmem>>) target_semaphore(%arg27 : memref<!tpu.dma_semaphore, #tpu.memory_space<semaphore_mem>>)
    %add3A_176 = arith.constant 1048576 : i32
    %add3A_177 = arith.addi %add3A_176, %add3A_167 : i32
    %dma_start3A_178 = tpu.memref_slice %arg2[%add3A_177] : memref<3145728xf32, #tpu.memory_space<hbm>> -> memref<4096xf32, #tpu.memory_space<hbm>>
    %dma_start3A_179 = tpu.memref_slice %arg2[%add3A_177] : memref<3145728xf32, #tpu.memory_space<hbm>> -> memref<4096xf32, #tpu.memory_space<hbm>>
    tpu.enqueue_dma source(%dma_start3A_179 : memref<4096xf32, #tpu.memory_space<hbm>>) target(%arg14 : memref<4096xf32, #tpu.memory_space<vmem>>) target_semaphore(%arg27 : memref<!tpu.dma_semaphore, #tpu.memory_space<semaphore_mem>>)
    %add3A_180 = arith.constant 1048576 : i32
    %add3A_181 = arith.addi %add3A_180, %add3A_167 : i32
    %dma_start3A_182 = tpu.memref_slice %arg3[%add3A_181] : memref<3145728xf32, #tpu.memory_space<hbm>> -> memref<4096xf32, #tpu.memory_space<hbm>>
    %dma_start3A_183 = tpu.memref_slice %arg3[%add3A_181] : memref<3145728xf32, #tpu.memory_space<hbm>> -> memref<4096xf32, #tpu.memory_space<hbm>>
    tpu.enqueue_dma source(%dma_start3A_183 : memref<4096xf32, #tpu.memory_space<hbm>>) target(%arg17 : memref<4096xf32, #tpu.memory_space<vmem>>) target_semaphore(%arg27 : memref<!tpu.dma_semaphore, #tpu.memory_space<semaphore_mem>>)
    %add3A_184 = arith.constant 2097152 : i32
    %add3A_185 = arith.addi %add3A_184, %add3A_167 : i32
    %dma_start3A_186 = tpu.memref_slice %arg2[%add3A_185] : memref<3145728xf32, #tpu.memory_space<hbm>> -> memref<4096xf32, #tpu.memory_space<hbm>>
    %dma_start3A_187 = tpu.memref_slice %arg2[%add3A_185] : memref<3145728xf32, #tpu.memory_space<hbm>> -> memref<4096xf32, #tpu.memory_space<hbm>>
    tpu.enqueue_dma source(%dma_start3A_187 : memref<4096xf32, #tpu.memory_space<hbm>>) target(%arg15 : memref<4096xf32, #tpu.memory_space<vmem>>) target_semaphore(%arg27 : memref<!tpu.dma_semaphore, #tpu.memory_space<semaphore_mem>>)
    %add3A_188 = arith.constant 2097152 : i32
    %add3A_189 = arith.addi %add3A_188, %add3A_167 : i32
    %dma_start3A_190 = tpu.memref_slice %arg3[%add3A_189] : memref<3145728xf32, #tpu.memory_space<hbm>> -> memref<4096xf32, #tpu.memory_space<hbm>>
    %dma_start3A_191 = tpu.memref_slice %arg3[%add3A_189] : memref<3145728xf32, #tpu.memory_space<hbm>> -> memref<4096xf32, #tpu.memory_space<hbm>>
    tpu.enqueue_dma source(%dma_start3A_191 : memref<4096xf32, #tpu.memory_space<hbm>>) target(%arg18 : memref<4096xf32, #tpu.memory_space<vmem>>) target_semaphore(%arg27 : memref<!tpu.dma_semaphore, #tpu.memory_space<semaphore_mem>>)
    %scan3A_192 = arith.constant 0 : i32
    %scan3A_193 = arith.constant 0 : i32
    %scan3A_194 = arith.constant 256 : i32
    %scan3A_195 = arith.addi %scan3A_193, %scan3A_194 : i32
    %scan3A_196 = arith.constant 1 : i32
    %scan3A_197 = scf.for %scan3A_528 = %scan3A_193 to %scan3A_195 step %scan3A_196 iter_args(%scan3A_529 = %scan3A_192) -> (i32)  : i32 {
      %mul3A_530 = arith.constant 16 : i32
      %mul3A_531 = arith.muli %scan3A_528, %mul3A_530 : i32
      %get3A = arith.index_cast %mul3A_531 : i32 to index
      %get3A_532 = tpu.vector_load %arg23[%get3A] {strides = array<i32>} : memref<4096xi32, #tpu.memory_space<vmem>>, vector<16xi32>,
      %get3A_533 = vector.shape_cast %get3A_532 : vector<16xi32> to vector<16xi32>
      %convert_element_type3A = arith.sitofp %get3A_533 : vector<16xi32> to vector<16xf32>
      %get3A_534 = arith.index_cast %mul3A_531 : i32 to index
      %get3A_535 = tpu.vector_load %arg24[%get3A_534] {strides = array<i32>} : memref<4096xi32, #tpu.memory_space<vmem>>, vector<16xi32>,
      %get3A_536 = vector.shape_cast %get3A_535 : vector<16xi32> to vector<16xi32>
      %convert_element_type3A_537 = arith.sitofp %get3A_536 : vector<16xi32> to vector<16xf32>
      %div3A = arith.divf %convert_element_type3A, %convert_element_type3A_537 : vector<16xf32>
      %swap3A = arith.index_cast %mul3A_531 : i32 to index
      %swap3A_538 = tpu.vector_load %arg26[%swap3A] {strides = array<i32>} : memref<4096xf32, #tpu.memory_space<vmem>>, vector<16xf32>,
      %swap3A_539 = vector.shape_cast %swap3A_538 : vector<16xf32> to vector<16xf32>
      %swap3A_540 = vector.shape_cast %div3A : vector<16xf32> to vector<16xf32>
      tpu.vector_store %arg26[%swap3A], %swap3A_540 {strides = array<i32>} : memref<4096xf32, #tpu.memory_space<vmem>>, vector<16xf32>,
      %scan3A_541 = arith.constant 0 : i32
      scf.yield %scan3A_541 : i32
    }
    %scan3A_198 = arith.constant 256 : i32
    %add3A_199 = arith.constant 4096 : i32
    %add3A_200 = arith.addi %mul3A_2, %add3A_199 : i32
    %dma_start3A_201 = tpu.memref_slice %arg6[%add3A_200] : memref<1048576xf32, #tpu.memory_space<hbm>> -> memref<4096xf32, #tpu.memory_space<hbm>>
    %dma_start3A_202 = tpu.memref_slice %arg6[%add3A_200] : memref<1048576xf32, #tpu.memory_space<hbm>> -> memref<4096xf32, #tpu.memory_space<hbm>>
    tpu.enqueue_dma source(%arg26 : memref<4096xf32, #tpu.memory_space<vmem>>) target(%dma_start3A_202 : memref<4096xf32, #tpu.memory_space<hbm>>) target_semaphore(%arg29 : memref<!tpu.dma_semaphore, #tpu.memory_space<semaphore_mem>>)
    %dma_wait3A_203 = tpu.memref_slice %arg2[%add3A_169] : memref<3145728xf32, #tpu.memory_space<hbm>> -> memref<4096xf32, #tpu.memory_space<hbm>>
    %dma_wait3A_204 = tpu.memref_slice %arg2[%add3A_169] : memref<3145728xf32, #tpu.memory_space<hbm>> -> memref<4096xf32, #tpu.memory_space<hbm>>
    tpu.wait_dma2 semaphore(%arg27 : memref<!tpu.dma_semaphore, #tpu.memory_space<semaphore_mem>>) src(%dma_wait3A_204 : memref<4096xf32, #tpu.memory_space<hbm>>) dst(%arg13 : memref<4096xf32, #tpu.memory_space<vmem>>)
    %dma_wait3A_205 = tpu.memref_slice %arg3[%add3A_173] : memref<3145728xf32, #tpu.memory_space<hbm>> -> memref<4096xf32, #tpu.memory_space<hbm>>
    %dma_wait3A_206 = tpu.memref_slice %arg3[%add3A_173] : memref<3145728xf32, #tpu.memory_space<hbm>> -> memref<4096xf32, #tpu.memory_space<hbm>>
    tpu.wait_dma2 semaphore(%arg27 : memref<!tpu.dma_semaphore, #tpu.memory_space<semaphore_mem>>) src(%dma_wait3A_206 : memref<4096xf32, #tpu.memory_space<hbm>>) dst(%arg16 : memref<4096xf32, #tpu.memory_space<vmem>>)
    %dma_wait3A_207 = tpu.memref_slice %arg2[%add3A_177] : memref<3145728xf32, #tpu.memory_space<hbm>> -> memref<4096xf32, #tpu.memory_space<hbm>>
    %dma_wait3A_208 = tpu.memref_slice %arg2[%add3A_177] : memref<3145728xf32, #tpu.memory_space<hbm>> -> memref<4096xf32, #tpu.memory_space<hbm>>
    tpu.wait_dma2 semaphore(%arg27 : memref<!tpu.dma_semaphore, #tpu.memory_space<semaphore_mem>>) src(%dma_wait3A_208 : memref<4096xf32, #tpu.memory_space<hbm>>) dst(%arg14 : memref<4096xf32, #tpu.memory_space<vmem>>)
    %dma_wait3A_209 = tpu.memref_slice %arg3[%add3A_181] : memref<3145728xf32, #tpu.memory_space<hbm>> -> memref<4096xf32, #tpu.memory_space<hbm>>
    %dma_wait3A_210 = tpu.memref_slice %arg3[%add3A_181] : memref<3145728xf32, #tpu.memory_space<hbm>> -> memref<4096xf32, #tpu.memory_space<hbm>>
    tpu.wait_dma2 semaphore(%arg27 : memref<!tpu.dma_semaphore, #tpu.memory_space<semaphore_mem>>) src(%dma_wait3A_210 : memref<4096xf32, #tpu.memory_space<hbm>>) dst(%arg17 : memref<4096xf32, #tpu.memory_space<vmem>>)
    %dma_wait3A_211 = tpu.memref_slice %arg2[%add3A_185] : memref<3145728xf32, #tpu.memory_space<hbm>> -> memref<4096xf32, #tpu.memory_space<hbm>>
    %dma_wait3A_212 = tpu.memref_slice %arg2[%add3A_185] : memref<3145728xf32, #tpu.memory_space<hbm>> -> memref<4096xf32, #tpu.memory_space<hbm>>
    tpu.wait_dma2 semaphore(%arg27 : memref<!tpu.dma_semaphore, #tpu.memory_space<semaphore_mem>>) src(%dma_wait3A_212 : memref<4096xf32, #tpu.memory_space<hbm>>) dst(%arg15 : memref<4096xf32, #tpu.memory_space<vmem>>)
    %dma_wait3A_213 = tpu.memref_slice %arg3[%add3A_189] : memref<3145728xf32, #tpu.memory_space<hbm>> -> memref<4096xf32, #tpu.memory_space<hbm>>
    %dma_wait3A_214 = tpu.memref_slice %arg3[%add3A_189] : memref<3145728xf32, #tpu.memory_space<hbm>> -> memref<4096xf32, #tpu.memory_space<hbm>>
    tpu.wait_dma2 semaphore(%arg27 : memref<!tpu.dma_semaphore, #tpu.memory_space<semaphore_mem>>) src(%dma_wait3A_214 : memref<4096xf32, #tpu.memory_space<hbm>>) dst(%arg18 : memref<4096xf32, #tpu.memory_space<vmem>>)
    %scan3A_215 = arith.constant 0 : i32
    %scan3A_216 = arith.constant 0 : i32
    %scan3A_217 = arith.constant 256 : i32
    %scan3A_218 = arith.addi %scan3A_216, %scan3A_217 : i32
    %scan3A_219 = arith.constant 1 : i32
    %scan3A_220 = scf.for %scan3A_528 = %scan3A_216 to %scan3A_218 step %scan3A_219 iter_args(%scan3A_529 = %scan3A_215) -> (i32)  : i32 {
      %mul3A_530 = arith.constant 16 : i32
      %mul3A_531 = arith.muli %scan3A_528, %mul3A_530 : i32
      %get3A = arith.index_cast %mul3A_531 : i32 to index
      %get3A_532 = tpu.vector_load %arg13[%get3A] {strides = array<i32>} : memref<4096xf32, #tpu.memory_space<vmem>>, vector<16xf32>,
      %get3A_533 = vector.shape_cast %get3A_532 : vector<16xf32> to vector<16xf32>
      %get3A_534 = arith.index_cast %mul3A_531 : i32 to index
      %get3A_535 = tpu.vector_load %arg14[%get3A_534] {strides = array<i32>} : memref<4096xf32, #tpu.memory_space<vmem>>, vector<16xf32>,
      %get3A_536 = vector.shape_cast %get3A_535 : vector<16xf32> to vector<16xf32>
      %get3A_537 = arith.index_cast %mul3A_531 : i32 to index
      %get3A_538 = tpu.vector_load %arg15[%get3A_537] {strides = array<i32>} : memref<4096xf32, #tpu.memory_space<vmem>>, vector<16xf32>,
      %get3A_539 = vector.shape_cast %get3A_538 : vector<16xf32> to vector<16xf32>
      %get3A_540 = arith.index_cast %mul3A_531 : i32 to index
      %get3A_541 = tpu.vector_load %arg16[%get3A_540] {strides = array<i32>} : memref<4096xf32, #tpu.memory_space<vmem>>, vector<16xf32>,
      %get3A_542 = vector.shape_cast %get3A_541 : vector<16xf32> to vector<16xf32>
      %get3A_543 = arith.index_cast %mul3A_531 : i32 to index
      %get3A_544 = tpu.vector_load %arg17[%get3A_543] {strides = array<i32>} : memref<4096xf32, #tpu.memory_space<vmem>>, vector<16xf32>,
      %get3A_545 = vector.shape_cast %get3A_544 : vector<16xf32> to vector<16xf32>
      %get3A_546 = arith.index_cast %mul3A_531 : i32 to index
      %get3A_547 = tpu.vector_load %arg18[%get3A_546] {strides = array<i32>} : memref<4096xf32, #tpu.memory_space<vmem>>, vector<16xf32>,
      %get3A_548 = vector.shape_cast %get3A_547 : vector<16xf32> to vector<16xf32>
      %abs3A = math.absf %get3A_542 : vector<16xf32>
      %abs3A_549 = math.absf %get3A_545 : vector<16xf32>
      %max3A = arith.maximumf %abs3A, %abs3A_549 : vector<16xf32>
      %abs3A_550 = math.absf %get3A_548 : vector<16xf32>
      %max3A_551 = arith.maximumf %max3A, %abs3A_550 : vector<16xf32>
      %div3A = arith.divf %get3A_542, %max3A_551 : vector<16xf32>
      %div3A_552 = arith.divf %get3A_545, %max3A_551 : vector<16xf32>
      %div3A_553 = arith.divf %get3A_548, %max3A_551 : vector<16xf32>
      %neg3A = arith.constant 0.000000e+00 : f32
      %neg3A_554 = arith.constant 1.000000e+00 : f32
      %neg3A_555 = arith.subf %neg3A, %neg3A_554 : f32
      %le3A = vector.broadcast %neg3A_555 : f32 to vector<16xf32>
      %le3A_556 = arith.cmpf ole, %div3A_553, %le3A : vector<16xf32>
      %ge3A = arith.constant 1.000000e+00 : f32
      %ge3A_557 = vector.broadcast %ge3A : f32 to vector<16xf32>
      %ge3A_558 = arith.cmpf oge, %div3A_553, %ge3A_557 : vector<16xf32>
      %neg3A_559 = arith.constant 0.000000e+00 : f32
      %neg3A_560 = arith.constant 1.000000e+00 : f32
      %neg3A_561 = arith.subf %neg3A_559, %neg3A_560 : f32
      %le3A_562 = vector.broadcast %neg3A_561 : f32 to vector<16xf32>
      %le3A_563 = arith.cmpf ole, %div3A_552, %le3A_562 : vector<16xf32>
      %ge3A_564 = arith.constant 1.000000e+00 : f32
      %ge3A_565 = vector.broadcast %ge3A_564 : f32 to vector<16xf32>
      %ge3A_566 = arith.cmpf oge, %div3A_552, %ge3A_565 : vector<16xf32>
      %neg3A_567 = arith.constant 0.000000e+00 : f32
      %neg3A_568 = arith.constant 1.000000e+00 : f32
      %neg3A_569 = arith.subf %neg3A_567, %neg3A_568 : f32
      %le3A_570 = vector.broadcast %neg3A_569 : f32 to vector<16xf32>
      %le3A_571 = arith.cmpf ole, %div3A, %le3A_570 : vector<16xf32>
      %jit3A = arith.constant 1 : i32
      %jit3A_572 = arith.constant 0 : i32
      %broadcast_in_dim3A = vector.broadcast %jit3A : i32 to vector<16xi32>
      %broadcast_in_dim3A_573 = vector.broadcast %jit3A_572 : i32 to vector<16xi32>
      %select_n3A = arith.select %le3A_571, %broadcast_in_dim3A, %broadcast_in_dim3A_573 : vector<16xi1>, vector<16xi32>
      %jit3A_574 = arith.constant 2 : i32
      %broadcast_in_dim3A_575 = vector.broadcast %jit3A_574 : i32 to vector<16xi32>
      %select_n3A_576 = arith.select %ge3A_566, %broadcast_in_dim3A_575, %select_n3A : vector<16xi1>, vector<16xi32>
      %jit3A_577 = arith.constant 3 : i32
      %broadcast_in_dim3A_578 = vector.broadcast %jit3A_577 : i32 to vector<16xi32>
      %select_n3A_579 = arith.select %le3A_563, %broadcast_in_dim3A_578, %select_n3A_576 : vector<16xi1>, vector<16xi32>
      %jit3A_580 = arith.constant 4 : i32
      %broadcast_in_dim3A_581 = vector.broadcast %jit3A_580 : i32 to vector<16xi32>
      %select_n3A_582 = arith.select %ge3A_558, %broadcast_in_dim3A_581, %select_n3A_579 : vector<16xi1>, vector<16xi32>
      %jit3A_583 = arith.constant 5 : i32
      %broadcast_in_dim3A_584 = vector.broadcast %jit3A_583 : i32 to vector<16xi32>
      %select_n3A_585 = arith.select %le3A_556, %broadcast_in_dim3A_584, %select_n3A_582 : vector<16xi1>, vector<16xi32>
      %div3A_586 = arith.constant 2.000000e+00 : f32
      %div3A_587 = vector.broadcast %div3A_586 : f32 to vector<16xf32>
      %div3A_588 = arith.divf %get3A_533, %div3A_587 : vector<16xf32>
      %add3A_589 = arith.constant 5.000000e-01 : f32
      %add3A_590 = vector.broadcast %add3A_589 : f32 to vector<16xf32>
      %add3A_591 = arith.addf %div3A_588, %add3A_590 : vector<16xf32>
      %mul3A_592 = arith.constant 1.270000e+02 : f32
      %mul3A_593 = vector.broadcast %mul3A_592 : f32 to vector<16xf32>
      %mul3A_594 = arith.mulf %add3A_591, %mul3A_593 : vector<16xf32>
      %max3A_595 = arith.constant 0.000000e+00 : f32
      %max3A_596 = vector.broadcast %max3A_595 : f32 to vector<16xf32>
      %max3A_597 = arith.maximumf %mul3A_594, %max3A_596 : vector<16xf32>
      %min3A = arith.constant 1.270000e+02 : f32
      %min3A_598 = vector.broadcast %min3A : f32 to vector<16xf32>
      %min3A_599 = arith.minimumf %max3A_597, %min3A_598 : vector<16xf32>
      %convert_element_type3A = arith.fptosi %min3A_599 : vector<16xf32> to vector<16xi32>
      %div3A_600 = arith.constant 2.000000e+00 : f32
      %div3A_601 = vector.broadcast %div3A_600 : f32 to vector<16xf32>
      %div3A_602 = arith.divf %get3A_536, %div3A_601 : vector<16xf32>
      %add3A_603 = arith.constant 5.000000e-01 : f32
      %add3A_604 = vector.broadcast %add3A_603 : f32 to vector<16xf32>
      %add3A_605 = arith.addf %div3A_602, %add3A_604 : vector<16xf32>
      %mul3A_606 = arith.constant 1.270000e+02 : f32
      %mul3A_607 = vector.broadcast %mul3A_606 : f32 to vector<16xf32>
      %mul3A_608 = arith.mulf %add3A_605, %mul3A_607 : vector<16xf32>
      %max3A_609 = arith.constant 0.000000e+00 : f32
      %max3A_610 = vector.broadcast %max3A_609 : f32 to vector<16xf32>
      %max3A_611 = arith.maximumf %mul3A_608, %max3A_610 : vector<16xf32>
      %min3A_612 = arith.constant 1.270000e+02 : f32
      %min3A_613 = vector.broadcast %min3A_612 : f32 to vector<16xf32>
      %min3A_614 = arith.minimumf %max3A_611, %min3A_613 : vector<16xf32>
      %convert_element_type3A_615 = arith.fptosi %min3A_614 : vector<16xf32> to vector<16xi32>
      %div3A_616 = arith.constant 2.000000e+00 : f32
      %div3A_617 = vector.broadcast %div3A_616 : f32 to vector<16xf32>
      %div3A_618 = arith.divf %get3A_539, %div3A_617 : vector<16xf32>
      %add3A_619 = arith.constant 5.000000e-01 : f32
      %add3A_620 = vector.broadcast %add3A_619 : f32 to vector<16xf32>
      %add3A_621 = arith.addf %div3A_618, %add3A_620 : vector<16xf32>
      %mul3A_622 = arith.constant 1.270000e+02 : f32
      %mul3A_623 = vector.broadcast %mul3A_622 : f32 to vector<16xf32>
      %mul3A_624 = arith.mulf %add3A_621, %mul3A_623 : vector<16xf32>
      %max3A_625 = arith.constant 0.000000e+00 : f32
      %max3A_626 = vector.broadcast %max3A_625 : f32 to vector<16xf32>
      %max3A_627 = arith.maximumf %mul3A_624, %max3A_626 : vector<16xf32>
      %min3A_628 = arith.constant 1.270000e+02 : f32
      %min3A_629 = vector.broadcast %min3A_628 : f32 to vector<16xf32>
      %min3A_630 = arith.minimumf %max3A_627, %min3A_629 : vector<16xf32>
      %convert_element_type3A_631 = arith.fptosi %min3A_630 : vector<16xf32> to vector<16xi32>
      %mul3A_632 = arith.constant 6 : i32
      %mul3A_633 = vector.broadcast %mul3A_632 : i32 to vector<16xi32>
      %mul3A_634 = arith.muli %convert_element_type3A, %mul3A_633 : vector<16xi32>
      %add3A_635 = arith.addi %mul3A_634, %select_n3A_585 : vector<16xi32>
      %mul3A_636 = arith.constant 16384 : i32
      %mul3A_637 = vector.broadcast %mul3A_636 : i32 to vector<16xi32>
      %mul3A_638 = arith.muli %add3A_635, %mul3A_637 : vector<16xi32>
      %mul3A_639 = arith.constant 128 : i32
      %mul3A_640 = vector.broadcast %mul3A_639 : i32 to vector<16xi32>
      %mul3A_641 = arith.muli %convert_element_type3A_615, %mul3A_640 : vector<16xi32>
      %add3A_642 = arith.addi %mul3A_638, %mul3A_641 : vector<16xi32>
      %add3A_643 = arith.addi %add3A_642, %convert_element_type3A_631 : vector<16xi32>
      %swap3A = arith.index_cast %mul3A_531 : i32 to index
      %swap3A_644 = tpu.vector_load %arg20[%swap3A] {strides = array<i32>} : memref<4096xi32, #tpu.memory_space<vmem>>, vector<16xi32>,
      %swap3A_645 = vector.shape_cast %swap3A_644 : vector<16xi32> to vector<16xi32>
      %swap3A_646 = vector.shape_cast %add3A_643 : vector<16xi32> to vector<16xi32>
      tpu.vector_store %arg20[%swap3A], %swap3A_646 {strides = array<i32>} : memref<4096xi32, #tpu.memory_space<vmem>>, vector<16xi32>,
      %scan3A_647 = arith.constant 0 : i32
      scf.yield %scan3A_647 : i32
    }
    %scan3A_221 = arith.constant 256 : i32
    %dma_wait3A_222 = arith.constant 0 : i32
    %dma_wait3A_223 = tpu.memref_slice %arg4[%dma_wait3A_222] : memref<12582912xi32, #tpu.memory_space<hbm>> -> memref<12582912xi32, #tpu.memory_space<hbm>>
    tpu.wait_indirect_dma semaphore(%arg28 : memref<!tpu.dma_semaphore, #tpu.memory_space<semaphore_mem>>) src(%dma_wait3A_223 : memref<12582912xi32, #tpu.memory_space<hbm>>) dst(%arg21 : memref<4096xi32, #tpu.memory_space<vmem>>)
    %dma_wait3A_224 = arith.constant 0 : i32
    %dma_wait3A_225 = tpu.memref_slice %arg5[%dma_wait3A_224] : memref<12582912xi32, #tpu.memory_space<hbm>> -> memref<12582912xi32, #tpu.memory_space<hbm>>
    tpu.wait_indirect_dma semaphore(%arg28 : memref<!tpu.dma_semaphore, #tpu.memory_space<semaphore_mem>>) src(%dma_wait3A_225 : memref<12582912xi32, #tpu.memory_space<hbm>>) dst(%arg22 : memref<4096xi32, #tpu.memory_space<vmem>>)
    %dma_start3A_226 = arith.constant 0 : i32
    %dma_start3A_227 = tpu.memref_slice %arg4[%dma_start3A_226] : memref<12582912xi32, #tpu.memory_space<hbm>> -> memref<12582912xi32, #tpu.memory_space<hbm>>
    tpu.enqueue_indirect_dma source(%dma_start3A_227 : memref<12582912xi32, #tpu.memory_space<hbm>>) target(%arg23 : memref<4096xi32, #tpu.memory_space<vmem>>) offsets(%arg20 : memref<4096xi32, #tpu.memory_space<vmem>>) semaphore(%arg28 : memref<!tpu.dma_semaphore, #tpu.memory_space<semaphore_mem>>)
    %dma_start3A_228 = arith.constant 0 : i32
    %dma_start3A_229 = tpu.memref_slice %arg5[%dma_start3A_228] : memref<12582912xi32, #tpu.memory_space<hbm>> -> memref<12582912xi32, #tpu.memory_space<hbm>>
    tpu.enqueue_indirect_dma source(%dma_start3A_229 : memref<12582912xi32, #tpu.memory_space<hbm>>) target(%arg24 : memref<4096xi32, #tpu.memory_space<vmem>>) offsets(%arg20 : memref<4096xi32, #tpu.memory_space<vmem>>) semaphore(%arg28 : memref<!tpu.dma_semaphore, #tpu.memory_space<semaphore_mem>>)
    %add3A_230 = arith.constant 16384 : i32
    %add3A_231 = arith.addi %mul3A_2, %add3A_230 : i32
    %add3A_232 = arith.constant 0 : i32
    %add3A_233 = arith.addi %add3A_232, %add3A_231 : i32
    %dma_start3A_234 = tpu.memref_slice %arg2[%add3A_233] : memref<3145728xf32, #tpu.memory_space<hbm>> -> memref<4096xf32, #tpu.memory_space<hbm>>
    %dma_start3A_235 = tpu.memref_slice %arg2[%add3A_233] : memref<3145728xf32, #tpu.memory_space<hbm>> -> memref<4096xf32, #tpu.memory_space<hbm>>
    tpu.enqueue_dma source(%dma_start3A_235 : memref<4096xf32, #tpu.memory_space<hbm>>) target(%arg7 : memref<4096xf32, #tpu.memory_space<vmem>>) target_semaphore(%arg27 : memref<!tpu.dma_semaphore, #tpu.memory_space<semaphore_mem>>)
    %add3A_236 = arith.constant 0 : i32
    %add3A_237 = arith.addi %add3A_236, %add3A_231 : i32
    %dma_start3A_238 = tpu.memref_slice %arg3[%add3A_237] : memref<3145728xf32, #tpu.memory_space<hbm>> -> memref<4096xf32, #tpu.memory_space<hbm>>
    %dma_start3A_239 = tpu.memref_slice %arg3[%add3A_237] : memref<3145728xf32, #tpu.memory_space<hbm>> -> memref<4096xf32, #tpu.memory_space<hbm>>
    tpu.enqueue_dma source(%dma_start3A_239 : memref<4096xf32, #tpu.memory_space<hbm>>) target(%arg10 : memref<4096xf32, #tpu.memory_space<vmem>>) target_semaphore(%arg27 : memref<!tpu.dma_semaphore, #tpu.memory_space<semaphore_mem>>)
    %add3A_240 = arith.constant 1048576 : i32
    %add3A_241 = arith.addi %add3A_240, %add3A_231 : i32
    %dma_start3A_242 = tpu.memref_slice %arg2[%add3A_241] : memref<3145728xf32, #tpu.memory_space<hbm>> -> memref<4096xf32, #tpu.memory_space<hbm>>
    %dma_start3A_243 = tpu.memref_slice %arg2[%add3A_241] : memref<3145728xf32, #tpu.memory_space<hbm>> -> memref<4096xf32, #tpu.memory_space<hbm>>
    tpu.enqueue_dma source(%dma_start3A_243 : memref<4096xf32, #tpu.memory_space<hbm>>) target(%arg8 : memref<4096xf32, #tpu.memory_space<vmem>>) target_semaphore(%arg27 : memref<!tpu.dma_semaphore, #tpu.memory_space<semaphore_mem>>)
    %add3A_244 = arith.constant 1048576 : i32
    %add3A_245 = arith.addi %add3A_244, %add3A_231 : i32
    %dma_start3A_246 = tpu.memref_slice %arg3[%add3A_245] : memref<3145728xf32, #tpu.memory_space<hbm>> -> memref<4096xf32, #tpu.memory_space<hbm>>
    %dma_start3A_247 = tpu.memref_slice %arg3[%add3A_245] : memref<3145728xf32, #tpu.memory_space<hbm>> -> memref<4096xf32, #tpu.memory_space<hbm>>
    tpu.enqueue_dma source(%dma_start3A_247 : memref<4096xf32, #tpu.memory_space<hbm>>) target(%arg11 : memref<4096xf32, #tpu.memory_space<vmem>>) target_semaphore(%arg27 : memref<!tpu.dma_semaphore, #tpu.memory_space<semaphore_mem>>)
    %add3A_248 = arith.constant 2097152 : i32
    %add3A_249 = arith.addi %add3A_248, %add3A_231 : i32
    %dma_start3A_250 = tpu.memref_slice %arg2[%add3A_249] : memref<3145728xf32, #tpu.memory_space<hbm>> -> memref<4096xf32, #tpu.memory_space<hbm>>
    %dma_start3A_251 = tpu.memref_slice %arg2[%add3A_249] : memref<3145728xf32, #tpu.memory_space<hbm>> -> memref<4096xf32, #tpu.memory_space<hbm>>
    tpu.enqueue_dma source(%dma_start3A_251 : memref<4096xf32, #tpu.memory_space<hbm>>) target(%arg9 : memref<4096xf32, #tpu.memory_space<vmem>>) target_semaphore(%arg27 : memref<!tpu.dma_semaphore, #tpu.memory_space<semaphore_mem>>)
    %add3A_252 = arith.constant 2097152 : i32
    %add3A_253 = arith.addi %add3A_252, %add3A_231 : i32
    %dma_start3A_254 = tpu.memref_slice %arg3[%add3A_253] : memref<3145728xf32, #tpu.memory_space<hbm>> -> memref<4096xf32, #tpu.memory_space<hbm>>
    %dma_start3A_255 = tpu.memref_slice %arg3[%add3A_253] : memref<3145728xf32, #tpu.memory_space<hbm>> -> memref<4096xf32, #tpu.memory_space<hbm>>
    tpu.enqueue_dma source(%dma_start3A_255 : memref<4096xf32, #tpu.memory_space<hbm>>) target(%arg12 : memref<4096xf32, #tpu.memory_space<vmem>>) target_semaphore(%arg27 : memref<!tpu.dma_semaphore, #tpu.memory_space<semaphore_mem>>)
    %dma_wait3A_256 = tpu.memref_slice %arg6[%add3A_136] : memref<1048576xf32, #tpu.memory_space<hbm>> -> memref<4096xf32, #tpu.memory_space<hbm>>
    %dma_wait3A_257 = tpu.memref_slice %arg6[%add3A_136] : memref<1048576xf32, #tpu.memory_space<hbm>> -> memref<4096xf32, #tpu.memory_space<hbm>>
    tpu.wait_dma2 semaphore(%arg29 : memref<!tpu.dma_semaphore, #tpu.memory_space<semaphore_mem>>) src(%arg25 : memref<4096xf32, #tpu.memory_space<vmem>>) dst(%dma_wait3A_257 : memref<4096xf32, #tpu.memory_space<hbm>>)
    %scan3A_258 = arith.constant 0 : i32
    %scan3A_259 = arith.constant 0 : i32
    %scan3A_260 = arith.constant 256 : i32
    %scan3A_261 = arith.addi %scan3A_259, %scan3A_260 : i32
    %scan3A_262 = arith.constant 1 : i32
    %scan3A_263 = scf.for %scan3A_528 = %scan3A_259 to %scan3A_261 step %scan3A_262 iter_args(%scan3A_529 = %scan3A_258) -> (i32)  : i32 {
      %mul3A_530 = arith.constant 16 : i32
      %mul3A_531 = arith.muli %scan3A_528, %mul3A_530 : i32
      %get3A = arith.index_cast %mul3A_531 : i32 to index
      %get3A_532 = tpu.vector_load %arg21[%get3A] {strides = array<i32>} : memref<4096xi32, #tpu.memory_space<vmem>>, vector<16xi32>,
      %get3A_533 = vector.shape_cast %get3A_532 : vector<16xi32> to vector<16xi32>
      %convert_element_type3A = arith.sitofp %get3A_533 : vector<16xi32> to vector<16xf32>
      %get3A_534 = arith.index_cast %mul3A_531 : i32 to index
      %get3A_535 = tpu.vector_load %arg22[%get3A_534] {strides = array<i32>} : memref<4096xi32, #tpu.memory_space<vmem>>, vector<16xi32>,
      %get3A_536 = vector.shape_cast %get3A_535 : vector<16xi32> to vector<16xi32>
      %convert_element_type3A_537 = arith.sitofp %get3A_536 : vector<16xi32> to vector<16xf32>
      %div3A = arith.divf %convert_element_type3A, %convert_element_type3A_537 : vector<16xf32>
      %swap3A = arith.index_cast %mul3A_531 : i32 to index
      %swap3A_538 = tpu.vector_load %arg25[%swap3A] {strides = array<i32>} : memref<4096xf32, #tpu.memory_space<vmem>>, vector<16xf32>,
      %swap3A_539 = vector.shape_cast %swap3A_538 : vector<16xf32> to vector<16xf32>
      %swap3A_540 = vector.shape_cast %div3A : vector<16xf32> to vector<16xf32>
      tpu.vector_store %arg25[%swap3A], %swap3A_540 {strides = array<i32>} : memref<4096xf32, #tpu.memory_space<vmem>>, vector<16xf32>,
      %scan3A_541 = arith.constant 0 : i32
      scf.yield %scan3A_541 : i32
    }
    %scan3A_264 = arith.constant 256 : i32
    %add3A_265 = arith.constant 8192 : i32
    %add3A_266 = arith.addi %mul3A_2, %add3A_265 : i32
    %dma_start3A_267 = tpu.memref_slice %arg6[%add3A_266] : memref<1048576xf32, #tpu.memory_space<hbm>> -> memref<4096xf32, #tpu.memory_space<hbm>>
    %dma_start3A_268 = tpu.memref_slice %arg6[%add3A_266] : memref<1048576xf32, #tpu.memory_space<hbm>> -> memref<4096xf32, #tpu.memory_space<hbm>>
    tpu.enqueue_dma source(%arg25 : memref<4096xf32, #tpu.memory_space<vmem>>) target(%dma_start3A_268 : memref<4096xf32, #tpu.memory_space<hbm>>) target_semaphore(%arg29 : memref<!tpu.dma_semaphore, #tpu.memory_space<semaphore_mem>>)
    %dma_wait3A_269 = tpu.memref_slice %arg2[%add3A_233] : memref<3145728xf32, #tpu.memory_space<hbm>> -> memref<4096xf32, #tpu.memory_space<hbm>>
    %dma_wait3A_270 = tpu.memref_slice %arg2[%add3A_233] : memref<3145728xf32, #tpu.memory_space<hbm>> -> memref<4096xf32, #tpu.memory_space<hbm>>
    tpu.wait_dma2 semaphore(%arg27 : memref<!tpu.dma_semaphore, #tpu.memory_space<semaphore_mem>>) src(%dma_wait3A_270 : memref<4096xf32, #tpu.memory_space<hbm>>) dst(%arg7 : memref<4096xf32, #tpu.memory_space<vmem>>)
    %dma_wait3A_271 = tpu.memref_slice %arg3[%add3A_237] : memref<3145728xf32, #tpu.memory_space<hbm>> -> memref<4096xf32, #tpu.memory_space<hbm>>
    %dma_wait3A_272 = tpu.memref_slice %arg3[%add3A_237] : memref<3145728xf32, #tpu.memory_space<hbm>> -> memref<4096xf32, #tpu.memory_space<hbm>>
    tpu.wait_dma2 semaphore(%arg27 : memref<!tpu.dma_semaphore, #tpu.memory_space<semaphore_mem>>) src(%dma_wait3A_272 : memref<4096xf32, #tpu.memory_space<hbm>>) dst(%arg10 : memref<4096xf32, #tpu.memory_space<vmem>>)
    %dma_wait3A_273 = tpu.memref_slice %arg2[%add3A_241] : memref<3145728xf32, #tpu.memory_space<hbm>> -> memref<4096xf32, #tpu.memory_space<hbm>>
    %dma_wait3A_274 = tpu.memref_slice %arg2[%add3A_241] : memref<3145728xf32, #tpu.memory_space<hbm>> -> memref<4096xf32, #tpu.memory_space<hbm>>
    tpu.wait_dma2 semaphore(%arg27 : memref<!tpu.dma_semaphore, #tpu.memory_space<semaphore_mem>>) src(%dma_wait3A_274 : memref<4096xf32, #tpu.memory_space<hbm>>) dst(%arg8 : memref<4096xf32, #tpu.memory_space<vmem>>)
    %dma_wait3A_275 = tpu.memref_slice %arg3[%add3A_245] : memref<3145728xf32, #tpu.memory_space<hbm>> -> memref<4096xf32, #tpu.memory_space<hbm>>
    %dma_wait3A_276 = tpu.memref_slice %arg3[%add3A_245] : memref<3145728xf32, #tpu.memory_space<hbm>> -> memref<4096xf32, #tpu.memory_space<hbm>>
    tpu.wait_dma2 semaphore(%arg27 : memref<!tpu.dma_semaphore, #tpu.memory_space<semaphore_mem>>) src(%dma_wait3A_276 : memref<4096xf32, #tpu.memory_space<hbm>>) dst(%arg11 : memref<4096xf32, #tpu.memory_space<vmem>>)
    %dma_wait3A_277 = tpu.memref_slice %arg2[%add3A_249] : memref<3145728xf32, #tpu.memory_space<hbm>> -> memref<4096xf32, #tpu.memory_space<hbm>>
    %dma_wait3A_278 = tpu.memref_slice %arg2[%add3A_249] : memref<3145728xf32, #tpu.memory_space<hbm>> -> memref<4096xf32, #tpu.memory_space<hbm>>
    tpu.wait_dma2 semaphore(%arg27 : memref<!tpu.dma_semaphore, #tpu.memory_space<semaphore_mem>>) src(%dma_wait3A_278 : memref<4096xf32, #tpu.memory_space<hbm>>) dst(%arg9 : memref<4096xf32, #tpu.memory_space<vmem>>)
    %dma_wait3A_279 = tpu.memref_slice %arg3[%add3A_253] : memref<3145728xf32, #tpu.memory_space<hbm>> -> memref<4096xf32, #tpu.memory_space<hbm>>
    %dma_wait3A_280 = tpu.memref_slice %arg3[%add3A_253] : memref<3145728xf32, #tpu.memory_space<hbm>> -> memref<4096xf32, #tpu.memory_space<hbm>>
    tpu.wait_dma2 semaphore(%arg27 : memref<!tpu.dma_semaphore, #tpu.memory_space<semaphore_mem>>) src(%dma_wait3A_280 : memref<4096xf32, #tpu.memory_space<hbm>>) dst(%arg12 : memref<4096xf32, #tpu.memory_space<vmem>>)
    %scan3A_281 = arith.constant 0 : i32
    %scan3A_282 = arith.constant 0 : i32
    %scan3A_283 = arith.constant 256 : i32
    %scan3A_284 = arith.addi %scan3A_282, %scan3A_283 : i32
    %scan3A_285 = arith.constant 1 : i32
    %scan3A_286 = scf.for %scan3A_528 = %scan3A_282 to %scan3A_284 step %scan3A_285 iter_args(%scan3A_529 = %scan3A_281) -> (i32)  : i32 {
      %mul3A_530 = arith.constant 16 : i32
      %mul3A_531 = arith.muli %scan3A_528, %mul3A_530 : i32
      %get3A = arith.index_cast %mul3A_531 : i32 to index
      %get3A_532 = tpu.vector_load %arg7[%get3A] {strides = array<i32>} : memref<4096xf32, #tpu.memory_space<vmem>>, vector<16xf32>,
      %get3A_533 = vector.shape_cast %get3A_532 : vector<16xf32> to vector<16xf32>
      %get3A_534 = arith.index_cast %mul3A_531 : i32 to index
      %get3A_535 = tpu.vector_load %arg8[%get3A_534] {strides = array<i32>} : memref<4096xf32, #tpu.memory_space<vmem>>, vector<16xf32>,
      %get3A_536 = vector.shape_cast %get3A_535 : vector<16xf32> to vector<16xf32>
      %get3A_537 = arith.index_cast %mul3A_531 : i32 to index
      %get3A_538 = tpu.vector_load %arg9[%get3A_537] {strides = array<i32>} : memref<4096xf32, #tpu.memory_space<vmem>>, vector<16xf32>,
      %get3A_539 = vector.shape_cast %get3A_538 : vector<16xf32> to vector<16xf32>
      %get3A_540 = arith.index_cast %mul3A_531 : i32 to index
      %get3A_541 = tpu.vector_load %arg10[%get3A_540] {strides = array<i32>} : memref<4096xf32, #tpu.memory_space<vmem>>, vector<16xf32>,
      %get3A_542 = vector.shape_cast %get3A_541 : vector<16xf32> to vector<16xf32>
      %get3A_543 = arith.index_cast %mul3A_531 : i32 to index
      %get3A_544 = tpu.vector_load %arg11[%get3A_543] {strides = array<i32>} : memref<4096xf32, #tpu.memory_space<vmem>>, vector<16xf32>,
      %get3A_545 = vector.shape_cast %get3A_544 : vector<16xf32> to vector<16xf32>
      %get3A_546 = arith.index_cast %mul3A_531 : i32 to index
      %get3A_547 = tpu.vector_load %arg12[%get3A_546] {strides = array<i32>} : memref<4096xf32, #tpu.memory_space<vmem>>, vector<16xf32>,
      %get3A_548 = vector.shape_cast %get3A_547 : vector<16xf32> to vector<16xf32>
      %abs3A = math.absf %get3A_542 : vector<16xf32>
      %abs3A_549 = math.absf %get3A_545 : vector<16xf32>
      %max3A = arith.maximumf %abs3A, %abs3A_549 : vector<16xf32>
      %abs3A_550 = math.absf %get3A_548 : vector<16xf32>
      %max3A_551 = arith.maximumf %max3A, %abs3A_550 : vector<16xf32>
      %div3A = arith.divf %get3A_542, %max3A_551 : vector<16xf32>
      %div3A_552 = arith.divf %get3A_545, %max3A_551 : vector<16xf32>
      %div3A_553 = arith.divf %get3A_548, %max3A_551 : vector<16xf32>
      %neg3A = arith.constant 0.000000e+00 : f32
      %neg3A_554 = arith.constant 1.000000e+00 : f32
      %neg3A_555 = arith.subf %neg3A, %neg3A_554 : f32
      %le3A = vector.broadcast %neg3A_555 : f32 to vector<16xf32>
      %le3A_556 = arith.cmpf ole, %div3A_553, %le3A : vector<16xf32>
      %ge3A = arith.constant 1.000000e+00 : f32
      %ge3A_557 = vector.broadcast %ge3A : f32 to vector<16xf32>
      %ge3A_558 = arith.cmpf oge, %div3A_553, %ge3A_557 : vector<16xf32>
      %neg3A_559 = arith.constant 0.000000e+00 : f32
      %neg3A_560 = arith.constant 1.000000e+00 : f32
      %neg3A_561 = arith.subf %neg3A_559, %neg3A_560 : f32
      %le3A_562 = vector.broadcast %neg3A_561 : f32 to vector<16xf32>
      %le3A_563 = arith.cmpf ole, %div3A_552, %le3A_562 : vector<16xf32>
      %ge3A_564 = arith.constant 1.000000e+00 : f32
      %ge3A_565 = vector.broadcast %ge3A_564 : f32 to vector<16xf32>
      %ge3A_566 = arith.cmpf oge, %div3A_552, %ge3A_565 : vector<16xf32>
      %neg3A_567 = arith.constant 0.000000e+00 : f32
      %neg3A_568 = arith.constant 1.000000e+00 : f32
      %neg3A_569 = arith.subf %neg3A_567, %neg3A_568 : f32
      %le3A_570 = vector.broadcast %neg3A_569 : f32 to vector<16xf32>
      %le3A_571 = arith.cmpf ole, %div3A, %le3A_570 : vector<16xf32>
      %jit3A = arith.constant 1 : i32
      %jit3A_572 = arith.constant 0 : i32
      %broadcast_in_dim3A = vector.broadcast %jit3A : i32 to vector<16xi32>
      %broadcast_in_dim3A_573 = vector.broadcast %jit3A_572 : i32 to vector<16xi32>
      %select_n3A = arith.select %le3A_571, %broadcast_in_dim3A, %broadcast_in_dim3A_573 : vector<16xi1>, vector<16xi32>
      %jit3A_574 = arith.constant 2 : i32
      %broadcast_in_dim3A_575 = vector.broadcast %jit3A_574 : i32 to vector<16xi32>
      %select_n3A_576 = arith.select %ge3A_566, %broadcast_in_dim3A_575, %select_n3A : vector<16xi1>, vector<16xi32>
      %jit3A_577 = arith.constant 3 : i32
      %broadcast_in_dim3A_578 = vector.broadcast %jit3A_577 : i32 to vector<16xi32>
      %select_n3A_579 = arith.select %le3A_563, %broadcast_in_dim3A_578, %select_n3A_576 : vector<16xi1>, vector<16xi32>
      %jit3A_580 = arith.constant 4 : i32
      %broadcast_in_dim3A_581 = vector.broadcast %jit3A_580 : i32 to vector<16xi32>
      %select_n3A_582 = arith.select %ge3A_558, %broadcast_in_dim3A_581, %select_n3A_579 : vector<16xi1>, vector<16xi32>
      %jit3A_583 = arith.constant 5 : i32
      %broadcast_in_dim3A_584 = vector.broadcast %jit3A_583 : i32 to vector<16xi32>
      %select_n3A_585 = arith.select %le3A_556, %broadcast_in_dim3A_584, %select_n3A_582 : vector<16xi1>, vector<16xi32>
      %div3A_586 = arith.constant 2.000000e+00 : f32
      %div3A_587 = vector.broadcast %div3A_586 : f32 to vector<16xf32>
      %div3A_588 = arith.divf %get3A_533, %div3A_587 : vector<16xf32>
      %add3A_589 = arith.constant 5.000000e-01 : f32
      %add3A_590 = vector.broadcast %add3A_589 : f32 to vector<16xf32>
      %add3A_591 = arith.addf %div3A_588, %add3A_590 : vector<16xf32>
      %mul3A_592 = arith.constant 1.270000e+02 : f32
      %mul3A_593 = vector.broadcast %mul3A_592 : f32 to vector<16xf32>
      %mul3A_594 = arith.mulf %add3A_591, %mul3A_593 : vector<16xf32>
      %max3A_595 = arith.constant 0.000000e+00 : f32
      %max3A_596 = vector.broadcast %max3A_595 : f32 to vector<16xf32>
      %max3A_597 = arith.maximumf %mul3A_594, %max3A_596 : vector<16xf32>
      %min3A = arith.constant 1.270000e+02 : f32
      %min3A_598 = vector.broadcast %min3A : f32 to vector<16xf32>
      %min3A_599 = arith.minimumf %max3A_597, %min3A_598 : vector<16xf32>
      %convert_element_type3A = arith.fptosi %min3A_599 : vector<16xf32> to vector<16xi32>
      %div3A_600 = arith.constant 2.000000e+00 : f32
      %div3A_601 = vector.broadcast %div3A_600 : f32 to vector<16xf32>
      %div3A_602 = arith.divf %get3A_536, %div3A_601 : vector<16xf32>
      %add3A_603 = arith.constant 5.000000e-01 : f32
      %add3A_604 = vector.broadcast %add3A_603 : f32 to vector<16xf32>
      %add3A_605 = arith.addf %div3A_602, %add3A_604 : vector<16xf32>
      %mul3A_606 = arith.constant 1.270000e+02 : f32
      %mul3A_607 = vector.broadcast %mul3A_606 : f32 to vector<16xf32>
      %mul3A_608 = arith.mulf %add3A_605, %mul3A_607 : vector<16xf32>
      %max3A_609 = arith.constant 0.000000e+00 : f32
      %max3A_610 = vector.broadcast %max3A_609 : f32 to vector<16xf32>
      %max3A_611 = arith.maximumf %mul3A_608, %max3A_610 : vector<16xf32>
      %min3A_612 = arith.constant 1.270000e+02 : f32
      %min3A_613 = vector.broadcast %min3A_612 : f32 to vector<16xf32>
      %min3A_614 = arith.minimumf %max3A_611, %min3A_613 : vector<16xf32>
      %convert_element_type3A_615 = arith.fptosi %min3A_614 : vector<16xf32> to vector<16xi32>
      %div3A_616 = arith.constant 2.000000e+00 : f32
      %div3A_617 = vector.broadcast %div3A_616 : f32 to vector<16xf32>
      %div3A_618 = arith.divf %get3A_539, %div3A_617 : vector<16xf32>
      %add3A_619 = arith.constant 5.000000e-01 : f32
      %add3A_620 = vector.broadcast %add3A_619 : f32 to vector<16xf32>
      %add3A_621 = arith.addf %div3A_618, %add3A_620 : vector<16xf32>
      %mul3A_622 = arith.constant 1.270000e+02 : f32
      %mul3A_623 = vector.broadcast %mul3A_622 : f32 to vector<16xf32>
      %mul3A_624 = arith.mulf %add3A_621, %mul3A_623 : vector<16xf32>
      %max3A_625 = arith.constant 0.000000e+00 : f32
      %max3A_626 = vector.broadcast %max3A_625 : f32 to vector<16xf32>
      %max3A_627 = arith.maximumf %mul3A_624, %max3A_626 : vector<16xf32>
      %min3A_628 = arith.constant 1.270000e+02 : f32
      %min3A_629 = vector.broadcast %min3A_628 : f32 to vector<16xf32>
      %min3A_630 = arith.minimumf %max3A_627, %min3A_629 : vector<16xf32>
      %convert_element_type3A_631 = arith.fptosi %min3A_630 : vector<16xf32> to vector<16xi32>
      %mul3A_632 = arith.constant 6 : i32
      %mul3A_633 = vector.broadcast %mul3A_632 : i32 to vector<16xi32>
      %mul3A_634 = arith.muli %convert_element_type3A, %mul3A_633 : vector<16xi32>
      %add3A_635 = arith.addi %mul3A_634, %select_n3A_585 : vector<16xi32>
      %mul3A_636 = arith.constant 16384 : i32
      %mul3A_637 = vector.broadcast %mul3A_636 : i32 to vector<16xi32>
      %mul3A_638 = arith.muli %add3A_635, %mul3A_637 : vector<16xi32>
      %mul3A_639 = arith.constant 128 : i32
      %mul3A_640 = vector.broadcast %mul3A_639 : i32 to vector<16xi32>
      %mul3A_641 = arith.muli %convert_element_type3A_615, %mul3A_640 : vector<16xi32>
      %add3A_642 = arith.addi %mul3A_638, %mul3A_641 : vector<16xi32>
      %add3A_643 = arith.addi %add3A_642, %convert_element_type3A_631 : vector<16xi32>
      %swap3A = arith.index_cast %mul3A_531 : i32 to index
      %swap3A_644 = tpu.vector_load %arg19[%swap3A] {strides = array<i32>} : memref<4096xi32, #tpu.memory_space<vmem>>, vector<16xi32>,
      %swap3A_645 = vector.shape_cast %swap3A_644 : vector<16xi32> to vector<16xi32>
      %swap3A_646 = vector.shape_cast %add3A_643 : vector<16xi32> to vector<16xi32>
      tpu.vector_store %arg19[%swap3A], %swap3A_646 {strides = array<i32>} : memref<4096xi32, #tpu.memory_space<vmem>>, vector<16xi32>,
      %scan3A_647 = arith.constant 0 : i32
      scf.yield %scan3A_647 : i32
    }
    %scan3A_287 = arith.constant 256 : i32
    %dma_wait3A_288 = arith.constant 0 : i32
    %dma_wait3A_289 = tpu.memref_slice %arg4[%dma_wait3A_288] : memref<12582912xi32, #tpu.memory_space<hbm>> -> memref<12582912xi32, #tpu.memory_space<hbm>>
    tpu.wait_indirect_dma semaphore(%arg28 : memref<!tpu.dma_semaphore, #tpu.memory_space<semaphore_mem>>) src(%dma_wait3A_289 : memref<12582912xi32, #tpu.memory_space<hbm>>) dst(%arg23 : memref<4096xi32, #tpu.memory_space<vmem>>)
    %dma_wait3A_290 = arith.constant 0 : i32
    %dma_wait3A_291 = tpu.memref_slice %arg5[%dma_wait3A_290] : memref<12582912xi32, #tpu.memory_space<hbm>> -> memref<12582912xi32, #tpu.memory_space<hbm>>
    tpu.wait_indirect_dma semaphore(%arg28 : memref<!tpu.dma_semaphore, #tpu.memory_space<semaphore_mem>>) src(%dma_wait3A_291 : memref<12582912xi32, #tpu.memory_space<hbm>>) dst(%arg24 : memref<4096xi32, #tpu.memory_space<vmem>>)
    %dma_start3A_292 = arith.constant 0 : i32
    %dma_start3A_293 = tpu.memref_slice %arg4[%dma_start3A_292] : memref<12582912xi32, #tpu.memory_space<hbm>> -> memref<12582912xi32, #tpu.memory_space<hbm>>
    tpu.enqueue_indirect_dma source(%dma_start3A_293 : memref<12582912xi32, #tpu.memory_space<hbm>>) target(%arg21 : memref<4096xi32, #tpu.memory_space<vmem>>) offsets(%arg19 : memref<4096xi32, #tpu.memory_space<vmem>>) semaphore(%arg28 : memref<!tpu.dma_semaphore, #tpu.memory_space<semaphore_mem>>)
    %dma_start3A_294 = arith.constant 0 : i32
    %dma_start3A_295 = tpu.memref_slice %arg5[%dma_start3A_294] : memref<12582912xi32, #tpu.memory_space<hbm>> -> memref<12582912xi32, #tpu.memory_space<hbm>>
    tpu.enqueue_indirect_dma source(%dma_start3A_295 : memref<12582912xi32, #tpu.memory_space<hbm>>) target(%arg22 : memref<4096xi32, #tpu.memory_space<vmem>>) offsets(%arg19 : memref<4096xi32, #tpu.memory_space<vmem>>) semaphore(%arg28 : memref<!tpu.dma_semaphore, #tpu.memory_space<semaphore_mem>>)
    %add3A_296 = arith.constant 20480 : i32
    %add3A_297 = arith.addi %mul3A_2, %add3A_296 : i32
    %add3A_298 = arith.constant 0 : i32
    %add3A_299 = arith.addi %add3A_298, %add3A_297 : i32
    %dma_start3A_300 = tpu.memref_slice %arg2[%add3A_299] : memref<3145728xf32, #tpu.memory_space<hbm>> -> memref<4096xf32, #tpu.memory_space<hbm>>
    %dma_start3A_301 = tpu.memref_slice %arg2[%add3A_299] : memref<3145728xf32, #tpu.memory_space<hbm>> -> memref<4096xf32, #tpu.memory_space<hbm>>
    tpu.enqueue_dma source(%dma_start3A_301 : memref<4096xf32, #tpu.memory_space<hbm>>) target(%arg13 : memref<4096xf32, #tpu.memory_space<vmem>>) target_semaphore(%arg27 : memref<!tpu.dma_semaphore, #tpu.memory_space<semaphore_mem>>)
    %add3A_302 = arith.constant 0 : i32
    %add3A_303 = arith.addi %add3A_302, %add3A_297 : i32
    %dma_start3A_304 = tpu.memref_slice %arg3[%add3A_303] : memref<3145728xf32, #tpu.memory_space<hbm>> -> memref<4096xf32, #tpu.memory_space<hbm>>
    %dma_start3A_305 = tpu.memref_slice %arg3[%add3A_303] : memref<3145728xf32, #tpu.memory_space<hbm>> -> memref<4096xf32, #tpu.memory_space<hbm>>
    tpu.enqueue_dma source(%dma_start3A_305 : memref<4096xf32, #tpu.memory_space<hbm>>) target(%arg16 : memref<4096xf32, #tpu.memory_space<vmem>>) target_semaphore(%arg27 : memref<!tpu.dma_semaphore, #tpu.memory_space<semaphore_mem>>)
    %add3A_306 = arith.constant 1048576 : i32
    %add3A_307 = arith.addi %add3A_306, %add3A_297 : i32
    %dma_start3A_308 = tpu.memref_slice %arg2[%add3A_307] : memref<3145728xf32, #tpu.memory_space<hbm>> -> memref<4096xf32, #tpu.memory_space<hbm>>
    %dma_start3A_309 = tpu.memref_slice %arg2[%add3A_307] : memref<3145728xf32, #tpu.memory_space<hbm>> -> memref<4096xf32, #tpu.memory_space<hbm>>
    tpu.enqueue_dma source(%dma_start3A_309 : memref<4096xf32, #tpu.memory_space<hbm>>) target(%arg14 : memref<4096xf32, #tpu.memory_space<vmem>>) target_semaphore(%arg27 : memref<!tpu.dma_semaphore, #tpu.memory_space<semaphore_mem>>)
    %add3A_310 = arith.constant 1048576 : i32
    %add3A_311 = arith.addi %add3A_310, %add3A_297 : i32
    %dma_start3A_312 = tpu.memref_slice %arg3[%add3A_311] : memref<3145728xf32, #tpu.memory_space<hbm>> -> memref<4096xf32, #tpu.memory_space<hbm>>
    %dma_start3A_313 = tpu.memref_slice %arg3[%add3A_311] : memref<3145728xf32, #tpu.memory_space<hbm>> -> memref<4096xf32, #tpu.memory_space<hbm>>
    tpu.enqueue_dma source(%dma_start3A_313 : memref<4096xf32, #tpu.memory_space<hbm>>) target(%arg17 : memref<4096xf32, #tpu.memory_space<vmem>>) target_semaphore(%arg27 : memref<!tpu.dma_semaphore, #tpu.memory_space<semaphore_mem>>)
    %add3A_314 = arith.constant 2097152 : i32
    %add3A_315 = arith.addi %add3A_314, %add3A_297 : i32
    %dma_start3A_316 = tpu.memref_slice %arg2[%add3A_315] : memref<3145728xf32, #tpu.memory_space<hbm>> -> memref<4096xf32, #tpu.memory_space<hbm>>
    %dma_start3A_317 = tpu.memref_slice %arg2[%add3A_315] : memref<3145728xf32, #tpu.memory_space<hbm>> -> memref<4096xf32, #tpu.memory_space<hbm>>
    tpu.enqueue_dma source(%dma_start3A_317 : memref<4096xf32, #tpu.memory_space<hbm>>) target(%arg15 : memref<4096xf32, #tpu.memory_space<vmem>>) target_semaphore(%arg27 : memref<!tpu.dma_semaphore, #tpu.memory_space<semaphore_mem>>)
    %add3A_318 = arith.constant 2097152 : i32
    %add3A_319 = arith.addi %add3A_318, %add3A_297 : i32
    %dma_start3A_320 = tpu.memref_slice %arg3[%add3A_319] : memref<3145728xf32, #tpu.memory_space<hbm>> -> memref<4096xf32, #tpu.memory_space<hbm>>
    %dma_start3A_321 = tpu.memref_slice %arg3[%add3A_319] : memref<3145728xf32, #tpu.memory_space<hbm>> -> memref<4096xf32, #tpu.memory_space<hbm>>
    tpu.enqueue_dma source(%dma_start3A_321 : memref<4096xf32, #tpu.memory_space<hbm>>) target(%arg18 : memref<4096xf32, #tpu.memory_space<vmem>>) target_semaphore(%arg27 : memref<!tpu.dma_semaphore, #tpu.memory_space<semaphore_mem>>)
    %dma_wait3A_322 = tpu.memref_slice %arg6[%add3A_200] : memref<1048576xf32, #tpu.memory_space<hbm>> -> memref<4096xf32, #tpu.memory_space<hbm>>
    %dma_wait3A_323 = tpu.memref_slice %arg6[%add3A_200] : memref<1048576xf32, #tpu.memory_space<hbm>> -> memref<4096xf32, #tpu.memory_space<hbm>>
    tpu.wait_dma2 semaphore(%arg29 : memref<!tpu.dma_semaphore, #tpu.memory_space<semaphore_mem>>) src(%arg26 : memref<4096xf32, #tpu.memory_space<vmem>>) dst(%dma_wait3A_323 : memref<4096xf32, #tpu.memory_space<hbm>>)
    %scan3A_324 = arith.constant 0 : i32
    %scan3A_325 = arith.constant 0 : i32
    %scan3A_326 = arith.constant 256 : i32
    %scan3A_327 = arith.addi %scan3A_325, %scan3A_326 : i32
    %scan3A_328 = arith.constant 1 : i32
    %scan3A_329 = scf.for %scan3A_528 = %scan3A_325 to %scan3A_327 step %scan3A_328 iter_args(%scan3A_529 = %scan3A_324) -> (i32)  : i32 {
      %mul3A_530 = arith.constant 16 : i32
      %mul3A_531 = arith.muli %scan3A_528, %mul3A_530 : i32
      %get3A = arith.index_cast %mul3A_531 : i32 to index
      %get3A_532 = tpu.vector_load %arg23[%get3A] {strides = array<i32>} : memref<4096xi32, #tpu.memory_space<vmem>>, vector<16xi32>,
      %get3A_533 = vector.shape_cast %get3A_532 : vector<16xi32> to vector<16xi32>
      %convert_element_type3A = arith.sitofp %get3A_533 : vector<16xi32> to vector<16xf32>
      %get3A_534 = arith.index_cast %mul3A_531 : i32 to index
      %get3A_535 = tpu.vector_load %arg24[%get3A_534] {strides = array<i32>} : memref<4096xi32, #tpu.memory_space<vmem>>, vector<16xi32>,
      %get3A_536 = vector.shape_cast %get3A_535 : vector<16xi32> to vector<16xi32>
      %convert_element_type3A_537 = arith.sitofp %get3A_536 : vector<16xi32> to vector<16xf32>
      %div3A = arith.divf %convert_element_type3A, %convert_element_type3A_537 : vector<16xf32>
      %swap3A = arith.index_cast %mul3A_531 : i32 to index
      %swap3A_538 = tpu.vector_load %arg26[%swap3A] {strides = array<i32>} : memref<4096xf32, #tpu.memory_space<vmem>>, vector<16xf32>,
      %swap3A_539 = vector.shape_cast %swap3A_538 : vector<16xf32> to vector<16xf32>
      %swap3A_540 = vector.shape_cast %div3A : vector<16xf32> to vector<16xf32>
      tpu.vector_store %arg26[%swap3A], %swap3A_540 {strides = array<i32>} : memref<4096xf32, #tpu.memory_space<vmem>>, vector<16xf32>,
      %scan3A_541 = arith.constant 0 : i32
      scf.yield %scan3A_541 : i32
    }
    %scan3A_330 = arith.constant 256 : i32
    %add3A_331 = arith.constant 12288 : i32
    %add3A_332 = arith.addi %mul3A_2, %add3A_331 : i32
    %dma_start3A_333 = tpu.memref_slice %arg6[%add3A_332] : memref<1048576xf32, #tpu.memory_space<hbm>> -> memref<4096xf32, #tpu.memory_space<hbm>>
    %dma_start3A_334 = tpu.memref_slice %arg6[%add3A_332] : memref<1048576xf32, #tpu.memory_space<hbm>> -> memref<4096xf32, #tpu.memory_space<hbm>>
    tpu.enqueue_dma source(%arg26 : memref<4096xf32, #tpu.memory_space<vmem>>) target(%dma_start3A_334 : memref<4096xf32, #tpu.memory_space<hbm>>) target_semaphore(%arg29 : memref<!tpu.dma_semaphore, #tpu.memory_space<semaphore_mem>>)
    %dma_wait3A_335 = tpu.memref_slice %arg2[%add3A_299] : memref<3145728xf32, #tpu.memory_space<hbm>> -> memref<4096xf32, #tpu.memory_space<hbm>>
    %dma_wait3A_336 = tpu.memref_slice %arg2[%add3A_299] : memref<3145728xf32, #tpu.memory_space<hbm>> -> memref<4096xf32, #tpu.memory_space<hbm>>
    tpu.wait_dma2 semaphore(%arg27 : memref<!tpu.dma_semaphore, #tpu.memory_space<semaphore_mem>>) src(%dma_wait3A_336 : memref<4096xf32, #tpu.memory_space<hbm>>) dst(%arg13 : memref<4096xf32, #tpu.memory_space<vmem>>)
    %dma_wait3A_337 = tpu.memref_slice %arg3[%add3A_303] : memref<3145728xf32, #tpu.memory_space<hbm>> -> memref<4096xf32, #tpu.memory_space<hbm>>
    %dma_wait3A_338 = tpu.memref_slice %arg3[%add3A_303] : memref<3145728xf32, #tpu.memory_space<hbm>> -> memref<4096xf32, #tpu.memory_space<hbm>>
    tpu.wait_dma2 semaphore(%arg27 : memref<!tpu.dma_semaphore, #tpu.memory_space<semaphore_mem>>) src(%dma_wait3A_338 : memref<4096xf32, #tpu.memory_space<hbm>>) dst(%arg16 : memref<4096xf32, #tpu.memory_space<vmem>>)
    %dma_wait3A_339 = tpu.memref_slice %arg2[%add3A_307] : memref<3145728xf32, #tpu.memory_space<hbm>> -> memref<4096xf32, #tpu.memory_space<hbm>>
    %dma_wait3A_340 = tpu.memref_slice %arg2[%add3A_307] : memref<3145728xf32, #tpu.memory_space<hbm>> -> memref<4096xf32, #tpu.memory_space<hbm>>
    tpu.wait_dma2 semaphore(%arg27 : memref<!tpu.dma_semaphore, #tpu.memory_space<semaphore_mem>>) src(%dma_wait3A_340 : memref<4096xf32, #tpu.memory_space<hbm>>) dst(%arg14 : memref<4096xf32, #tpu.memory_space<vmem>>)
    %dma_wait3A_341 = tpu.memref_slice %arg3[%add3A_311] : memref<3145728xf32, #tpu.memory_space<hbm>> -> memref<4096xf32, #tpu.memory_space<hbm>>
    %dma_wait3A_342 = tpu.memref_slice %arg3[%add3A_311] : memref<3145728xf32, #tpu.memory_space<hbm>> -> memref<4096xf32, #tpu.memory_space<hbm>>
    tpu.wait_dma2 semaphore(%arg27 : memref<!tpu.dma_semaphore, #tpu.memory_space<semaphore_mem>>) src(%dma_wait3A_342 : memref<4096xf32, #tpu.memory_space<hbm>>) dst(%arg17 : memref<4096xf32, #tpu.memory_space<vmem>>)
    %dma_wait3A_343 = tpu.memref_slice %arg2[%add3A_315] : memref<3145728xf32, #tpu.memory_space<hbm>> -> memref<4096xf32, #tpu.memory_space<hbm>>
    %dma_wait3A_344 = tpu.memref_slice %arg2[%add3A_315] : memref<3145728xf32, #tpu.memory_space<hbm>> -> memref<4096xf32, #tpu.memory_space<hbm>>
    tpu.wait_dma2 semaphore(%arg27 : memref<!tpu.dma_semaphore, #tpu.memory_space<semaphore_mem>>) src(%dma_wait3A_344 : memref<4096xf32, #tpu.memory_space<hbm>>) dst(%arg15 : memref<4096xf32, #tpu.memory_space<vmem>>)
    %dma_wait3A_345 = tpu.memref_slice %arg3[%add3A_319] : memref<3145728xf32, #tpu.memory_space<hbm>> -> memref<4096xf32, #tpu.memory_space<hbm>>
    %dma_wait3A_346 = tpu.memref_slice %arg3[%add3A_319] : memref<3145728xf32, #tpu.memory_space<hbm>> -> memref<4096xf32, #tpu.memory_space<hbm>>
    tpu.wait_dma2 semaphore(%arg27 : memref<!tpu.dma_semaphore, #tpu.memory_space<semaphore_mem>>) src(%dma_wait3A_346 : memref<4096xf32, #tpu.memory_space<hbm>>) dst(%arg18 : memref<4096xf32, #tpu.memory_space<vmem>>)
    %scan3A_347 = arith.constant 0 : i32
    %scan3A_348 = arith.constant 0 : i32
    %scan3A_349 = arith.constant 256 : i32
    %scan3A_350 = arith.addi %scan3A_348, %scan3A_349 : i32
    %scan3A_351 = arith.constant 1 : i32
    %scan3A_352 = scf.for %scan3A_528 = %scan3A_348 to %scan3A_350 step %scan3A_351 iter_args(%scan3A_529 = %scan3A_347) -> (i32)  : i32 {
      %mul3A_530 = arith.constant 16 : i32
      %mul3A_531 = arith.muli %scan3A_528, %mul3A_530 : i32
      %get3A = arith.index_cast %mul3A_531 : i32 to index
      %get3A_532 = tpu.vector_load %arg13[%get3A] {strides = array<i32>} : memref<4096xf32, #tpu.memory_space<vmem>>, vector<16xf32>,
      %get3A_533 = vector.shape_cast %get3A_532 : vector<16xf32> to vector<16xf32>
      %get3A_534 = arith.index_cast %mul3A_531 : i32 to index
      %get3A_535 = tpu.vector_load %arg14[%get3A_534] {strides = array<i32>} : memref<4096xf32, #tpu.memory_space<vmem>>, vector<16xf32>,
      %get3A_536 = vector.shape_cast %get3A_535 : vector<16xf32> to vector<16xf32>
      %get3A_537 = arith.index_cast %mul3A_531 : i32 to index
      %get3A_538 = tpu.vector_load %arg15[%get3A_537] {strides = array<i32>} : memref<4096xf32, #tpu.memory_space<vmem>>, vector<16xf32>,
      %get3A_539 = vector.shape_cast %get3A_538 : vector<16xf32> to vector<16xf32>
      %get3A_540 = arith.index_cast %mul3A_531 : i32 to index
      %get3A_541 = tpu.vector_load %arg16[%get3A_540] {strides = array<i32>} : memref<4096xf32, #tpu.memory_space<vmem>>, vector<16xf32>,
      %get3A_542 = vector.shape_cast %get3A_541 : vector<16xf32> to vector<16xf32>
      %get3A_543 = arith.index_cast %mul3A_531 : i32 to index
      %get3A_544 = tpu.vector_load %arg17[%get3A_543] {strides = array<i32>} : memref<4096xf32, #tpu.memory_space<vmem>>, vector<16xf32>,
      %get3A_545 = vector.shape_cast %get3A_544 : vector<16xf32> to vector<16xf32>
      %get3A_546 = arith.index_cast %mul3A_531 : i32 to index
      %get3A_547 = tpu.vector_load %arg18[%get3A_546] {strides = array<i32>} : memref<4096xf32, #tpu.memory_space<vmem>>, vector<16xf32>,
      %get3A_548 = vector.shape_cast %get3A_547 : vector<16xf32> to vector<16xf32>
      %abs3A = math.absf %get3A_542 : vector<16xf32>
      %abs3A_549 = math.absf %get3A_545 : vector<16xf32>
      %max3A = arith.maximumf %abs3A, %abs3A_549 : vector<16xf32>
      %abs3A_550 = math.absf %get3A_548 : vector<16xf32>
      %max3A_551 = arith.maximumf %max3A, %abs3A_550 : vector<16xf32>
      %div3A = arith.divf %get3A_542, %max3A_551 : vector<16xf32>
      %div3A_552 = arith.divf %get3A_545, %max3A_551 : vector<16xf32>
      %div3A_553 = arith.divf %get3A_548, %max3A_551 : vector<16xf32>
      %neg3A = arith.constant 0.000000e+00 : f32
      %neg3A_554 = arith.constant 1.000000e+00 : f32
      %neg3A_555 = arith.subf %neg3A, %neg3A_554 : f32
      %le3A = vector.broadcast %neg3A_555 : f32 to vector<16xf32>
      %le3A_556 = arith.cmpf ole, %div3A_553, %le3A : vector<16xf32>
      %ge3A = arith.constant 1.000000e+00 : f32
      %ge3A_557 = vector.broadcast %ge3A : f32 to vector<16xf32>
      %ge3A_558 = arith.cmpf oge, %div3A_553, %ge3A_557 : vector<16xf32>
      %neg3A_559 = arith.constant 0.000000e+00 : f32
      %neg3A_560 = arith.constant 1.000000e+00 : f32
      %neg3A_561 = arith.subf %neg3A_559, %neg3A_560 : f32
      %le3A_562 = vector.broadcast %neg3A_561 : f32 to vector<16xf32>
      %le3A_563 = arith.cmpf ole, %div3A_552, %le3A_562 : vector<16xf32>
      %ge3A_564 = arith.constant 1.000000e+00 : f32
      %ge3A_565 = vector.broadcast %ge3A_564 : f32 to vector<16xf32>
      %ge3A_566 = arith.cmpf oge, %div3A_552, %ge3A_565 : vector<16xf32>
      %neg3A_567 = arith.constant 0.000000e+00 : f32
      %neg3A_568 = arith.constant 1.000000e+00 : f32
      %neg3A_569 = arith.subf %neg3A_567, %neg3A_568 : f32
      %le3A_570 = vector.broadcast %neg3A_569 : f32 to vector<16xf32>
      %le3A_571 = arith.cmpf ole, %div3A, %le3A_570 : vector<16xf32>
      %jit3A = arith.constant 1 : i32
      %jit3A_572 = arith.constant 0 : i32
      %broadcast_in_dim3A = vector.broadcast %jit3A : i32 to vector<16xi32>
      %broadcast_in_dim3A_573 = vector.broadcast %jit3A_572 : i32 to vector<16xi32>
      %select_n3A = arith.select %le3A_571, %broadcast_in_dim3A, %broadcast_in_dim3A_573 : vector<16xi1>, vector<16xi32>
      %jit3A_574 = arith.constant 2 : i32
      %broadcast_in_dim3A_575 = vector.broadcast %jit3A_574 : i32 to vector<16xi32>
      %select_n3A_576 = arith.select %ge3A_566, %broadcast_in_dim3A_575, %select_n3A : vector<16xi1>, vector<16xi32>
      %jit3A_577 = arith.constant 3 : i32
      %broadcast_in_dim3A_578 = vector.broadcast %jit3A_577 : i32 to vector<16xi32>
      %select_n3A_579 = arith.select %le3A_563, %broadcast_in_dim3A_578, %select_n3A_576 : vector<16xi1>, vector<16xi32>
      %jit3A_580 = arith.constant 4 : i32
      %broadcast_in_dim3A_581 = vector.broadcast %jit3A_580 : i32 to vector<16xi32>
      %select_n3A_582 = arith.select %ge3A_558, %broadcast_in_dim3A_581, %select_n3A_579 : vector<16xi1>, vector<16xi32>
      %jit3A_583 = arith.constant 5 : i32
      %broadcast_in_dim3A_584 = vector.broadcast %jit3A_583 : i32 to vector<16xi32>
      %select_n3A_585 = arith.select %le3A_556, %broadcast_in_dim3A_584, %select_n3A_582 : vector<16xi1>, vector<16xi32>
      %div3A_586 = arith.constant 2.000000e+00 : f32
      %div3A_587 = vector.broadcast %div3A_586 : f32 to vector<16xf32>
      %div3A_588 = arith.divf %get3A_533, %div3A_587 : vector<16xf32>
      %add3A_589 = arith.constant 5.000000e-01 : f32
      %add3A_590 = vector.broadcast %add3A_589 : f32 to vector<16xf32>
      %add3A_591 = arith.addf %div3A_588, %add3A_590 : vector<16xf32>
      %mul3A_592 = arith.constant 1.270000e+02 : f32
      %mul3A_593 = vector.broadcast %mul3A_592 : f32 to vector<16xf32>
      %mul3A_594 = arith.mulf %add3A_591, %mul3A_593 : vector<16xf32>
      %max3A_595 = arith.constant 0.000000e+00 : f32
      %max3A_596 = vector.broadcast %max3A_595 : f32 to vector<16xf32>
      %max3A_597 = arith.maximumf %mul3A_594, %max3A_596 : vector<16xf32>
      %min3A = arith.constant 1.270000e+02 : f32
      %min3A_598 = vector.broadcast %min3A : f32 to vector<16xf32>
      %min3A_599 = arith.minimumf %max3A_597, %min3A_598 : vector<16xf32>
      %convert_element_type3A = arith.fptosi %min3A_599 : vector<16xf32> to vector<16xi32>
      %div3A_600 = arith.constant 2.000000e+00 : f32
      %div3A_601 = vector.broadcast %div3A_600 : f32 to vector<16xf32>
      %div3A_602 = arith.divf %get3A_536, %div3A_601 : vector<16xf32>
      %add3A_603 = arith.constant 5.000000e-01 : f32
      %add3A_604 = vector.broadcast %add3A_603 : f32 to vector<16xf32>
      %add3A_605 = arith.addf %div3A_602, %add3A_604 : vector<16xf32>
      %mul3A_606 = arith.constant 1.270000e+02 : f32
      %mul3A_607 = vector.broadcast %mul3A_606 : f32 to vector<16xf32>
      %mul3A_608 = arith.mulf %add3A_605, %mul3A_607 : vector<16xf32>
      %max3A_609 = arith.constant 0.000000e+00 : f32
      %max3A_610 = vector.broadcast %max3A_609 : f32 to vector<16xf32>
      %max3A_611 = arith.maximumf %mul3A_608, %max3A_610 : vector<16xf32>
      %min3A_612 = arith.constant 1.270000e+02 : f32
      %min3A_613 = vector.broadcast %min3A_612 : f32 to vector<16xf32>
      %min3A_614 = arith.minimumf %max3A_611, %min3A_613 : vector<16xf32>
      %convert_element_type3A_615 = arith.fptosi %min3A_614 : vector<16xf32> to vector<16xi32>
      %div3A_616 = arith.constant 2.000000e+00 : f32
      %div3A_617 = vector.broadcast %div3A_616 : f32 to vector<16xf32>
      %div3A_618 = arith.divf %get3A_539, %div3A_617 : vector<16xf32>
      %add3A_619 = arith.constant 5.000000e-01 : f32
      %add3A_620 = vector.broadcast %add3A_619 : f32 to vector<16xf32>
      %add3A_621 = arith.addf %div3A_618, %add3A_620 : vector<16xf32>
      %mul3A_622 = arith.constant 1.270000e+02 : f32
      %mul3A_623 = vector.broadcast %mul3A_622 : f32 to vector<16xf32>
      %mul3A_624 = arith.mulf %add3A_621, %mul3A_623 : vector<16xf32>
      %max3A_625 = arith.constant 0.000000e+00 : f32
      %max3A_626 = vector.broadcast %max3A_625 : f32 to vector<16xf32>
      %max3A_627 = arith.maximumf %mul3A_624, %max3A_626 : vector<16xf32>
      %min3A_628 = arith.constant 1.270000e+02 : f32
      %min3A_629 = vector.broadcast %min3A_628 : f32 to vector<16xf32>
      %min3A_630 = arith.minimumf %max3A_627, %min3A_629 : vector<16xf32>
      %convert_element_type3A_631 = arith.fptosi %min3A_630 : vector<16xf32> to vector<16xi32>
      %mul3A_632 = arith.constant 6 : i32
      %mul3A_633 = vector.broadcast %mul3A_632 : i32 to vector<16xi32>
      %mul3A_634 = arith.muli %convert_element_type3A, %mul3A_633 : vector<16xi32>
      %add3A_635 = arith.addi %mul3A_634, %select_n3A_585 : vector<16xi32>
      %mul3A_636 = arith.constant 16384 : i32
      %mul3A_637 = vector.broadcast %mul3A_636 : i32 to vector<16xi32>
      %mul3A_638 = arith.muli %add3A_635, %mul3A_637 : vector<16xi32>
      %mul3A_639 = arith.constant 128 : i32
      %mul3A_640 = vector.broadcast %mul3A_639 : i32 to vector<16xi32>
      %mul3A_641 = arith.muli %convert_element_type3A_615, %mul3A_640 : vector<16xi32>
      %add3A_642 = arith.addi %mul3A_638, %mul3A_641 : vector<16xi32>
      %add3A_643 = arith.addi %add3A_642, %convert_element_type3A_631 : vector<16xi32>
      %swap3A = arith.index_cast %mul3A_531 : i32 to index
      %swap3A_644 = tpu.vector_load %arg20[%swap3A] {strides = array<i32>} : memref<4096xi32, #tpu.memory_space<vmem>>, vector<16xi32>,
      %swap3A_645 = vector.shape_cast %swap3A_644 : vector<16xi32> to vector<16xi32>
      %swap3A_646 = vector.shape_cast %add3A_643 : vector<16xi32> to vector<16xi32>
      tpu.vector_store %arg20[%swap3A], %swap3A_646 {strides = array<i32>} : memref<4096xi32, #tpu.memory_space<vmem>>, vector<16xi32>,
      %scan3A_647 = arith.constant 0 : i32
      scf.yield %scan3A_647 : i32
    }
    %scan3A_353 = arith.constant 256 : i32
    %dma_wait3A_354 = arith.constant 0 : i32
    %dma_wait3A_355 = tpu.memref_slice %arg4[%dma_wait3A_354] : memref<12582912xi32, #tpu.memory_space<hbm>> -> memref<12582912xi32, #tpu.memory_space<hbm>>
    tpu.wait_indirect_dma semaphore(%arg28 : memref<!tpu.dma_semaphore, #tpu.memory_space<semaphore_mem>>) src(%dma_wait3A_355 : memref<12582912xi32, #tpu.memory_space<hbm>>) dst(%arg21 : memref<4096xi32, #tpu.memory_space<vmem>>)
    %dma_wait3A_356 = arith.constant 0 : i32
    %dma_wait3A_357 = tpu.memref_slice %arg5[%dma_wait3A_356] : memref<12582912xi32, #tpu.memory_space<hbm>> -> memref<12582912xi32, #tpu.memory_space<hbm>>
    tpu.wait_indirect_dma semaphore(%arg28 : memref<!tpu.dma_semaphore, #tpu.memory_space<semaphore_mem>>) src(%dma_wait3A_357 : memref<12582912xi32, #tpu.memory_space<hbm>>) dst(%arg22 : memref<4096xi32, #tpu.memory_space<vmem>>)
    %dma_start3A_358 = arith.constant 0 : i32
    %dma_start3A_359 = tpu.memref_slice %arg4[%dma_start3A_358] : memref<12582912xi32, #tpu.memory_space<hbm>> -> memref<12582912xi32, #tpu.memory_space<hbm>>
    tpu.enqueue_indirect_dma source(%dma_start3A_359 : memref<12582912xi32, #tpu.memory_space<hbm>>) target(%arg23 : memref<4096xi32, #tpu.memory_space<vmem>>) offsets(%arg20 : memref<4096xi32, #tpu.memory_space<vmem>>) semaphore(%arg28 : memref<!tpu.dma_semaphore, #tpu.memory_space<semaphore_mem>>)
    %dma_start3A_360 = arith.constant 0 : i32
    %dma_start3A_361 = tpu.memref_slice %arg5[%dma_start3A_360] : memref<12582912xi32, #tpu.memory_space<hbm>> -> memref<12582912xi32, #tpu.memory_space<hbm>>
    tpu.enqueue_indirect_dma source(%dma_start3A_361 : memref<12582912xi32, #tpu.memory_space<hbm>>) target(%arg24 : memref<4096xi32, #tpu.memory_space<vmem>>) offsets(%arg20 : memref<4096xi32, #tpu.memory_space<vmem>>) semaphore(%arg28 : memref<!tpu.dma_semaphore, #tpu.memory_space<semaphore_mem>>)
    %add3A_362 = arith.constant 24576 : i32
    %add3A_363 = arith.addi %mul3A_2, %add3A_362 : i32
    %add3A_364 = arith.constant 0 : i32
    %add3A_365 = arith.addi %add3A_364, %add3A_363 : i32
    %dma_start3A_366 = tpu.memref_slice %arg2[%add3A_365] : memref<3145728xf32, #tpu.memory_space<hbm>> -> memref<4096xf32, #tpu.memory_space<hbm>>
    %dma_start3A_367 = tpu.memref_slice %arg2[%add3A_365] : memref<3145728xf32, #tpu.memory_space<hbm>> -> memref<4096xf32, #tpu.memory_space<hbm>>
    tpu.enqueue_dma source(%dma_start3A_367 : memref<4096xf32, #tpu.memory_space<hbm>>) target(%arg7 : memref<4096xf32, #tpu.memory_space<vmem>>) target_semaphore(%arg27 : memref<!tpu.dma_semaphore, #tpu.memory_space<semaphore_mem>>)
    %add3A_368 = arith.constant 0 : i32
    %add3A_369 = arith.addi %add3A_368, %add3A_363 : i32
    %dma_start3A_370 = tpu.memref_slice %arg3[%add3A_369] : memref<3145728xf32, #tpu.memory_space<hbm>> -> memref<4096xf32, #tpu.memory_space<hbm>>
    %dma_start3A_371 = tpu.memref_slice %arg3[%add3A_369] : memref<3145728xf32, #tpu.memory_space<hbm>> -> memref<4096xf32, #tpu.memory_space<hbm>>
    tpu.enqueue_dma source(%dma_start3A_371 : memref<4096xf32, #tpu.memory_space<hbm>>) target(%arg10 : memref<4096xf32, #tpu.memory_space<vmem>>) target_semaphore(%arg27 : memref<!tpu.dma_semaphore, #tpu.memory_space<semaphore_mem>>)
    %add3A_372 = arith.constant 1048576 : i32
    %add3A_373 = arith.addi %add3A_372, %add3A_363 : i32
    %dma_start3A_374 = tpu.memref_slice %arg2[%add3A_373] : memref<3145728xf32, #tpu.memory_space<hbm>> -> memref<4096xf32, #tpu.memory_space<hbm>>
    %dma_start3A_375 = tpu.memref_slice %arg2[%add3A_373] : memref<3145728xf32, #tpu.memory_space<hbm>> -> memref<4096xf32, #tpu.memory_space<hbm>>
    tpu.enqueue_dma source(%dma_start3A_375 : memref<4096xf32, #tpu.memory_space<hbm>>) target(%arg8 : memref<4096xf32, #tpu.memory_space<vmem>>) target_semaphore(%arg27 : memref<!tpu.dma_semaphore, #tpu.memory_space<semaphore_mem>>)
    %add3A_376 = arith.constant 1048576 : i32
    %add3A_377 = arith.addi %add3A_376, %add3A_363 : i32
    %dma_start3A_378 = tpu.memref_slice %arg3[%add3A_377] : memref<3145728xf32, #tpu.memory_space<hbm>> -> memref<4096xf32, #tpu.memory_space<hbm>>
    %dma_start3A_379 = tpu.memref_slice %arg3[%add3A_377] : memref<3145728xf32, #tpu.memory_space<hbm>> -> memref<4096xf32, #tpu.memory_space<hbm>>
    tpu.enqueue_dma source(%dma_start3A_379 : memref<4096xf32, #tpu.memory_space<hbm>>) target(%arg11 : memref<4096xf32, #tpu.memory_space<vmem>>) target_semaphore(%arg27 : memref<!tpu.dma_semaphore, #tpu.memory_space<semaphore_mem>>)
    %add3A_380 = arith.constant 2097152 : i32
    %add3A_381 = arith.addi %add3A_380, %add3A_363 : i32
    %dma_start3A_382 = tpu.memref_slice %arg2[%add3A_381] : memref<3145728xf32, #tpu.memory_space<hbm>> -> memref<4096xf32, #tpu.memory_space<hbm>>
    %dma_start3A_383 = tpu.memref_slice %arg2[%add3A_381] : memref<3145728xf32, #tpu.memory_space<hbm>> -> memref<4096xf32, #tpu.memory_space<hbm>>
    tpu.enqueue_dma source(%dma_start3A_383 : memref<4096xf32, #tpu.memory_space<hbm>>) target(%arg9 : memref<4096xf32, #tpu.memory_space<vmem>>) target_semaphore(%arg27 : memref<!tpu.dma_semaphore, #tpu.memory_space<semaphore_mem>>)
    %add3A_384 = arith.constant 2097152 : i32
    %add3A_385 = arith.addi %add3A_384, %add3A_363 : i32
    %dma_start3A_386 = tpu.memref_slice %arg3[%add3A_385] : memref<3145728xf32, #tpu.memory_space<hbm>> -> memref<4096xf32, #tpu.memory_space<hbm>>
    %dma_start3A_387 = tpu.memref_slice %arg3[%add3A_385] : memref<3145728xf32, #tpu.memory_space<hbm>> -> memref<4096xf32, #tpu.memory_space<hbm>>
    tpu.enqueue_dma source(%dma_start3A_387 : memref<4096xf32, #tpu.memory_space<hbm>>) target(%arg12 : memref<4096xf32, #tpu.memory_space<vmem>>) target_semaphore(%arg27 : memref<!tpu.dma_semaphore, #tpu.memory_space<semaphore_mem>>)
    %dma_wait3A_388 = tpu.memref_slice %arg6[%add3A_266] : memref<1048576xf32, #tpu.memory_space<hbm>> -> memref<4096xf32, #tpu.memory_space<hbm>>
    %dma_wait3A_389 = tpu.memref_slice %arg6[%add3A_266] : memref<1048576xf32, #tpu.memory_space<hbm>> -> memref<4096xf32, #tpu.memory_space<hbm>>
    tpu.wait_dma2 semaphore(%arg29 : memref<!tpu.dma_semaphore, #tpu.memory_space<semaphore_mem>>) src(%arg25 : memref<4096xf32, #tpu.memory_space<vmem>>) dst(%dma_wait3A_389 : memref<4096xf32, #tpu.memory_space<hbm>>)
    %scan3A_390 = arith.constant 0 : i32
    %scan3A_391 = arith.constant 0 : i32
    %scan3A_392 = arith.constant 256 : i32
    %scan3A_393 = arith.addi %scan3A_391, %scan3A_392 : i32
    %scan3A_394 = arith.constant 1 : i32
    %scan3A_395 = scf.for %scan3A_528 = %scan3A_391 to %scan3A_393 step %scan3A_394 iter_args(%scan3A_529 = %scan3A_390) -> (i32)  : i32 {
      %mul3A_530 = arith.constant 16 : i32
      %mul3A_531 = arith.muli %scan3A_528, %mul3A_530 : i32
      %get3A = arith.index_cast %mul3A_531 : i32 to index
      %get3A_532 = tpu.vector_load %arg21[%get3A] {strides = array<i32>} : memref<4096xi32, #tpu.memory_space<vmem>>, vector<16xi32>,
      %get3A_533 = vector.shape_cast %get3A_532 : vector<16xi32> to vector<16xi32>
      %convert_element_type3A = arith.sitofp %get3A_533 : vector<16xi32> to vector<16xf32>
      %get3A_534 = arith.index_cast %mul3A_531 : i32 to index
      %get3A_535 = tpu.vector_load %arg22[%get3A_534] {strides = array<i32>} : memref<4096xi32, #tpu.memory_space<vmem>>, vector<16xi32>,
      %get3A_536 = vector.shape_cast %get3A_535 : vector<16xi32> to vector<16xi32>
      %convert_element_type3A_537 = arith.sitofp %get3A_536 : vector<16xi32> to vector<16xf32>
      %div3A = arith.divf %convert_element_type3A, %convert_element_type3A_537 : vector<16xf32>
      %swap3A = arith.index_cast %mul3A_531 : i32 to index
      %swap3A_538 = tpu.vector_load %arg25[%swap3A] {strides = array<i32>} : memref<4096xf32, #tpu.memory_space<vmem>>, vector<16xf32>,
      %swap3A_539 = vector.shape_cast %swap3A_538 : vector<16xf32> to vector<16xf32>
      %swap3A_540 = vector.shape_cast %div3A : vector<16xf32> to vector<16xf32>
      tpu.vector_store %arg25[%swap3A], %swap3A_540 {strides = array<i32>} : memref<4096xf32, #tpu.memory_space<vmem>>, vector<16xf32>,
      %scan3A_541 = arith.constant 0 : i32
      scf.yield %scan3A_541 : i32
    }
    %scan3A_396 = arith.constant 256 : i32
    %add3A_397 = arith.constant 16384 : i32
    %add3A_398 = arith.addi %mul3A_2, %add3A_397 : i32
    %dma_start3A_399 = tpu.memref_slice %arg6[%add3A_398] : memref<1048576xf32, #tpu.memory_space<hbm>> -> memref<4096xf32, #tpu.memory_space<hbm>>
    %dma_start3A_400 = tpu.memref_slice %arg6[%add3A_398] : memref<1048576xf32, #tpu.memory_space<hbm>> -> memref<4096xf32, #tpu.memory_space<hbm>>
    tpu.enqueue_dma source(%arg25 : memref<4096xf32, #tpu.memory_space<vmem>>) target(%dma_start3A_400 : memref<4096xf32, #tpu.memory_space<hbm>>) target_semaphore(%arg29 : memref<!tpu.dma_semaphore, #tpu.memory_space<semaphore_mem>>)
    %dma_wait3A_401 = tpu.memref_slice %arg2[%add3A_365] : memref<3145728xf32, #tpu.memory_space<hbm>> -> memref<4096xf32, #tpu.memory_space<hbm>>
    %dma_wait3A_402 = tpu.memref_slice %arg2[%add3A_365] : memref<3145728xf32, #tpu.memory_space<hbm>> -> memref<4096xf32, #tpu.memory_space<hbm>>
    tpu.wait_dma2 semaphore(%arg27 : memref<!tpu.dma_semaphore, #tpu.memory_space<semaphore_mem>>) src(%dma_wait3A_402 : memref<4096xf32, #tpu.memory_space<hbm>>) dst(%arg7 : memref<4096xf32, #tpu.memory_space<vmem>>)
    %dma_wait3A_403 = tpu.memref_slice %arg3[%add3A_369] : memref<3145728xf32, #tpu.memory_space<hbm>> -> memref<4096xf32, #tpu.memory_space<hbm>>
    %dma_wait3A_404 = tpu.memref_slice %arg3[%add3A_369] : memref<3145728xf32, #tpu.memory_space<hbm>> -> memref<4096xf32, #tpu.memory_space<hbm>>
    tpu.wait_dma2 semaphore(%arg27 : memref<!tpu.dma_semaphore, #tpu.memory_space<semaphore_mem>>) src(%dma_wait3A_404 : memref<4096xf32, #tpu.memory_space<hbm>>) dst(%arg10 : memref<4096xf32, #tpu.memory_space<vmem>>)
    %dma_wait3A_405 = tpu.memref_slice %arg2[%add3A_373] : memref<3145728xf32, #tpu.memory_space<hbm>> -> memref<4096xf32, #tpu.memory_space<hbm>>
    %dma_wait3A_406 = tpu.memref_slice %arg2[%add3A_373] : memref<3145728xf32, #tpu.memory_space<hbm>> -> memref<4096xf32, #tpu.memory_space<hbm>>
    tpu.wait_dma2 semaphore(%arg27 : memref<!tpu.dma_semaphore, #tpu.memory_space<semaphore_mem>>) src(%dma_wait3A_406 : memref<4096xf32, #tpu.memory_space<hbm>>) dst(%arg8 : memref<4096xf32, #tpu.memory_space<vmem>>)
    %dma_wait3A_407 = tpu.memref_slice %arg3[%add3A_377] : memref<3145728xf32, #tpu.memory_space<hbm>> -> memref<4096xf32, #tpu.memory_space<hbm>>
    %dma_wait3A_408 = tpu.memref_slice %arg3[%add3A_377] : memref<3145728xf32, #tpu.memory_space<hbm>> -> memref<4096xf32, #tpu.memory_space<hbm>>
    tpu.wait_dma2 semaphore(%arg27 : memref<!tpu.dma_semaphore, #tpu.memory_space<semaphore_mem>>) src(%dma_wait3A_408 : memref<4096xf32, #tpu.memory_space<hbm>>) dst(%arg11 : memref<4096xf32, #tpu.memory_space<vmem>>)
    %dma_wait3A_409 = tpu.memref_slice %arg2[%add3A_381] : memref<3145728xf32, #tpu.memory_space<hbm>> -> memref<4096xf32, #tpu.memory_space<hbm>>
    %dma_wait3A_410 = tpu.memref_slice %arg2[%add3A_381] : memref<3145728xf32, #tpu.memory_space<hbm>> -> memref<4096xf32, #tpu.memory_space<hbm>>
    tpu.wait_dma2 semaphore(%arg27 : memref<!tpu.dma_semaphore, #tpu.memory_space<semaphore_mem>>) src(%dma_wait3A_410 : memref<4096xf32, #tpu.memory_space<hbm>>) dst(%arg9 : memref<4096xf32, #tpu.memory_space<vmem>>)
    %dma_wait3A_411 = tpu.memref_slice %arg3[%add3A_385] : memref<3145728xf32, #tpu.memory_space<hbm>> -> memref<4096xf32, #tpu.memory_space<hbm>>
    %dma_wait3A_412 = tpu.memref_slice %arg3[%add3A_385] : memref<3145728xf32, #tpu.memory_space<hbm>> -> memref<4096xf32, #tpu.memory_space<hbm>>
    tpu.wait_dma2 semaphore(%arg27 : memref<!tpu.dma_semaphore, #tpu.memory_space<semaphore_mem>>) src(%dma_wait3A_412 : memref<4096xf32, #tpu.memory_space<hbm>>) dst(%arg12 : memref<4096xf32, #tpu.memory_space<vmem>>)
    %scan3A_413 = arith.constant 0 : i32
    %scan3A_414 = arith.constant 0 : i32
    %scan3A_415 = arith.constant 256 : i32
    %scan3A_416 = arith.addi %scan3A_414, %scan3A_415 : i32
    %scan3A_417 = arith.constant 1 : i32
    %scan3A_418 = scf.for %scan3A_528 = %scan3A_414 to %scan3A_416 step %scan3A_417 iter_args(%scan3A_529 = %scan3A_413) -> (i32)  : i32 {
      %mul3A_530 = arith.constant 16 : i32
      %mul3A_531 = arith.muli %scan3A_528, %mul3A_530 : i32
      %get3A = arith.index_cast %mul3A_531 : i32 to index
      %get3A_532 = tpu.vector_load %arg7[%get3A] {strides = array<i32>} : memref<4096xf32, #tpu.memory_space<vmem>>, vector<16xf32>,
      %get3A_533 = vector.shape_cast %get3A_532 : vector<16xf32> to vector<16xf32>
      %get3A_534 = arith.index_cast %mul3A_531 : i32 to index
      %get3A_535 = tpu.vector_load %arg8[%get3A_534] {strides = array<i32>} : memref<4096xf32, #tpu.memory_space<vmem>>, vector<16xf32>,
      %get3A_536 = vector.shape_cast %get3A_535 : vector<16xf32> to vector<16xf32>
      %get3A_537 = arith.index_cast %mul3A_531 : i32 to index
      %get3A_538 = tpu.vector_load %arg9[%get3A_537] {strides = array<i32>} : memref<4096xf32, #tpu.memory_space<vmem>>, vector<16xf32>,
      %get3A_539 = vector.shape_cast %get3A_538 : vector<16xf32> to vector<16xf32>
      %get3A_540 = arith.index_cast %mul3A_531 : i32 to index
      %get3A_541 = tpu.vector_load %arg10[%get3A_540] {strides = array<i32>} : memref<4096xf32, #tpu.memory_space<vmem>>, vector<16xf32>,
      %get3A_542 = vector.shape_cast %get3A_541 : vector<16xf32> to vector<16xf32>
      %get3A_543 = arith.index_cast %mul3A_531 : i32 to index
      %get3A_544 = tpu.vector_load %arg11[%get3A_543] {strides = array<i32>} : memref<4096xf32, #tpu.memory_space<vmem>>, vector<16xf32>,
      %get3A_545 = vector.shape_cast %get3A_544 : vector<16xf32> to vector<16xf32>
      %get3A_546 = arith.index_cast %mul3A_531 : i32 to index
      %get3A_547 = tpu.vector_load %arg12[%get3A_546] {strides = array<i32>} : memref<4096xf32, #tpu.memory_space<vmem>>, vector<16xf32>,
      %get3A_548 = vector.shape_cast %get3A_547 : vector<16xf32> to vector<16xf32>
      %abs3A = math.absf %get3A_542 : vector<16xf32>
      %abs3A_549 = math.absf %get3A_545 : vector<16xf32>
      %max3A = arith.maximumf %abs3A, %abs3A_549 : vector<16xf32>
      %abs3A_550 = math.absf %get3A_548 : vector<16xf32>
      %max3A_551 = arith.maximumf %max3A, %abs3A_550 : vector<16xf32>
      %div3A = arith.divf %get3A_542, %max3A_551 : vector<16xf32>
      %div3A_552 = arith.divf %get3A_545, %max3A_551 : vector<16xf32>
      %div3A_553 = arith.divf %get3A_548, %max3A_551 : vector<16xf32>
      %neg3A = arith.constant 0.000000e+00 : f32
      %neg3A_554 = arith.constant 1.000000e+00 : f32
      %neg3A_555 = arith.subf %neg3A, %neg3A_554 : f32
      %le3A = vector.broadcast %neg3A_555 : f32 to vector<16xf32>
      %le3A_556 = arith.cmpf ole, %div3A_553, %le3A : vector<16xf32>
      %ge3A = arith.constant 1.000000e+00 : f32
      %ge3A_557 = vector.broadcast %ge3A : f32 to vector<16xf32>
      %ge3A_558 = arith.cmpf oge, %div3A_553, %ge3A_557 : vector<16xf32>
      %neg3A_559 = arith.constant 0.000000e+00 : f32
      %neg3A_560 = arith.constant 1.000000e+00 : f32
      %neg3A_561 = arith.subf %neg3A_559, %neg3A_560 : f32
      %le3A_562 = vector.broadcast %neg3A_561 : f32 to vector<16xf32>
      %le3A_563 = arith.cmpf ole, %div3A_552, %le3A_562 : vector<16xf32>
      %ge3A_564 = arith.constant 1.000000e+00 : f32
      %ge3A_565 = vector.broadcast %ge3A_564 : f32 to vector<16xf32>
      %ge3A_566 = arith.cmpf oge, %div3A_552, %ge3A_565 : vector<16xf32>
      %neg3A_567 = arith.constant 0.000000e+00 : f32
      %neg3A_568 = arith.constant 1.000000e+00 : f32
      %neg3A_569 = arith.subf %neg3A_567, %neg3A_568 : f32
      %le3A_570 = vector.broadcast %neg3A_569 : f32 to vector<16xf32>
      %le3A_571 = arith.cmpf ole, %div3A, %le3A_570 : vector<16xf32>
      %jit3A = arith.constant 1 : i32
      %jit3A_572 = arith.constant 0 : i32
      %broadcast_in_dim3A = vector.broadcast %jit3A : i32 to vector<16xi32>
      %broadcast_in_dim3A_573 = vector.broadcast %jit3A_572 : i32 to vector<16xi32>
      %select_n3A = arith.select %le3A_571, %broadcast_in_dim3A, %broadcast_in_dim3A_573 : vector<16xi1>, vector<16xi32>
      %jit3A_574 = arith.constant 2 : i32
      %broadcast_in_dim3A_575 = vector.broadcast %jit3A_574 : i32 to vector<16xi32>
      %select_n3A_576 = arith.select %ge3A_566, %broadcast_in_dim3A_575, %select_n3A : vector<16xi1>, vector<16xi32>
      %jit3A_577 = arith.constant 3 : i32
      %broadcast_in_dim3A_578 = vector.broadcast %jit3A_577 : i32 to vector<16xi32>
      %select_n3A_579 = arith.select %le3A_563, %broadcast_in_dim3A_578, %select_n3A_576 : vector<16xi1>, vector<16xi32>
      %jit3A_580 = arith.constant 4 : i32
      %broadcast_in_dim3A_581 = vector.broadcast %jit3A_580 : i32 to vector<16xi32>
      %select_n3A_582 = arith.select %ge3A_558, %broadcast_in_dim3A_581, %select_n3A_579 : vector<16xi1>, vector<16xi32>
      %jit3A_583 = arith.constant 5 : i32
      %broadcast_in_dim3A_584 = vector.broadcast %jit3A_583 : i32 to vector<16xi32>
      %select_n3A_585 = arith.select %le3A_556, %broadcast_in_dim3A_584, %select_n3A_582 : vector<16xi1>, vector<16xi32>
      %div3A_586 = arith.constant 2.000000e+00 : f32
      %div3A_587 = vector.broadcast %div3A_586 : f32 to vector<16xf32>
      %div3A_588 = arith.divf %get3A_533, %div3A_587 : vector<16xf32>
      %add3A_589 = arith.constant 5.000000e-01 : f32
      %add3A_590 = vector.broadcast %add3A_589 : f32 to vector<16xf32>
      %add3A_591 = arith.addf %div3A_588, %add3A_590 : vector<16xf32>
      %mul3A_592 = arith.constant 1.270000e+02 : f32
      %mul3A_593 = vector.broadcast %mul3A_592 : f32 to vector<16xf32>
      %mul3A_594 = arith.mulf %add3A_591, %mul3A_593 : vector<16xf32>
      %max3A_595 = arith.constant 0.000000e+00 : f32
      %max3A_596 = vector.broadcast %max3A_595 : f32 to vector<16xf32>
      %max3A_597 = arith.maximumf %mul3A_594, %max3A_596 : vector<16xf32>
      %min3A = arith.constant 1.270000e+02 : f32
      %min3A_598 = vector.broadcast %min3A : f32 to vector<16xf32>
      %min3A_599 = arith.minimumf %max3A_597, %min3A_598 : vector<16xf32>
      %convert_element_type3A = arith.fptosi %min3A_599 : vector<16xf32> to vector<16xi32>
      %div3A_600 = arith.constant 2.000000e+00 : f32
      %div3A_601 = vector.broadcast %div3A_600 : f32 to vector<16xf32>
      %div3A_602 = arith.divf %get3A_536, %div3A_601 : vector<16xf32>
      %add3A_603 = arith.constant 5.000000e-01 : f32
      %add3A_604 = vector.broadcast %add3A_603 : f32 to vector<16xf32>
      %add3A_605 = arith.addf %div3A_602, %add3A_604 : vector<16xf32>
      %mul3A_606 = arith.constant 1.270000e+02 : f32
      %mul3A_607 = vector.broadcast %mul3A_606 : f32 to vector<16xf32>
      %mul3A_608 = arith.mulf %add3A_605, %mul3A_607 : vector<16xf32>
      %max3A_609 = arith.constant 0.000000e+00 : f32
      %max3A_610 = vector.broadcast %max3A_609 : f32 to vector<16xf32>
      %max3A_611 = arith.maximumf %mul3A_608, %max3A_610 : vector<16xf32>
      %min3A_612 = arith.constant 1.270000e+02 : f32
      %min3A_613 = vector.broadcast %min3A_612 : f32 to vector<16xf32>
      %min3A_614 = arith.minimumf %max3A_611, %min3A_613 : vector<16xf32>
      %convert_element_type3A_615 = arith.fptosi %min3A_614 : vector<16xf32> to vector<16xi32>
      %div3A_616 = arith.constant 2.000000e+00 : f32
      %div3A_617 = vector.broadcast %div3A_616 : f32 to vector<16xf32>
      %div3A_618 = arith.divf %get3A_539, %div3A_617 : vector<16xf32>
      %add3A_619 = arith.constant 5.000000e-01 : f32
      %add3A_620 = vector.broadcast %add3A_619 : f32 to vector<16xf32>
      %add3A_621 = arith.addf %div3A_618, %add3A_620 : vector<16xf32>
      %mul3A_622 = arith.constant 1.270000e+02 : f32
      %mul3A_623 = vector.broadcast %mul3A_622 : f32 to vector<16xf32>
      %mul3A_624 = arith.mulf %add3A_621, %mul3A_623 : vector<16xf32>
      %max3A_625 = arith.constant 0.000000e+00 : f32
      %max3A_626 = vector.broadcast %max3A_625 : f32 to vector<16xf32>
      %max3A_627 = arith.maximumf %mul3A_624, %max3A_626 : vector<16xf32>
      %min3A_628 = arith.constant 1.270000e+02 : f32
      %min3A_629 = vector.broadcast %min3A_628 : f32 to vector<16xf32>
      %min3A_630 = arith.minimumf %max3A_627, %min3A_629 : vector<16xf32>
      %convert_element_type3A_631 = arith.fptosi %min3A_630 : vector<16xf32> to vector<16xi32>
      %mul3A_632 = arith.constant 6 : i32
      %mul3A_633 = vector.broadcast %mul3A_632 : i32 to vector<16xi32>
      %mul3A_634 = arith.muli %convert_element_type3A, %mul3A_633 : vector<16xi32>
      %add3A_635 = arith.addi %mul3A_634, %select_n3A_585 : vector<16xi32>
      %mul3A_636 = arith.constant 16384 : i32
      %mul3A_637 = vector.broadcast %mul3A_636 : i32 to vector<16xi32>
      %mul3A_638 = arith.muli %add3A_635, %mul3A_637 : vector<16xi32>
      %mul3A_639 = arith.constant 128 : i32
      %mul3A_640 = vector.broadcast %mul3A_639 : i32 to vector<16xi32>
      %mul3A_641 = arith.muli %convert_element_type3A_615, %mul3A_640 : vector<16xi32>
      %add3A_642 = arith.addi %mul3A_638, %mul3A_641 : vector<16xi32>
      %add3A_643 = arith.addi %add3A_642, %convert_element_type3A_631 : vector<16xi32>
      %swap3A = arith.index_cast %mul3A_531 : i32 to index
      %swap3A_644 = tpu.vector_load %arg19[%swap3A] {strides = array<i32>} : memref<4096xi32, #tpu.memory_space<vmem>>, vector<16xi32>,
      %swap3A_645 = vector.shape_cast %swap3A_644 : vector<16xi32> to vector<16xi32>
      %swap3A_646 = vector.shape_cast %add3A_643 : vector<16xi32> to vector<16xi32>
      tpu.vector_store %arg19[%swap3A], %swap3A_646 {strides = array<i32>} : memref<4096xi32, #tpu.memory_space<vmem>>, vector<16xi32>,
      %scan3A_647 = arith.constant 0 : i32
      scf.yield %scan3A_647 : i32
    }
    %scan3A_419 = arith.constant 256 : i32
    %dma_wait3A_420 = arith.constant 0 : i32
    %dma_wait3A_421 = tpu.memref_slice %arg4[%dma_wait3A_420] : memref<12582912xi32, #tpu.memory_space<hbm>> -> memref<12582912xi32, #tpu.memory_space<hbm>>
    tpu.wait_indirect_dma semaphore(%arg28 : memref<!tpu.dma_semaphore, #tpu.memory_space<semaphore_mem>>) src(%dma_wait3A_421 : memref<12582912xi32, #tpu.memory_space<hbm>>) dst(%arg23 : memref<4096xi32, #tpu.memory_space<vmem>>)
    %dma_wait3A_422 = arith.constant 0 : i32
    %dma_wait3A_423 = tpu.memref_slice %arg5[%dma_wait3A_422] : memref<12582912xi32, #tpu.memory_space<hbm>> -> memref<12582912xi32, #tpu.memory_space<hbm>>
    tpu.wait_indirect_dma semaphore(%arg28 : memref<!tpu.dma_semaphore, #tpu.memory_space<semaphore_mem>>) src(%dma_wait3A_423 : memref<12582912xi32, #tpu.memory_space<hbm>>) dst(%arg24 : memref<4096xi32, #tpu.memory_space<vmem>>)
    %dma_start3A_424 = arith.constant 0 : i32
    %dma_start3A_425 = tpu.memref_slice %arg4[%dma_start3A_424] : memref<12582912xi32, #tpu.memory_space<hbm>> -> memref<12582912xi32, #tpu.memory_space<hbm>>
    tpu.enqueue_indirect_dma source(%dma_start3A_425 : memref<12582912xi32, #tpu.memory_space<hbm>>) target(%arg21 : memref<4096xi32, #tpu.memory_space<vmem>>) offsets(%arg19 : memref<4096xi32, #tpu.memory_space<vmem>>) semaphore(%arg28 : memref<!tpu.dma_semaphore, #tpu.memory_space<semaphore_mem>>)
    %dma_start3A_426 = arith.constant 0 : i32
    %dma_start3A_427 = tpu.memref_slice %arg5[%dma_start3A_426] : memref<12582912xi32, #tpu.memory_space<hbm>> -> memref<12582912xi32, #tpu.memory_space<hbm>>
    tpu.enqueue_indirect_dma source(%dma_start3A_427 : memref<12582912xi32, #tpu.memory_space<hbm>>) target(%arg22 : memref<4096xi32, #tpu.memory_space<vmem>>) offsets(%arg19 : memref<4096xi32, #tpu.memory_space<vmem>>) semaphore(%arg28 : memref<!tpu.dma_semaphore, #tpu.memory_space<semaphore_mem>>)
    %add3A_428 = arith.constant 28672 : i32
    %add3A_429 = arith.addi %mul3A_2, %add3A_428 : i32
    %add3A_430 = arith.constant 0 : i32
    %add3A_431 = arith.addi %add3A_430, %add3A_429 : i32
    %dma_start3A_432 = tpu.memref_slice %arg2[%add3A_431] : memref<3145728xf32, #tpu.memory_space<hbm>> -> memref<4096xf32, #tpu.memory_space<hbm>>
    %dma_start3A_433 = tpu.memref_slice %arg2[%add3A_431] : memref<3145728xf32, #tpu.memory_space<hbm>> -> memref<4096xf32, #tpu.memory_space<hbm>>
    tpu.enqueue_dma source(%dma_start3A_433 : memref<4096xf32, #tpu.memory_space<hbm>>) target(%arg13 : memref<4096xf32, #tpu.memory_space<vmem>>) target_semaphore(%arg27 : memref<!tpu.dma_semaphore, #tpu.memory_space<semaphore_mem>>)
    %add3A_434 = arith.constant 0 : i32
    %add3A_435 = arith.addi %add3A_434, %add3A_429 : i32
    %dma_start3A_436 = tpu.memref_slice %arg3[%add3A_435] : memref<3145728xf32, #tpu.memory_space<hbm>> -> memref<4096xf32, #tpu.memory_space<hbm>>
    %dma_start3A_437 = tpu.memref_slice %arg3[%add3A_435] : memref<3145728xf32, #tpu.memory_space<hbm>> -> memref<4096xf32, #tpu.memory_space<hbm>>
    tpu.enqueue_dma source(%dma_start3A_437 : memref<4096xf32, #tpu.memory_space<hbm>>) target(%arg16 : memref<4096xf32, #tpu.memory_space<vmem>>) target_semaphore(%arg27 : memref<!tpu.dma_semaphore, #tpu.memory_space<semaphore_mem>>)
    %add3A_438 = arith.constant 1048576 : i32
    %add3A_439 = arith.addi %add3A_438, %add3A_429 : i32
    %dma_start3A_440 = tpu.memref_slice %arg2[%add3A_439] : memref<3145728xf32, #tpu.memory_space<hbm>> -> memref<4096xf32, #tpu.memory_space<hbm>>
    %dma_start3A_441 = tpu.memref_slice %arg2[%add3A_439] : memref<3145728xf32, #tpu.memory_space<hbm>> -> memref<4096xf32, #tpu.memory_space<hbm>>
    tpu.enqueue_dma source(%dma_start3A_441 : memref<4096xf32, #tpu.memory_space<hbm>>) target(%arg14 : memref<4096xf32, #tpu.memory_space<vmem>>) target_semaphore(%arg27 : memref<!tpu.dma_semaphore, #tpu.memory_space<semaphore_mem>>)
    %add3A_442 = arith.constant 1048576 : i32
    %add3A_443 = arith.addi %add3A_442, %add3A_429 : i32
    %dma_start3A_444 = tpu.memref_slice %arg3[%add3A_443] : memref<3145728xf32, #tpu.memory_space<hbm>> -> memref<4096xf32, #tpu.memory_space<hbm>>
    %dma_start3A_445 = tpu.memref_slice %arg3[%add3A_443] : memref<3145728xf32, #tpu.memory_space<hbm>> -> memref<4096xf32, #tpu.memory_space<hbm>>
    tpu.enqueue_dma source(%dma_start3A_445 : memref<4096xf32, #tpu.memory_space<hbm>>) target(%arg17 : memref<4096xf32, #tpu.memory_space<vmem>>) target_semaphore(%arg27 : memref<!tpu.dma_semaphore, #tpu.memory_space<semaphore_mem>>)
    %add3A_446 = arith.constant 2097152 : i32
    %add3A_447 = arith.addi %add3A_446, %add3A_429 : i32
    %dma_start3A_448 = tpu.memref_slice %arg2[%add3A_447] : memref<3145728xf32, #tpu.memory_space<hbm>> -> memref<4096xf32, #tpu.memory_space<hbm>>
    %dma_start3A_449 = tpu.memref_slice %arg2[%add3A_447] : memref<3145728xf32, #tpu.memory_space<hbm>> -> memref<4096xf32, #tpu.memory_space<hbm>>
    tpu.enqueue_dma source(%dma_start3A_449 : memref<4096xf32, #tpu.memory_space<hbm>>) target(%arg15 : memref<4096xf32, #tpu.memory_space<vmem>>) target_semaphore(%arg27 : memref<!tpu.dma_semaphore, #tpu.memory_space<semaphore_mem>>)
    %add3A_450 = arith.constant 2097152 : i32
    %add3A_451 = arith.addi %add3A_450, %add3A_429 : i32
    %dma_start3A_452 = tpu.memref_slice %arg3[%add3A_451] : memref<3145728xf32, #tpu.memory_space<hbm>> -> memref<4096xf32, #tpu.memory_space<hbm>>
    %dma_start3A_453 = tpu.memref_slice %arg3[%add3A_451] : memref<3145728xf32, #tpu.memory_space<hbm>> -> memref<4096xf32, #tpu.memory_space<hbm>>
    tpu.enqueue_dma source(%dma_start3A_453 : memref<4096xf32, #tpu.memory_space<hbm>>) target(%arg18 : memref<4096xf32, #tpu.memory_space<vmem>>) target_semaphore(%arg27 : memref<!tpu.dma_semaphore, #tpu.memory_space<semaphore_mem>>)
    %dma_wait3A_454 = tpu.memref_slice %arg6[%add3A_332] : memref<1048576xf32, #tpu.memory_space<hbm>> -> memref<4096xf32, #tpu.memory_space<hbm>>
    %dma_wait3A_455 = tpu.memref_slice %arg6[%add3A_332] : memref<1048576xf32, #tpu.memory_space<hbm>> -> memref<4096xf32, #tpu.memory_space<hbm>>
    tpu.wait_dma2 semaphore(%arg29 : memref<!tpu.dma_semaphore, #tpu.memory_space<semaphore_mem>>) src(%arg26 : memref<4096xf32, #tpu.memory_space<vmem>>) dst(%dma_wait3A_455 : memref<4096xf32, #tpu.memory_space<hbm>>)
    %scan3A_456 = arith.constant 0 : i32
    %scan3A_457 = arith.constant 0 : i32
    %scan3A_458 = arith.constant 256 : i32
    %scan3A_459 = arith.addi %scan3A_457, %scan3A_458 : i32
    %scan3A_460 = arith.constant 1 : i32
    %scan3A_461 = scf.for %scan3A_528 = %scan3A_457 to %scan3A_459 step %scan3A_460 iter_args(%scan3A_529 = %scan3A_456) -> (i32)  : i32 {
      %mul3A_530 = arith.constant 16 : i32
      %mul3A_531 = arith.muli %scan3A_528, %mul3A_530 : i32
      %get3A = arith.index_cast %mul3A_531 : i32 to index
      %get3A_532 = tpu.vector_load %arg23[%get3A] {strides = array<i32>} : memref<4096xi32, #tpu.memory_space<vmem>>, vector<16xi32>,
      %get3A_533 = vector.shape_cast %get3A_532 : vector<16xi32> to vector<16xi32>
      %convert_element_type3A = arith.sitofp %get3A_533 : vector<16xi32> to vector<16xf32>
      %get3A_534 = arith.index_cast %mul3A_531 : i32 to index
      %get3A_535 = tpu.vector_load %arg24[%get3A_534] {strides = array<i32>} : memref<4096xi32, #tpu.memory_space<vmem>>, vector<16xi32>,
      %get3A_536 = vector.shape_cast %get3A_535 : vector<16xi32> to vector<16xi32>
      %convert_element_type3A_537 = arith.sitofp %get3A_536 : vector<16xi32> to vector<16xf32>
      %div3A = arith.divf %convert_element_type3A, %convert_element_type3A_537 : vector<16xf32>
      %swap3A = arith.index_cast %mul3A_531 : i32 to index
      %swap3A_538 = tpu.vector_load %arg26[%swap3A] {strides = array<i32>} : memref<4096xf32, #tpu.memory_space<vmem>>, vector<16xf32>,
      %swap3A_539 = vector.shape_cast %swap3A_538 : vector<16xf32> to vector<16xf32>
      %swap3A_540 = vector.shape_cast %div3A : vector<16xf32> to vector<16xf32>
      tpu.vector_store %arg26[%swap3A], %swap3A_540 {strides = array<i32>} : memref<4096xf32, #tpu.memory_space<vmem>>, vector<16xf32>,
      %scan3A_541 = arith.constant 0 : i32
      scf.yield %scan3A_541 : i32
    }
    %scan3A_462 = arith.constant 256 : i32
    %add3A_463 = arith.constant 20480 : i32
    %add3A_464 = arith.addi %mul3A_2, %add3A_463 : i32
    %dma_start3A_465 = tpu.memref_slice %arg6[%add3A_464] : memref<1048576xf32, #tpu.memory_space<hbm>> -> memref<4096xf32, #tpu.memory_space<hbm>>
    %dma_start3A_466 = tpu.memref_slice %arg6[%add3A_464] : memref<1048576xf32, #tpu.memory_space<hbm>> -> memref<4096xf32, #tpu.memory_space<hbm>>
    tpu.enqueue_dma source(%arg26 : memref<4096xf32, #tpu.memory_space<vmem>>) target(%dma_start3A_466 : memref<4096xf32, #tpu.memory_space<hbm>>) target_semaphore(%arg29 : memref<!tpu.dma_semaphore, #tpu.memory_space<semaphore_mem>>)
    %dma_wait3A_467 = tpu.memref_slice %arg2[%add3A_431] : memref<3145728xf32, #tpu.memory_space<hbm>> -> memref<4096xf32, #tpu.memory_space<hbm>>
    %dma_wait3A_468 = tpu.memref_slice %arg2[%add3A_431] : memref<3145728xf32, #tpu.memory_space<hbm>> -> memref<4096xf32, #tpu.memory_space<hbm>>
    tpu.wait_dma2 semaphore(%arg27 : memref<!tpu.dma_semaphore, #tpu.memory_space<semaphore_mem>>) src(%dma_wait3A_468 : memref<4096xf32, #tpu.memory_space<hbm>>) dst(%arg13 : memref<4096xf32, #tpu.memory_space<vmem>>)
    %dma_wait3A_469 = tpu.memref_slice %arg3[%add3A_435] : memref<3145728xf32, #tpu.memory_space<hbm>> -> memref<4096xf32, #tpu.memory_space<hbm>>
    %dma_wait3A_470 = tpu.memref_slice %arg3[%add3A_435] : memref<3145728xf32, #tpu.memory_space<hbm>> -> memref<4096xf32, #tpu.memory_space<hbm>>
    tpu.wait_dma2 semaphore(%arg27 : memref<!tpu.dma_semaphore, #tpu.memory_space<semaphore_mem>>) src(%dma_wait3A_470 : memref<4096xf32, #tpu.memory_space<hbm>>) dst(%arg16 : memref<4096xf32, #tpu.memory_space<vmem>>)
    %dma_wait3A_471 = tpu.memref_slice %arg2[%add3A_439] : memref<3145728xf32, #tpu.memory_space<hbm>> -> memref<4096xf32, #tpu.memory_space<hbm>>
    %dma_wait3A_472 = tpu.memref_slice %arg2[%add3A_439] : memref<3145728xf32, #tpu.memory_space<hbm>> -> memref<4096xf32, #tpu.memory_space<hbm>>
    tpu.wait_dma2 semaphore(%arg27 : memref<!tpu.dma_semaphore, #tpu.memory_space<semaphore_mem>>) src(%dma_wait3A_472 : memref<4096xf32, #tpu.memory_space<hbm>>) dst(%arg14 : memref<4096xf32, #tpu.memory_space<vmem>>)
    %dma_wait3A_473 = tpu.memref_slice %arg3[%add3A_443] : memref<3145728xf32, #tpu.memory_space<hbm>> -> memref<4096xf32, #tpu.memory_space<hbm>>
    %dma_wait3A_474 = tpu.memref_slice %arg3[%add3A_443] : memref<3145728xf32, #tpu.memory_space<hbm>> -> memref<4096xf32, #tpu.memory_space<hbm>>
    tpu.wait_dma2 semaphore(%arg27 : memref<!tpu.dma_semaphore, #tpu.memory_space<semaphore_mem>>) src(%dma_wait3A_474 : memref<4096xf32, #tpu.memory_space<hbm>>) dst(%arg17 : memref<4096xf32, #tpu.memory_space<vmem>>)
    %dma_wait3A_475 = tpu.memref_slice %arg2[%add3A_447] : memref<3145728xf32, #tpu.memory_space<hbm>> -> memref<4096xf32, #tpu.memory_space<hbm>>
    %dma_wait3A_476 = tpu.memref_slice %arg2[%add3A_447] : memref<3145728xf32, #tpu.memory_space<hbm>> -> memref<4096xf32, #tpu.memory_space<hbm>>
    tpu.wait_dma2 semaphore(%arg27 : memref<!tpu.dma_semaphore, #tpu.memory_space<semaphore_mem>>) src(%dma_wait3A_476 : memref<4096xf32, #tpu.memory_space<hbm>>) dst(%arg15 : memref<4096xf32, #tpu.memory_space<vmem>>)
    %dma_wait3A_477 = tpu.memref_slice %arg3[%add3A_451] : memref<3145728xf32, #tpu.memory_space<hbm>> -> memref<4096xf32, #tpu.memory_space<hbm>>
    %dma_wait3A_478 = tpu.memref_slice %arg3[%add3A_451] : memref<3145728xf32, #tpu.memory_space<hbm>> -> memref<4096xf32, #tpu.memory_space<hbm>>
    tpu.wait_dma2 semaphore(%arg27 : memref<!tpu.dma_semaphore, #tpu.memory_space<semaphore_mem>>) src(%dma_wait3A_478 : memref<4096xf32, #tpu.memory_space<hbm>>) dst(%arg18 : memref<4096xf32, #tpu.memory_space<vmem>>)
    %scan3A_479 = arith.constant 0 : i32
    %scan3A_480 = arith.constant 0 : i32
    %scan3A_481 = arith.constant 256 : i32
    %scan3A_482 = arith.addi %scan3A_480, %scan3A_481 : i32
    %scan3A_483 = arith.constant 1 : i32
    %scan3A_484 = scf.for %scan3A_528 = %scan3A_480 to %scan3A_482 step %scan3A_483 iter_args(%scan3A_529 = %scan3A_479) -> (i32)  : i32 {
      %mul3A_530 = arith.constant 16 : i32
      %mul3A_531 = arith.muli %scan3A_528, %mul3A_530 : i32
      %get3A = arith.index_cast %mul3A_531 : i32 to index
      %get3A_532 = tpu.vector_load %arg13[%get3A] {strides = array<i32>} : memref<4096xf32, #tpu.memory_space<vmem>>, vector<16xf32>,
      %get3A_533 = vector.shape_cast %get3A_532 : vector<16xf32> to vector<16xf32>
      %get3A_534 = arith.index_cast %mul3A_531 : i32 to index
      %get3A_535 = tpu.vector_load %arg14[%get3A_534] {strides = array<i32>} : memref<4096xf32, #tpu.memory_space<vmem>>, vector<16xf32>,
      %get3A_536 = vector.shape_cast %get3A_535 : vector<16xf32> to vector<16xf32>
      %get3A_537 = arith.index_cast %mul3A_531 : i32 to index
      %get3A_538 = tpu.vector_load %arg15[%get3A_537] {strides = array<i32>} : memref<4096xf32, #tpu.memory_space<vmem>>, vector<16xf32>,
      %get3A_539 = vector.shape_cast %get3A_538 : vector<16xf32> to vector<16xf32>
      %get3A_540 = arith.index_cast %mul3A_531 : i32 to index
      %get3A_541 = tpu.vector_load %arg16[%get3A_540] {strides = array<i32>} : memref<4096xf32, #tpu.memory_space<vmem>>, vector<16xf32>,
      %get3A_542 = vector.shape_cast %get3A_541 : vector<16xf32> to vector<16xf32>
      %get3A_543 = arith.index_cast %mul3A_531 : i32 to index
      %get3A_544 = tpu.vector_load %arg17[%get3A_543] {strides = array<i32>} : memref<4096xf32, #tpu.memory_space<vmem>>, vector<16xf32>,
      %get3A_545 = vector.shape_cast %get3A_544 : vector<16xf32> to vector<16xf32>
      %get3A_546 = arith.index_cast %mul3A_531 : i32 to index
      %get3A_547 = tpu.vector_load %arg18[%get3A_546] {strides = array<i32>} : memref<4096xf32, #tpu.memory_space<vmem>>, vector<16xf32>,
      %get3A_548 = vector.shape_cast %get3A_547 : vector<16xf32> to vector<16xf32>
      %abs3A = math.absf %get3A_542 : vector<16xf32>
      %abs3A_549 = math.absf %get3A_545 : vector<16xf32>
      %max3A = arith.maximumf %abs3A, %abs3A_549 : vector<16xf32>
      %abs3A_550 = math.absf %get3A_548 : vector<16xf32>
      %max3A_551 = arith.maximumf %max3A, %abs3A_550 : vector<16xf32>
      %div3A = arith.divf %get3A_542, %max3A_551 : vector<16xf32>
      %div3A_552 = arith.divf %get3A_545, %max3A_551 : vector<16xf32>
      %div3A_553 = arith.divf %get3A_548, %max3A_551 : vector<16xf32>
      %neg3A = arith.constant 0.000000e+00 : f32
      %neg3A_554 = arith.constant 1.000000e+00 : f32
      %neg3A_555 = arith.subf %neg3A, %neg3A_554 : f32
      %le3A = vector.broadcast %neg3A_555 : f32 to vector<16xf32>
      %le3A_556 = arith.cmpf ole, %div3A_553, %le3A : vector<16xf32>
      %ge3A = arith.constant 1.000000e+00 : f32
      %ge3A_557 = vector.broadcast %ge3A : f32 to vector<16xf32>
      %ge3A_558 = arith.cmpf oge, %div3A_553, %ge3A_557 : vector<16xf32>
      %neg3A_559 = arith.constant 0.000000e+00 : f32
      %neg3A_560 = arith.constant 1.000000e+00 : f32
      %neg3A_561 = arith.subf %neg3A_559, %neg3A_560 : f32
      %le3A_562 = vector.broadcast %neg3A_561 : f32 to vector<16xf32>
      %le3A_563 = arith.cmpf ole, %div3A_552, %le3A_562 : vector<16xf32>
      %ge3A_564 = arith.constant 1.000000e+00 : f32
      %ge3A_565 = vector.broadcast %ge3A_564 : f32 to vector<16xf32>
      %ge3A_566 = arith.cmpf oge, %div3A_552, %ge3A_565 : vector<16xf32>
      %neg3A_567 = arith.constant 0.000000e+00 : f32
      %neg3A_568 = arith.constant 1.000000e+00 : f32
      %neg3A_569 = arith.subf %neg3A_567, %neg3A_568 : f32
      %le3A_570 = vector.broadcast %neg3A_569 : f32 to vector<16xf32>
      %le3A_571 = arith.cmpf ole, %div3A, %le3A_570 : vector<16xf32>
      %jit3A = arith.constant 1 : i32
      %jit3A_572 = arith.constant 0 : i32
      %broadcast_in_dim3A = vector.broadcast %jit3A : i32 to vector<16xi32>
      %broadcast_in_dim3A_573 = vector.broadcast %jit3A_572 : i32 to vector<16xi32>
      %select_n3A = arith.select %le3A_571, %broadcast_in_dim3A, %broadcast_in_dim3A_573 : vector<16xi1>, vector<16xi32>
      %jit3A_574 = arith.constant 2 : i32
      %broadcast_in_dim3A_575 = vector.broadcast %jit3A_574 : i32 to vector<16xi32>
      %select_n3A_576 = arith.select %ge3A_566, %broadcast_in_dim3A_575, %select_n3A : vector<16xi1>, vector<16xi32>
      %jit3A_577 = arith.constant 3 : i32
      %broadcast_in_dim3A_578 = vector.broadcast %jit3A_577 : i32 to vector<16xi32>
      %select_n3A_579 = arith.select %le3A_563, %broadcast_in_dim3A_578, %select_n3A_576 : vector<16xi1>, vector<16xi32>
      %jit3A_580 = arith.constant 4 : i32
      %broadcast_in_dim3A_581 = vector.broadcast %jit3A_580 : i32 to vector<16xi32>
      %select_n3A_582 = arith.select %ge3A_558, %broadcast_in_dim3A_581, %select_n3A_579 : vector<16xi1>, vector<16xi32>
      %jit3A_583 = arith.constant 5 : i32
      %broadcast_in_dim3A_584 = vector.broadcast %jit3A_583 : i32 to vector<16xi32>
      %select_n3A_585 = arith.select %le3A_556, %broadcast_in_dim3A_584, %select_n3A_582 : vector<16xi1>, vector<16xi32>
      %div3A_586 = arith.constant 2.000000e+00 : f32
      %div3A_587 = vector.broadcast %div3A_586 : f32 to vector<16xf32>
      %div3A_588 = arith.divf %get3A_533, %div3A_587 : vector<16xf32>
      %add3A_589 = arith.constant 5.000000e-01 : f32
      %add3A_590 = vector.broadcast %add3A_589 : f32 to vector<16xf32>
      %add3A_591 = arith.addf %div3A_588, %add3A_590 : vector<16xf32>
      %mul3A_592 = arith.constant 1.270000e+02 : f32
      %mul3A_593 = vector.broadcast %mul3A_592 : f32 to vector<16xf32>
      %mul3A_594 = arith.mulf %add3A_591, %mul3A_593 : vector<16xf32>
      %max3A_595 = arith.constant 0.000000e+00 : f32
      %max3A_596 = vector.broadcast %max3A_595 : f32 to vector<16xf32>
      %max3A_597 = arith.maximumf %mul3A_594, %max3A_596 : vector<16xf32>
      %min3A = arith.constant 1.270000e+02 : f32
      %min3A_598 = vector.broadcast %min3A : f32 to vector<16xf32>
      %min3A_599 = arith.minimumf %max3A_597, %min3A_598 : vector<16xf32>
      %convert_element_type3A = arith.fptosi %min3A_599 : vector<16xf32> to vector<16xi32>
      %div3A_600 = arith.constant 2.000000e+00 : f32
      %div3A_601 = vector.broadcast %div3A_600 : f32 to vector<16xf32>
      %div3A_602 = arith.divf %get3A_536, %div3A_601 : vector<16xf32>
      %add3A_603 = arith.constant 5.000000e-01 : f32
      %add3A_604 = vector.broadcast %add3A_603 : f32 to vector<16xf32>
      %add3A_605 = arith.addf %div3A_602, %add3A_604 : vector<16xf32>
      %mul3A_606 = arith.constant 1.270000e+02 : f32
      %mul3A_607 = vector.broadcast %mul3A_606 : f32 to vector<16xf32>
      %mul3A_608 = arith.mulf %add3A_605, %mul3A_607 : vector<16xf32>
      %max3A_609 = arith.constant 0.000000e+00 : f32
      %max3A_610 = vector.broadcast %max3A_609 : f32 to vector<16xf32>
      %max3A_611 = arith.maximumf %mul3A_608, %max3A_610 : vector<16xf32>
      %min3A_612 = arith.constant 1.270000e+02 : f32
      %min3A_613 = vector.broadcast %min3A_612 : f32 to vector<16xf32>
      %min3A_614 = arith.minimumf %max3A_611, %min3A_613 : vector<16xf32>
      %convert_element_type3A_615 = arith.fptosi %min3A_614 : vector<16xf32> to vector<16xi32>
      %div3A_616 = arith.constant 2.000000e+00 : f32
      %div3A_617 = vector.broadcast %div3A_616 : f32 to vector<16xf32>
      %div3A_618 = arith.divf %get3A_539, %div3A_617 : vector<16xf32>
      %add3A_619 = arith.constant 5.000000e-01 : f32
      %add3A_620 = vector.broadcast %add3A_619 : f32 to vector<16xf32>
      %add3A_621 = arith.addf %div3A_618, %add3A_620 : vector<16xf32>
      %mul3A_622 = arith.constant 1.270000e+02 : f32
      %mul3A_623 = vector.broadcast %mul3A_622 : f32 to vector<16xf32>
      %mul3A_624 = arith.mulf %add3A_621, %mul3A_623 : vector<16xf32>
      %max3A_625 = arith.constant 0.000000e+00 : f32
      %max3A_626 = vector.broadcast %max3A_625 : f32 to vector<16xf32>
      %max3A_627 = arith.maximumf %mul3A_624, %max3A_626 : vector<16xf32>
      %min3A_628 = arith.constant 1.270000e+02 : f32
      %min3A_629 = vector.broadcast %min3A_628 : f32 to vector<16xf32>
      %min3A_630 = arith.minimumf %max3A_627, %min3A_629 : vector<16xf32>
      %convert_element_type3A_631 = arith.fptosi %min3A_630 : vector<16xf32> to vector<16xi32>
      %mul3A_632 = arith.constant 6 : i32
      %mul3A_633 = vector.broadcast %mul3A_632 : i32 to vector<16xi32>
      %mul3A_634 = arith.muli %convert_element_type3A, %mul3A_633 : vector<16xi32>
      %add3A_635 = arith.addi %mul3A_634, %select_n3A_585 : vector<16xi32>
      %mul3A_636 = arith.constant 16384 : i32
      %mul3A_637 = vector.broadcast %mul3A_636 : i32 to vector<16xi32>
      %mul3A_638 = arith.muli %add3A_635, %mul3A_637 : vector<16xi32>
      %mul3A_639 = arith.constant 128 : i32
      %mul3A_640 = vector.broadcast %mul3A_639 : i32 to vector<16xi32>
      %mul3A_641 = arith.muli %convert_element_type3A_615, %mul3A_640 : vector<16xi32>
      %add3A_642 = arith.addi %mul3A_638, %mul3A_641 : vector<16xi32>
      %add3A_643 = arith.addi %add3A_642, %convert_element_type3A_631 : vector<16xi32>
      %swap3A = arith.index_cast %mul3A_531 : i32 to index
      %swap3A_644 = tpu.vector_load %arg20[%swap3A] {strides = array<i32>} : memref<4096xi32, #tpu.memory_space<vmem>>, vector<16xi32>,
      %swap3A_645 = vector.shape_cast %swap3A_644 : vector<16xi32> to vector<16xi32>
      %swap3A_646 = vector.shape_cast %add3A_643 : vector<16xi32> to vector<16xi32>
      tpu.vector_store %arg20[%swap3A], %swap3A_646 {strides = array<i32>} : memref<4096xi32, #tpu.memory_space<vmem>>, vector<16xi32>,
      %scan3A_647 = arith.constant 0 : i32
      scf.yield %scan3A_647 : i32
    }
    %scan3A_485 = arith.constant 256 : i32
    %dma_wait3A_486 = arith.constant 0 : i32
    %dma_wait3A_487 = tpu.memref_slice %arg4[%dma_wait3A_486] : memref<12582912xi32, #tpu.memory_space<hbm>> -> memref<12582912xi32, #tpu.memory_space<hbm>>
    tpu.wait_indirect_dma semaphore(%arg28 : memref<!tpu.dma_semaphore, #tpu.memory_space<semaphore_mem>>) src(%dma_wait3A_487 : memref<12582912xi32, #tpu.memory_space<hbm>>) dst(%arg21 : memref<4096xi32, #tpu.memory_space<vmem>>)
    %dma_wait3A_488 = arith.constant 0 : i32
    %dma_wait3A_489 = tpu.memref_slice %arg5[%dma_wait3A_488] : memref<12582912xi32, #tpu.memory_space<hbm>> -> memref<12582912xi32, #tpu.memory_space<hbm>>
    tpu.wait_indirect_dma semaphore(%arg28 : memref<!tpu.dma_semaphore, #tpu.memory_space<semaphore_mem>>) src(%dma_wait3A_489 : memref<12582912xi32, #tpu.memory_space<hbm>>) dst(%arg22 : memref<4096xi32, #tpu.memory_space<vmem>>)
    %dma_start3A_490 = arith.constant 0 : i32
    %dma_start3A_491 = tpu.memref_slice %arg4[%dma_start3A_490] : memref<12582912xi32, #tpu.memory_space<hbm>> -> memref<12582912xi32, #tpu.memory_space<hbm>>
    tpu.enqueue_indirect_dma source(%dma_start3A_491 : memref<12582912xi32, #tpu.memory_space<hbm>>) target(%arg23 : memref<4096xi32, #tpu.memory_space<vmem>>) offsets(%arg20 : memref<4096xi32, #tpu.memory_space<vmem>>) semaphore(%arg28 : memref<!tpu.dma_semaphore, #tpu.memory_space<semaphore_mem>>)
    %dma_start3A_492 = arith.constant 0 : i32
    %dma_start3A_493 = tpu.memref_slice %arg5[%dma_start3A_492] : memref<12582912xi32, #tpu.memory_space<hbm>> -> memref<12582912xi32, #tpu.memory_space<hbm>>
    tpu.enqueue_indirect_dma source(%dma_start3A_493 : memref<12582912xi32, #tpu.memory_space<hbm>>) target(%arg24 : memref<4096xi32, #tpu.memory_space<vmem>>) offsets(%arg20 : memref<4096xi32, #tpu.memory_space<vmem>>) semaphore(%arg28 : memref<!tpu.dma_semaphore, #tpu.memory_space<semaphore_mem>>)
    %dma_wait3A_494 = tpu.memref_slice %arg6[%add3A_398] : memref<1048576xf32, #tpu.memory_space<hbm>> -> memref<4096xf32, #tpu.memory_space<hbm>>
    %dma_wait3A_495 = tpu.memref_slice %arg6[%add3A_398] : memref<1048576xf32, #tpu.memory_space<hbm>> -> memref<4096xf32, #tpu.memory_space<hbm>>
    tpu.wait_dma2 semaphore(%arg29 : memref<!tpu.dma_semaphore, #tpu.memory_space<semaphore_mem>>) src(%arg25 : memref<4096xf32, #tpu.memory_space<vmem>>) dst(%dma_wait3A_495 : memref<4096xf32, #tpu.memory_space<hbm>>)
    %scan3A_496 = arith.constant 0 : i32
    %scan3A_497 = arith.constant 0 : i32
    %scan3A_498 = arith.constant 256 : i32
    %scan3A_499 = arith.addi %scan3A_497, %scan3A_498 : i32
    %scan3A_500 = arith.constant 1 : i32
    %scan3A_501 = scf.for %scan3A_528 = %scan3A_497 to %scan3A_499 step %scan3A_500 iter_args(%scan3A_529 = %scan3A_496) -> (i32)  : i32 {
      %mul3A_530 = arith.constant 16 : i32
      %mul3A_531 = arith.muli %scan3A_528, %mul3A_530 : i32
      %get3A = arith.index_cast %mul3A_531 : i32 to index
      %get3A_532 = tpu.vector_load %arg21[%get3A] {strides = array<i32>} : memref<4096xi32, #tpu.memory_space<vmem>>, vector<16xi32>,
      %get3A_533 = vector.shape_cast %get3A_532 : vector<16xi32> to vector<16xi32>
      %convert_element_type3A = arith.sitofp %get3A_533 : vector<16xi32> to vector<16xf32>
      %get3A_534 = arith.index_cast %mul3A_531 : i32 to index
      %get3A_535 = tpu.vector_load %arg22[%get3A_534] {strides = array<i32>} : memref<4096xi32, #tpu.memory_space<vmem>>, vector<16xi32>,
      %get3A_536 = vector.shape_cast %get3A_535 : vector<16xi32> to vector<16xi32>
      %convert_element_type3A_537 = arith.sitofp %get3A_536 : vector<16xi32> to vector<16xf32>
      %div3A = arith.divf %convert_element_type3A, %convert_element_type3A_537 : vector<16xf32>
      %swap3A = arith.index_cast %mul3A_531 : i32 to index
      %swap3A_538 = tpu.vector_load %arg25[%swap3A] {strides = array<i32>} : memref<4096xf32, #tpu.memory_space<vmem>>, vector<16xf32>,
      %swap3A_539 = vector.shape_cast %swap3A_538 : vector<16xf32> to vector<16xf32>
      %swap3A_540 = vector.shape_cast %div3A : vector<16xf32> to vector<16xf32>
      tpu.vector_store %arg25[%swap3A], %swap3A_540 {strides = array<i32>} : memref<4096xf32, #tpu.memory_space<vmem>>, vector<16xf32>,
      %scan3A_541 = arith.constant 0 : i32
      scf.yield %scan3A_541 : i32
    }
    %scan3A_502 = arith.constant 256 : i32
    %add3A_503 = arith.constant 24576 : i32
    %add3A_504 = arith.addi %mul3A_2, %add3A_503 : i32
    %dma_start3A_505 = tpu.memref_slice %arg6[%add3A_504] : memref<1048576xf32, #tpu.memory_space<hbm>> -> memref<4096xf32, #tpu.memory_space<hbm>>
    %dma_start3A_506 = tpu.memref_slice %arg6[%add3A_504] : memref<1048576xf32, #tpu.memory_space<hbm>> -> memref<4096xf32, #tpu.memory_space<hbm>>
    tpu.enqueue_dma source(%arg25 : memref<4096xf32, #tpu.memory_space<vmem>>) target(%dma_start3A_506 : memref<4096xf32, #tpu.memory_space<hbm>>) target_semaphore(%arg29 : memref<!tpu.dma_semaphore, #tpu.memory_space<semaphore_mem>>)
    %dma_wait3A_507 = arith.constant 0 : i32
    %dma_wait3A_508 = tpu.memref_slice %arg4[%dma_wait3A_507] : memref<12582912xi32, #tpu.memory_space<hbm>> -> memref<12582912xi32, #tpu.memory_space<hbm>>
    tpu.wait_indirect_dma semaphore(%arg28 : memref<!tpu.dma_semaphore, #tpu.memory_space<semaphore_mem>>) src(%dma_wait3A_508 : memref<12582912xi32, #tpu.memory_space<hbm>>) dst(%arg23 : memref<4096xi32, #tpu.memory_space<vmem>>)
    %dma_wait3A_509 = arith.constant 0 : i32
    %dma_wait3A_510 = tpu.memref_slice %arg5[%dma_wait3A_509] : memref<12582912xi32, #tpu.memory_space<hbm>> -> memref<12582912xi32, #tpu.memory_space<hbm>>
    tpu.wait_indirect_dma semaphore(%arg28 : memref<!tpu.dma_semaphore, #tpu.memory_space<semaphore_mem>>) src(%dma_wait3A_510 : memref<12582912xi32, #tpu.memory_space<hbm>>) dst(%arg24 : memref<4096xi32, #tpu.memory_space<vmem>>)
    %scan3A_511 = arith.constant 0 : i32
    %scan3A_512 = arith.constant 0 : i32
    %scan3A_513 = arith.constant 256 : i32
    %scan3A_514 = arith.addi %scan3A_512, %scan3A_513 : i32
    %scan3A_515 = arith.constant 1 : i32
    %scan3A_516 = scf.for %scan3A_528 = %scan3A_512 to %scan3A_514 step %scan3A_515 iter_args(%scan3A_529 = %scan3A_511) -> (i32)  : i32 {
      %mul3A_530 = arith.constant 16 : i32
      %mul3A_531 = arith.muli %scan3A_528, %mul3A_530 : i32
      %get3A = arith.index_cast %mul3A_531 : i32 to index
      %get3A_532 = tpu.vector_load %arg23[%get3A] {strides = array<i32>} : memref<4096xi32, #tpu.memory_space<vmem>>, vector<16xi32>,
      %get3A_533 = vector.shape_cast %get3A_532 : vector<16xi32> to vector<16xi32>
      %convert_element_type3A = arith.sitofp %get3A_533 : vector<16xi32> to vector<16xf32>
      %get3A_534 = arith.index_cast %mul3A_531 : i32 to index
      %get3A_535 = tpu.vector_load %arg24[%get3A_534] {strides = array<i32>} : memref<4096xi32, #tpu.memory_space<vmem>>, vector<16xi32>,
      %get3A_536 = vector.shape_cast %get3A_535 : vector<16xi32> to vector<16xi32>
      %convert_element_type3A_537 = arith.sitofp %get3A_536 : vector<16xi32> to vector<16xf32>
      %div3A = arith.divf %convert_element_type3A, %convert_element_type3A_537 : vector<16xf32>
      %swap3A = arith.index_cast %mul3A_531 : i32 to index
      %swap3A_538 = tpu.vector_load %arg26[%swap3A] {strides = array<i32>} : memref<4096xf32, #tpu.memory_space<vmem>>, vector<16xf32>,
      %swap3A_539 = vector.shape_cast %swap3A_538 : vector<16xf32> to vector<16xf32>
      %swap3A_540 = vector.shape_cast %div3A : vector<16xf32> to vector<16xf32>
      tpu.vector_store %arg26[%swap3A], %swap3A_540 {strides = array<i32>} : memref<4096xf32, #tpu.memory_space<vmem>>, vector<16xf32>,
      %scan3A_541 = arith.constant 0 : i32
      scf.yield %scan3A_541 : i32
    }
    %scan3A_517 = arith.constant 256 : i32
    %add3A_518 = arith.constant 28672 : i32
    %add3A_519 = arith.addi %mul3A_2, %add3A_518 : i32
    %dma_start3A_520 = tpu.memref_slice %arg6[%add3A_519] : memref<1048576xf32, #tpu.memory_space<hbm>> -> memref<4096xf32, #tpu.memory_space<hbm>>
    %dma_start3A_521 = tpu.memref_slice %arg6[%add3A_519] : memref<1048576xf32, #tpu.memory_space<hbm>> -> memref<4096xf32, #tpu.memory_space<hbm>>
    tpu.enqueue_dma source(%arg26 : memref<4096xf32, #tpu.memory_space<vmem>>) target(%dma_start3A_521 : memref<4096xf32, #tpu.memory_space<hbm>>) target_semaphore(%arg29 : memref<!tpu.dma_semaphore, #tpu.memory_space<semaphore_mem>>)
    %dma_wait3A_522 = tpu.memref_slice %arg6[%add3A_464] : memref<1048576xf32, #tpu.memory_space<hbm>> -> memref<4096xf32, #tpu.memory_space<hbm>>
    %dma_wait3A_523 = tpu.memref_slice %arg6[%add3A_464] : memref<1048576xf32, #tpu.memory_space<hbm>> -> memref<4096xf32, #tpu.memory_space<hbm>>
    tpu.wait_dma2 semaphore(%arg29 : memref<!tpu.dma_semaphore, #tpu.memory_space<semaphore_mem>>) src(%arg26 : memref<4096xf32, #tpu.memory_space<vmem>>) dst(%dma_wait3A_523 : memref<4096xf32, #tpu.memory_space<hbm>>)
    %dma_wait3A_524 = tpu.memref_slice %arg6[%add3A_504] : memref<1048576xf32, #tpu.memory_space<hbm>> -> memref<4096xf32, #tpu.memory_space<hbm>>
    %dma_wait3A_525 = tpu.memref_slice %arg6[%add3A_504] : memref<1048576xf32, #tpu.memory_space<hbm>> -> memref<4096xf32, #tpu.memory_space<hbm>>
    tpu.wait_dma2 semaphore(%arg29 : memref<!tpu.dma_semaphore, #tpu.memory_space<semaphore_mem>>) src(%arg25 : memref<4096xf32, #tpu.memory_space<vmem>>) dst(%dma_wait3A_525 : memref<4096xf32, #tpu.memory_space<hbm>>)
    %dma_wait3A_526 = tpu.memref_slice %arg6[%add3A_519] : memref<1048576xf32, #tpu.memory_space<hbm>> -> memref<4096xf32, #tpu.memory_space<hbm>>
    %dma_wait3A_527 = tpu.memref_slice %arg6[%add3A_519] : memref<1048576xf32, #tpu.memory_space<hbm>> -> memref<4096xf32, #tpu.memory_space<hbm>>
    tpu.wait_dma2 semaphore(%arg29 : memref<!tpu.dma_semaphore, #tpu.memory_space<semaphore_mem>>) src(%arg26 : memref<4096xf32, #tpu.memory_space<vmem>>) dst(%dma_wait3A_527 : memref<4096xf32, #tpu.memory_space<hbm>>)
    return
  }
}

</mosaic_0001>

<sc_bundles>
// kernel: _run.3.cloned.1.call-start
scs
__scs_entry_jumppad:
0x0: {  	(pc) =	sbr.rel $0x88, $3  }
0x1: {  	(tag) =	ssettag $0x0;
	lr =	simm.s32 $0x1  }
0x2: {  	[smem:$0x3F9D] =	sst lr;
	_ =	strace $0xD0000000  }
0x3: {  	_ = 	snop  }
0x4: {  	_ = 	snop  }
0x5: {  	_ = 	snop  }
0x6: {  	_ = 	snop  }
0x7: {  	_ = 	snop  }
__scs_overlays_trampoline_lowered:
0x8: {  	[smem:$0x3FAC] =	sst s0  }
0x9: {  	[smem:$0x3FAD] =	sst s1  }
0xa: {  	[smem:$0x3FAE] =	sst s2  }
0xb: {  	[smem:$0x3FAF] =	sst s3  }
0xc: {  	[smem:$0x3FB0] =	sst s4  }
0xd: {  	[smem:$0x3FB1] =	sst s5  }
0xe: {  	[smem:$0x3FB2] =	sst s6  }
0xf: {  	[smem:$0x3FB3] =	sst s7  }
0x10: {  	[smem:$0x3FB4] =	sst s8  }
0x11: {  	[smem:$0x3FB5] =	sst s9;
	s0 =	simm.s32 @!p0 $0x0  }
0x12: {  	s1 =	sld [smem:$0x3F9B];
	s0 =	simm.s32 @p0 $0x1  }
0x13: {  	[smem:$0x3FB6] =	sst s0;
	s0 =	simm.s32 @!p1 $0x0  }
0x14: {  	s2 =	sld [smem:$0x3F9A];
	s0 =	simm.s32 @p1 $0x1  }
0x15: {  	[smem:$0x3FB7] =	sst s0;
	s0 =	simm.s32 @!p2 $0x0  }
0x16: {  	s3 =	sld [smem:$0x3FDB];
	s0 =	simm.s32 @p2 $0x1  }
0x17: {  	s4 =	simm.s32 $0x1BF5;
	[smem:$0x3FB9] =	sst s0  }
0x18: {  	s0 =	sld [smem:$0x3F9C];
	_ =	swait.ge [sflag:s4], $0x0  }
0x19: {  	s7 =	sld [smem:$0x3F9D]  }
0x1a: {  	s8 =	sadd.s32 $0xFFFFE003, lr  }
0x1b: {  	s9 =	sadd.s32 $0xFFFFFEF7, lr;
	s5 =	simm.s32 $0xFFFFFFFF;
	p2 =	slt.u32 s8, $0xFFFFF086  }
0x1c: {  	p1 =	slt.u32 s9, $0xF7A;
	s5 =	simm.s32 @!p2 $0x0  }
0x1d: {  	s5 =	simm.s32 @p1 $0x1;
	p0 =	seq.s32 s7, s2  }
0x1e: {  	s7 =	smul.u32 @!p0 $0xF7A, s2;
	p2 =	seq.s32 @!p0 s5, $0x0  }
0x1f: {  	s9 =	smul.u32 $0xF7A, s1;
	s8 =	simm.s32 @!p0 $0x1BF5;
	p2 =	por !p2, p0  }
0x20: {  	[sflag:s8] =	ssyncset.s32 @!p0 $0xFFFFF086;
	s6 =	sadd.s32 @!p0 s3, s7;
	s7 =	simm.s32 @!p0 $0x108  }
0x21: {  	s3 =	sadd.s32 s3, s9;
	s6 =	sadd.s32 @!p0 $0x88, s6;
	s7 =	simm.s32 @p2 $0x1082  }
0x22: {  	[simem:s7], [sflag:s8] =	dma.local @!p0 [hbm:s6], $0xF7A  }
0x23: {  	s9 =	sor.u32 $0xD0000000, s2;
	s6 =	simm.s32 $0x108;
	_ =	swait.ge @!p0 [sflag:s8], $0x0  }
0x24: {  	s3 =	sadd.s32 $0x88, s3;
	s6 =	simm.s32 @!p1 $0x1082;
	[sflag:s4] =	ssyncset.s32 $0xFFFFF086  }
0x25: {  	[simem:s6], [sflag:s4] =	dma.local [hbm:s3], $0xF7A  }
0x26: {  	[smem:$0x3F9D] =	sst s1;
	(tag) =	ssettag s2;
	_ =	strace s9  }
0x27: {  	s1 =	sld [smem:$0x3FAD]  }
0x28: {  	s2 =	sld [smem:$0x3FAE]  }
0x29: {  	s4 =	sld [smem:$0x3FB0]  }
0x2a: {  	p0 =	seq.s32 s5, $0x0;
	s5 =	sld [smem:$0x3FB1]  }
0x2b: {  	s6 =	sld [smem:$0x3FB2]  }
0x2c: {  	s7 =	sld [smem:$0x3FB3]  }
0x2d: {  	s3 =	simm.s32 $0x108;
	s8 =	sld [smem:$0x3FB4]  }
0x2e: {  	s3 =	simm.s32 @!p0 $0x1082;
	s9 =	sld [smem:$0x3FB5]  }
0x2f: {  	lr =	sadd.s32 s0, s3;
	s0 =	sld [smem:$0x3FAC]  }
0x30: {  	s3 =	sld [smem:$0x3FAF]  }
0x31: {  	[smem:$0x3FB8] =	sst s10  }
0x32: {  	s10 =	sld [smem:$0x3FB6];
	_ =	sdelay $0x3  }
0x33: {  	p0 =	seq.s32 s10, $0x1;
	s10 =	sld [smem:$0x3FB8];
	_ =	sdelay $0x3  }
0x34: {  	[smem:$0x3FB8] =	sst s10  }
0x35: {  	s10 =	sld [smem:$0x3FB7];
	_ =	sdelay $0x3  }
0x36: {  	p1 =	seq.s32 s10, $0x1;
	s10 =	sld [smem:$0x3FB8];
	_ =	sdelay $0x3  }
0x37: {  	[smem:$0x3FB8] =	sst s10  }
0x38: {  	s10 =	sld [smem:$0x3FB9]  }
0x39: {  	_ = 	snop;
	(pc) =	sbr.ind lr, $3  }
0x3a: {  	_ = 	snop  }
0x3b: {  	_ = 	snop  }
0x3c: {  	p2 =	seq.s32 s10, $0x1;
	s10 =	sld [smem:$0x3FB8]  }
0x3d: {  	_ =	shalt  }
0x3e: {  	_ =	shalt  }
0x3f: {  	_ =	shalt  }
0x40: {  	_ =	shalt  }
0x41: {  	_ =	shalt  }
0x42: {  	_ =	shalt  }
0x43: {  	_ =	shalt  }
0x44: {  	_ =	shalt  }
0x45: {  	_ =	shalt  }
0x46: {  	_ =	shalt  }
0x47: {  	_ =	shalt  }
0x48: {  	_ =	shalt  }
0x49: {  	_ =	shalt  }
0x4a: {  	_ =	shalt  }
0x4b: {  	_ =	shalt  }
0x4c: {  	_ =	shalt  }
0x4d: {  	_ =	shalt  }
0x4e: {  	_ =	shalt  }
0x4f: {  	_ =	shalt  }
0x50: {  	_ =	shalt  }
0x51: {  	_ =	shalt  }
0x52: {  	_ =	shalt  }
0x53: {  	_ =	shalt  }
0x54: {  	_ =	shalt  }
0x55: {  	_ =	shalt  }
0x56: {  	_ =	shalt  }
0x57: {  	_ =	shalt  }
0x58: {  	_ =	shalt  }
0x59: {  	_ =	shalt  }
0x5a: {  	_ =	shalt  }
0x5b: {  	_ =	shalt  }
0x5c: {  	_ =	shalt  }
0x5d: {  	_ =	shalt  }
0x5e: {  	_ =	shalt  }
0x5f: {  	_ =	shalt  }
0x60: {  	_ =	shalt  }
0x61: {  	_ =	shalt  }
0x62: {  	_ =	shalt  }
0x63: {  	_ =	shalt  }
0x64: {  	_ =	shalt  }
0x65: {  	_ =	shalt  }
0x66: {  	_ =	shalt  }
0x67: {  	_ =	shalt  }
0x68: {  	_ =	shalt  }
0x69: {  	_ =	shalt  }
0x6a: {  	_ =	shalt  }
0x6b: {  	_ =	shalt  }
0x6c: {  	_ =	shalt  }
0x6d: {  	_ =	shalt  }
0x6e: {  	_ =	shalt  }
0x6f: {  	_ =	shalt  }
0x70: {  	_ =	shalt  }
0x71: {  	_ =	shalt  }
0x72: {  	_ =	shalt  }
0x73: {  	_ =	shalt  }
0x74: {  	_ =	shalt  }
0x75: {  	_ =	shalt  }
0x76: {  	_ =	shalt  }
0x77: {  	_ =	shalt  }
0x78: {  	_ =	shalt  }
0x79: {  	_ =	shalt  }
0x7a: {  	_ =	shalt  }
0x7b: {  	_ =	shalt  }
0x7c: {  	_ =	shalt  }
0x7d: {  	_ =	shalt  }
0x7e: {  	_ =	shalt  }
0x7f: {  	_ =	shalt  }
0x80: {  	_ =	shalt  }
0x81: {  	_ =	shalt  }
0x82: {  	_ =	shalt  }
0x83: {  	_ =	shalt  }
0x84: {  	_ =	shalt  }
0x85: {  	_ =	shalt  }
0x86: {  	_ =	shalt  }
0x87: {  	_ =	shalt  }
.Lfunc_end0:
.L_simem_size_0:
called_computation_lowered:
.L_overlay_start_0:
0x88: {  	s2 =	sld [smem:$0x3FD9]  }
0x89: {  	s3 =	sld [smem:$0x3FFE];
	_ =	sdelay $0x1  }
0x8a: {  	s1 =	srdreg.scid  }
0x8b: {  	s0 =	sand.u32 $0x1, s1  }
0x8c: {  	s18 =	sshll.u32 s0, $0xA;
	s2 =	sadd.s32 s3, s2  }
0x8d: {  	s2 =	sadd.s32 s2, s18  }
0x8e: {  	[smem:$0x3FC4] =	sst s2  }
0x8f: {  	_ = 	snop  }
0x90: {  	s2 =	sld [smem:$0x3FC9]  }
0x91: {  	s19 =	sld [smem:$0x3FC8]  }
0x92: {  	s4 =	sld [smem:$0x3FC7]  }
0x93: {  	s5 =	sld [smem:$0x3FC6]  }
0x94: {  	s6 =	sld [smem:$0x3FD0];
	(tm) =	ssettm $0x1  }
0x95: {  	s7 =	sld [smem:$0x3FFB];
	_ =	sdelay $0x3  }
0x96: {  	_ =	strace s7  }
0x97: {  	s7 =	sld [smem:$0x3FFC];
	_ =	sdelay $0x3  }
0x98: {  	_ =	strace s7  }
0x99: {  	s7 =	sld [smem:$0x3FFD];
	_ =	sdelay $0x3  }
0x9a: {  	_ =	strace s7  }
0x9b: {  	_ =	strace $0x8FFFFFFF  }
0x9c: {  	s20 =	sld [smem:$0x3FDB];
	_ =	sdelay $0x1  }
0x9d: {  	s8 =	simm.s32 $_scs_section_size  }
0x9e: {  	s9 =	simm.s32 $_size__tile_overlayer_lowered;
	s10 =	simm.s32 $_tile_overlayer_lowered  }
0x9f: {  	s23 =	simm.s32 $0x1BFF;
	s22 =	sshll.u32 s10, $0x1;
	s7 =	sadd.s32 s8, s20  }
0xa0: {  	s11 =	simm.s32 $0x0;
	s21 =	sshll.u32 s9, $0x1;
	s9 =	sadd.s32 s22, s7  }
0xa1: {  	[timem:s11], [sflag:s23] =	dma.local [hbm:s9], s21  }
0xa2: {  	_ =	swait.ge [sflag:s23], s21  }
0xa3: {  	s8 =	ssub.s32 $0x0, s21;
	[sflag:s23] =	ssyncset.done $0x0  }
0xa4: {  	[sflag:s23] =	ssyncadd.s32 s8;
	_ =	sdelay $0x1  }
0xa5: {  	s24 =	simm.s32 $0x1B8B  }
0xa6: {  	_ =	swait.ge [sflag:s24], $0x1  }
0xa7: {  	[sflag:s24] =	ssyncset.done $0x0  }
0xa8: {  	s25 =	simm.s32 $0x1B8E;
	[sflag:s24] =	ssyncadd.s32 $0xFFFFFFFF  }
0xa9: {  	s26 =	simm.s32 $execute0_lowered;
	[smem:$0x3FD2] =	sst s25  }
0xaa: {  	s8 =	sshll.u32 s26, $0x1;
	_ =	strace $0x80000046;
	[dreg:$0x1] =	wrdreg $0xFFFFFFFF  }
0xab: {  	s28 =	simm.s32 $_size_execute0_lowered;
	s7 =	sadd.s32 s7, s8;
	[dreg:$0x0] =	wrdreg $0x0  }
0xac: {  	s8 =	sshll.u32 s28, $0x1;
	[dreg:$0x2] =	wrdreg s7  }
0xad: {  	[dreg:$0x3] =	wrdreg s8  }
0xae: {  	[dreg:$0x4] =	wrdreg $0xC0  }
0xaf: {  	_ =	task [dreg:s11], $0x5FFFF  }
0xb0: {  	[dreg:$0x1] =	wrdreg $0xFFFFFFFF  }
0xb1: {  	[dreg:$0x0] =	wrdreg $0x60  }
0xb2: {  	[dreg:$0x2] =	wrdreg s2  }
0xb3: {  	[dreg:$0x3] =	wrdreg s19  }
0xb4: {  	[dreg:$0x4] =	wrdreg s4  }
0xb5: {  	[dreg:$0x5] =	wrdreg s5  }
0xb6: {  	[dreg:$0x6] =	wrdreg s6  }
0xb7: {  	[dreg:$0x7] =	wrdreg $0x9  }
0xb8: {  	_ =	task.clear_ibuf [dreg:s11], $0x8FFFF;
	_ =	strace $0x90000046  }
0xb9: {  	s29 =	simm.s32 $0x9;
	_ =	strace $0x80000048  }
0xba: {  	_ =	swait.ge [sflag:s29], $0x1  }
0xbb: {  	[sflag:s29] =	ssyncadd.s32 $0xFFFFFFFF  }
0xbc: {  	_ =	strace $0x90000048  }
0xbd: {  	_ =	sfence  }
0xbe: {  	s30 =	sld [smem:$0x0];
	_ =	sdelay $0x2  }
0xbf: {  	s31 =	sshll.u32 s1, $0xD;
	s1 =	sshrl.u32 s1, $0x2  }
0xc0: {  	s3 =	sand.u32 $0x4000, s31;
	s1 =	sadd.s32 s1, s30  }
0xc1: {  	s0 =	sor.u32 s3, s0;
	s1 =	sshll.u32 s1, $0x11  }
0xc2: {  	s0 =	sor.u32 s1, s0  }
0xc3: {  	s0 =	sadd.s32 $0x8F2B, s0  }
0xc4: {  	[sflag:s0] =	ssyncadd.remote.s32 $0x1  }
0xc5: {  	_ =	sfence.sel $0xFFFF  }
0xc6: {  	[dreg:$0x0] =	wrdreg $0xFFFFFFFF;
	(pc) =	sbr.abs _section_cstart, $3  }
0xc7: {  	[dreg:$0x1] =	wrdreg $0xFFFFFFFF  }
0xc8: {  	_ =	task.clear_ibuf [dreg:s11], $0x2FFFF;
	_ =	strace $0x9FFFFFFF  }
0xc9: {  	(tm) =	ssettm $0x7FFFFFFF  }
tec
execute0_lowered:
.L_overlay_start_1:
0x0: {  	(tag) =	ssettag $0x1  }
0x1: {  	s5 =	rddreg [dreg:$0x0]  }
0x2: {  	s0 =	rddreg [dreg:$0x1]  }
0x3: {  	s1 =	rddreg [dreg:$0x2];
	s6 =	srdreg.scid  }
0x4: {  	s2 =	rddreg [dreg:$0x3];
	s7 =	stileid.u32;
	s6 =	sand.u32 $0x1, s6  }
0x5: {  	s7 =	sshll.u32 s7, $0xD;
	s8 =	ssub.s32 $0x2, s6;
	s6 =	sshll.u32 s6, $0xC  }
0x6: {  	s3 =	rddreg [dreg:$0x4];
	s4 =	simm.s32 $0x0;
	s7 =	sor.u32 s6, s7  }
0x7: {  	[smem:$0x7FF] =	sst s4;
	s9 =	sshrl.u32 s8, $0x1;
	s10 =	sor.u32 $0x20000, s7  }
0x8: {  	_ =	strace $0x80000047;
	s6 =	ssub.s32 s8, s9;
	s11 =	sadd.s32 s5, s10  }
0x9: {  	s12 =	sor.u32 $0x40000, s7;
	s8 =	sadd.s32 s0, s10;
	[dreg:$0x6] =	wrdreg s11  }
0xa: {  	s14 =	sor.u32 $0x20200, s7;
	s13 =	sadd.s32 s5, s12;
	[dreg:$0x7] =	wrdreg s8  }
0xb: {  	s16 =	sor.u32 $0x40200, s7;
	s15 =	sadd.s32 s5, s14;
	[dreg:$0x8] =	wrdreg s13  }
0xc: {  	s18 =	sor.u32 $0x20400, s7;
	s17 =	sadd.s32 s5, s16;
	[dreg:$0xa] =	wrdreg s15  }
0xd: {  	s20 =	sor.u32 $0x40400, s7;
	s19 =	sadd.s32 s5, s18;
	[dreg:$0xc] =	wrdreg s17  }
0xe: {  	s22 =	sor.u32 $0x20600, s7;
	s21 =	sadd.s32 s5, s20;
	[dreg:$0xe] =	wrdreg s19  }
0xf: {  	s24 =	sor.u32 $0x40600, s7;
	s23 =	sadd.s32 s5, s22;
	[dreg:$0x10] =	wrdreg s21  }
0x10: {  	s26 =	sor.u32 $0x200, s7;
	s25 =	sadd.s32 s5, s24;
	[dreg:$0x12] =	wrdreg s23  }
0x11: {  	s30 =	sadd.s32 s5, s26;
	[dreg:$0x14] =	wrdreg s25  }
0x12: {  	s31 =	sadd.s32 s0, s26;
	[dreg:$0x16] =	wrdreg s30  }
0x13: {  	s10 =	sor.u32 $0x20800, s7;
	s8 =	sadd.s32 s0, s12;
	[dreg:$0x17] =	wrdreg s31  }
0x14: {  	s11 =	sadd.s32 s5, s10;
	[dreg:$0x9] =	wrdreg s8  }
0x15: {  	s9 =	sadd.s32 s0, s10;
	[dreg:$0x19] =	wrdreg s11  }
0x16: {  	s12 =	sor.u32 $0x40800, s7;
	s8 =	sadd.s32 s0, s14;
	[dreg:$0x1a] =	wrdreg s9  }
0x17: {  	s13 =	sor.u32 $0x400, s7;
	s10 =	sadd.s32 s5, s12;
	[dreg:$0xb] =	wrdreg s8  }
0x18: {  	s14 =	sadd.s32 s5, s13;
	[dreg:$0x1b] =	wrdreg s10  }
0x19: {  	s15 =	sor.u32 $0x20A00, s7;
	s9 =	sadd.s32 s3, s13;
	[dreg:$0x1d] =	wrdreg s14  }
0x1a: {  	s30 =	sor.u32 $0x800, s7;
	s17 =	sadd.s32 s5, s15;
	[dreg:$0x1f] =	wrdreg s9  }
0x1b: {  	s31 =	sadd.s32 s5, s30;
	[smem:$0x7DF] =	sst s17  }
0x1c: {  	s8 =	sadd.s32 s0, s16;
	[smem:$0x7EA] =	sst s31  }
0x1d: {  	s19 =	sor.u32 $0x40A00, s7;
	s16 =	sadd.s32 s0, s13;
	[dreg:$0xd] =	wrdreg s8  }
0x1e: {  	s9 =	sadd.s32 s0, s19;
	[dreg:$0x1e] =	wrdreg s16  }
0x1f: {  	s11 =	sor.u32 $0x20E00, s7;
	s10 =	sadd.s32 s0, s30;
	[smem:$0x7E2] =	sst s9  }
0x20: {  	s13 =	sadd.s32 s0, s11;
	[smem:$0x7EB] =	sst s10  }
0x21: {  	s14 =	sadd.s32 s5, s7;
	[smem:$0x7EE] =	sst s13  }
0x22: {  	s31 =	smax.u32 s6, $0x1;
	[smem:$0x7EF] =	sst s14  }
0x23: {  	s8 =	sadd.s32 s0, s18;
	[smem:$0x7FD] =	sst s31  }
0x24: {  	s16 =	sadd.s32 s3, s7;
	[dreg:$0xf] =	wrdreg s8  }
0x25: {  	s28 =	simm.s32 $0x3;
	s8 =	sadd.s32 s0, s20;
	[smem:$0x7F1] =	sst s16  }
0x26: {  	s18 =	sor.u32 $0x600, s7;
	s20 =	sadd.s32 s5, s19;
	[dreg:$0x11] =	wrdreg s8  }
0x27: {  	s29 =	simm.s32 $0x0;
	s21 =	sadd.s32 s5, s18;
	[smem:$0x7E1] =	sst s20  }
0x28: {  	s23 =	sor.u32 $0x20C00, s7;
	s8 =	sadd.s32 s0, s22;
	[smem:$0x7E3] =	sst s21  }
0x29: {  	s19 =	sor.u32 $0xE00, s7;
	s22 =	sadd.s32 s0, s18;
	[dreg:$0x13] =	wrdreg s8  }
0x2a: {  	s25 =	sor.u32 $0x40C00, s7;
	s21 =	sadd.s32 s5, s19;
	[smem:$0x7E4] =	sst s22  }
0x2b: {  	s17 =	sor.u32 $0xA00, s7;
	s8 =	sadd.s32 s0, s24;
	[smem:$0x7F4] =	sst s21  }
0x2c: {  	s6 =	simm.s32 $0x3000;
	s24 =	sadd.s32 s5, s23;
	[dreg:$0x15] =	wrdreg s8  }
0x2d: {  	s9 =	simm.s32 $0x2000;
	s8 =	sadd.s32 s3, s26;
	[smem:$0x7E6] =	sst s24  }
0x2e: {  	s10 =	simm.s32 $0x5000;
	s26 =	sadd.s32 s5, s25;
	[dreg:$0x18] =	wrdreg s8  }
0x2f: {  	s13 =	simm.s32 $0xE000;
	s8 =	sadd.s32 s0, s12;
	[smem:$0x7E8] =	sst s26  }
0x30: {  	s14 =	simm.s32 $0xF000;
	s12 =	sadd.s32 s5, s11;
	[dreg:$0x1c] =	wrdreg s8  }
0x31: {  	s16 =	simm.s32 $0x9000;
	s11 =	sadd.s32 s5, s17;
	[smem:$0x7ED] =	sst s12  }
0x32: {  	s21 =	simm.s32 $0x2;
	s8 =	sadd.s32 s0, s15;
	[smem:$0x7F2] =	sst s11  }
0x33: {  	s15 =	sadd.s32 s0, s7;
	s11 =	simm.s32 $0x1;
	[smem:$0x7E0] =	sst s8  }
0x34: {  	s12 =	simm.s32 $0xC000;
	s8 =	sadd.s32 s3, s18;
	[smem:$0x7F0] =	sst s15  }
0x35: {  	s18 =	sor.u32 $0xC00, s7;
	[smem:$0x7E5] =	sst s8;
	s8 =	sadd.s32 s0, s23  }
0x36: {  	s7 =	sor.u32 $0x40E00, s7;
	s20 =	sadd.s32 s5, s18;
	[smem:$0x7E7] =	sst s8  }
0x37: {  	v0 =	vimm.f32 $2.000000000e+00;
	s15 =	simm.s32 $0x6000;
	s5 =	sadd.s32 s5, s7;
	[smem:$0x7F3] =	sst s20  }
0x38: {  	(erf) = vrcp.f32 v0;
	s22 =	sadd.s32 s0, s7;
	s23 =	sadd.s32 s0, s17;
	[smem:$0x7F5] =	sst s5  }
0x39: {  	s24 =	sadd.s32 s0, s18;
	s26 =	sadd.s32 s3, s18;
	[smem:$0x7F6] =	sst s22  }
0x3a: {  	s7 =	simm.s32 $0x1000;
	s18 =	simm.s32 $0xA000;
	[smem:$0x7F7] =	sst s23  }
0x3b: {  	s8 =	sadd.s32 s0, s25;
	[smem:$0x7F8] =	sst s24;
	s0 =	sadd.s32 s0, s19  }
0x3c: {  	s25 =	sadd.s32 s3, s17;
	[smem:$0x7FB] =	sst s26;
	s17 =	simm.s32 $0x7000  }
0x3d: {  	s20 =	simm.s32 $0xB000;
	s22 =	simm.s32 $0xD000;
	[smem:$0x7E9] =	sst s8  }
0x3e: {  	s23 =	simm.s32 $0x10000;
	s24 =	simm.s32 $0x11000;
	[smem:$0x7F9] =	sst s0  }
0x3f: {  	s26 =	simm.s32 $0x13000;
	s8 =	sadd.s32 s3, s30;
	[smem:$0x7FA] =	sst s25  }
0x40: {  	s30 =	sadd.s32 s3, s19;
	s19 =	simm.s32 $0x8000;
	[smem:$0x7EC] =	sst s8  }
0x41: {  	v1 =	vimm.s32 $0x0;
	v0 =	vpop (erf);
	s25 =	simm.s32 $0x12000;
	[smem:$0x7FC] =	sst s30;
	s8 =	simm.s32 $0x4000  }
.LBB2_1:
0x42: {  	s0 =	sld [smem:$0x7EF];
	_ =	sdelay $0x1  }
0x43: {  	s5 =	sld [smem:$0x7F0]  }
0x44: {  	[tilespmem:s4], [sflag:$0x1] =	stream.linear.gather [hbm4b:s0+s4], $0x1000, $0x38;
	[tilespmem:$0x14000] =	vst v63  }
0x45: {  	_ = 	snop  }
0x46: {  	[tilespmem:s6], [sflag:$0x1] =	stream.linear.gather [hbm4b:s5+s4], $0x1000, $0x38;
	[tilespmem:$0x14000] =	vst v63  }
0x47: {  	s3 =	rddreg [dreg:$0x6]  }
0x48: {  	[tilespmem:s7], [sflag:$0x1] =	stream.linear.gather [hbm4b:s3+s4], $0x1000, $0x38;
	[tilespmem:$0x14000] =	vst v63  }
0x49: {  	s5 =	rddreg [dreg:$0x7]  }
0x4a: {  	[tilespmem:s8], [sflag:$0x1] =	stream.linear.gather [hbm4b:s5+s4], $0x1000, $0x38;
	[tilespmem:$0x14000] =	vst v63  }
0x4b: {  	s3 =	rddreg [dreg:$0x8]  }
0x4c: {  	[tilespmem:s9], [sflag:$0x1] =	stream.linear.gather [hbm4b:s3+s4], $0x1000, $0x38;
	[tilespmem:$0x14000] =	vst v63  }
0x4d: {  	s5 =	rddreg [dreg:$0x9]  }
0x4e: {  	[tilespmem:s10], [sflag:$0x1] =	stream.linear.gather [hbm4b:s5+s4], $0x1000, $0x38;
	[tilespmem:$0x14000] =	vst v63  }
0x4f: {  	_ =	swait.ge [sflag:s11], $0x1000  }
0x50: {  	[sflag:s11] =	ssyncset.done $0x0  }
0x51: {  	[sflag:s11] =	ssyncadd.s32 $0xFFFFF000  }
0x52: {  	_ =	swait.ge [sflag:s11], $0x1000  }
0x53: {  	[sflag:s11] =	ssyncset.done $0x0  }
0x54: {  	[sflag:s11] =	ssyncadd.s32 $0xFFFFF000  }
0x55: {  	_ =	swait.ge [sflag:s11], $0x1000  }
0x56: {  	[sflag:s11] =	ssyncset.done $0x0  }
0x57: {  	[sflag:s11] =	ssyncadd.s32 $0xFFFFF000  }
0x58: {  	_ =	swait.ge [sflag:s11], $0x1000  }
0x59: {  	[sflag:s11] =	ssyncset.done $0x0  }
0x5a: {  	[sflag:s11] =	ssyncadd.s32 $0xFFFFF000  }
0x5b: {  	_ =	swait.ge [sflag:s11], $0x1000  }
0x5c: {  	[sflag:s11] =	ssyncset.done $0x0  }
0x5d: {  	[sflag:s11] =	ssyncadd.s32 $0xFFFFF000  }
0x5e: {  	_ =	swait.ge [sflag:s11], $0x1000  }
0x5f: {  	[sflag:s11] =	ssyncset.done $0x0  }
0x60: {  	s30 =	simm.s32 $0x0;
	[sflag:s11] =	ssyncadd.s32 $0xFFFFF000  }
0x61: {  	v7 =	vld [tilespmem:s30+$0x3000]  }
0x62: {  	v6 =	vld [tilespmem:s30+$0x4000]  }
0x63: {  	v3 =	vld [tilespmem:s30+$0x5000];
	_ =	sdelay $0x3  }
0x64: {  	v2 =	vand.u32 $0x7FFFFFFF, v7;
	v4 =	vand.u32 $0x7FFFFFFF, v6  }
0x65: {  	v8 =	vld [tilespmem:s30+$0x2000];
	v2 =	vmax.f32 v2, v4;
	v4 =	vand.u32 $0x7FFFFFFF, v3  }
0x66: {  	v9 =	vld [tilespmem:s30+$0x1000];
	v2 =	vmax.f32 v2, v4  }
0x67: {  	s31 =	simm.s32 $0x10;
	v10 =	vld [tilespmem:s30+$0x0];
	(erf) = vrcp.f32 v2  }
0x68: {  	v5 =	vld [tilespmem:s31+$0x3000]  }
0x69: {  	v4 =	vld [tilespmem:s31+$0x4000]  }
0x6a: {  	v8 =	vmul.f32 v8, v0;
	v2 =	vld [tilespmem:s31+$0x5000];
	_ =	sdelay $0x1  }
0x6b: {  	v9 =	vmul.f32 v9, v0;
	v10 =	vmul.f32 v10, v0;
	v8 =	vadd.f32 $5.000000000e-01, v8  }
0x6c: {  	v11 =	vand.u32 $0x7FFFFFFF, v5  }
0x6d: {  	v13 =	vadd.f32 $5.000000000e-01, v10;
	v14 =	vadd.f32 $5.000000000e-01, v9;
	v12 =	vand.u32 $0x7FFFFFFF, v4  }
0x6e: {  	v9 =	vmul.f32 $1.270000000e+02, v8;
	v10 =	vmax.f32 v11, v12;
	v11 =	vand.u32 $0x7FFFFFFF, v2  }
0x6f: {  	s0 =	simm.s32 $0x80;
	v12 =	vmul.f32 $1.270000000e+02, v13;
	v10 =	vmax.f32 v10, v11;
	v11 =	vmul.f32 $1.270000000e+02, v14;
	v8 =	vpop (erf)  }
.LBB2_2:
0x70: {  	p0 =	sne.s32 s0, $0x3FC0;
	(erf) = vrcp.f32 v10  }
0x71: {  	v9 =	vmax.f32 v9, $0.0e+00;
	v10 =	vmax.f32 v12, $0.0e+00;
	v11 =	vmax.f32 v11, $0.0e+00  }
0x72: {  	v12 =	vmul.f32 v8, v7;
	v9 =	vmin.f32 v9, $1.270000000e+02;
	v7 =	vmovc v5;
	v11 =	vmin.f32 v11, $1.270000000e+02  }
0x73: {  	v5 =	vmul.f32 v8, v6;
	v6 =	vmovc v4;
	v10 =	vmin.f32 v10, $1.270000000e+02;
	v9 =	vtrunc.f32 v9  }
0x74: {  	vm0 =	vle.f32 v12, $-1.000000000e+00;
	v4 =	vtrunc.f32 v10;
	v10 =	vtrunc.f32 v11;
	v13 =	vld [tilespmem:s31+$0x2000]  }
0x75: {  	v8 =	vmul.f32 v8, v3;
	v3 =	vmovc v2;
	vm1 =	vge.f32 v5, $1.000000000e+00;
	v12 =	vsel vm0, $0x1, v1;
	v11 =	vld [tilespmem:s31+$0x1000]  }
0x76: {  	s3 =	sshra.s32 s0, $0x2;
	vm0 =	vle.f32 v5, $-1.000000000e+00;
	v2 =	vsel vm1, $0x2, v12;
	v12 =	vcvt.f32.s32 v4;
	v14 =	vld [tilespmem:s31+$0x0]  }
0x77: {  	v10 =	vcvt.f32.s32 v10;
	vm1 =	vge.f32 v8, $1.000000000e+00;
	v2 =	vsel vm0, $0x3, v2;
	v5 =	vld [tilespmem:s3+$0x3000]  }
0x78: {  	vm0 =	vle.f32 v8, $-1.000000000e+00;
	v15 =	vsel vm1, $0x4, v2;
	v12 =	vmul.u32 $0x6, v12;
	v4 =	vld [tilespmem:s3+$0x4000]  }
0x79: {  	v9 =	vcvt.f32.s32 v9;
	v15 =	vsel vm0, $0x5, v15;
	v2 =	vld [tilespmem:s3+$0x5000];
	v13 =	vmul.f32 v13, v0;
	v8 =	vpop (erf)  }
0x7a: {  	v10 =	vshll.u32 v10, $0x7;
	v12 =	vadd.s32 v12, v15;
	v11 =	vmul.f32 v11, v0  }
.Ltmp0:
0x7b: {  	v9 =	vadd.s32 v9, v10;
	v12 =	vshll.u32 v12, $0xE;
	v14 =	vmul.f32 v14, v0;
	(pc) =	sbr.rel @p0 .LBB2_2-.Ltmp0, $4  }
0x7c: {  	v13 =	vadd.f32 $5.000000000e-01, v13;
	v9 =	vadd.s32 v12, v9;
	v10 =	vand.u32 $0x7FFFFFFF, v5  }
0x7d: {  	v11 =	vadd.f32 $5.000000000e-01, v11;
	v12 =	vand.u32 $0x7FFFFFFF, v4;
	v14 =	vadd.f32 $5.000000000e-01, v14;
	[tilespmem:s30+$0xC000] =	vst v9;
	s30 =	smov.u32 s31;
	s31 =	smov.u32 s3  }
0x7e: {  	v9 =	vmul.f32 $1.270000000e+02, v13;
	v10 =	vmax.f32 v10, v12;
	v12 =	vand.u32 $0x7FFFFFFF, v2  }
0x7f: {  	s0 =	sadd.s32 $0x40, s0;
	v11 =	vmul.f32 $1.270000000e+02, v11;
	v10 =	vmax.f32 v10, v12;
	v12 =	vmul.f32 $1.270000000e+02, v14  }
0x80: {  	(erf) = vrcp.f32 v10;
	v7 =	vmul.f32 v8, v7  }
0x81: {  	v9 =	vmax.f32 v9, $0.0e+00;
	v13 =	vld [tilespmem:s31+$0x1000];
	v6 =	vmul.f32 v8, v6;
	v3 =	vmul.f32 v8, v3  }
0x82: {  	v14 =	vld [tilespmem:s31+$0x0];
	v10 =	vmax.f32 v12, $0.0e+00;
	v11 =	vmax.f32 v11, $0.0e+00;
	v9 =	vmin.f32 v9, $1.270000000e+02  }
0x83: {  	v12 =	vld [tilespmem:s31+$0x2000];
	v10 =	vmin.f32 v10, $1.270000000e+02;
	v11 =	vmin.f32 v11, $1.270000000e+02;
	v9 =	vtrunc.f32 v9  }
0x84: {  	vm0 =	vle.f32 v7, $-1.000000000e+00;
	vm1 =	vge.f32 v6, $1.000000000e+00;
	vm8 =	vle.f32 v6, $-1.000000000e+00  }
0x85: {  	vm9 =	vge.f32 v3, $1.000000000e+00;
	v10 =	vtrunc.f32 v10;
	v8 =	vsel vm0, $0x1, v1  }
0x86: {  	v7 =	vtrunc.f32 v11;
	v6 =	vsel vm1, $0x2, v8;
	v8 =	vcvt.f32.s32 v10  }
0x87: {  	vm10 =	vle.f32 v3, $-1.000000000e+00;
	v9 =	vcvt.f32.s32 v9;
	v11 =	vmul.f32 v13, v0  }
0x88: {  	v10 =	vmul.f32 v12, v0;
	v12 =	vmul.f32 v14, v0;
	v8 =	vmul.u32 $0x6, v8  }
0x89: {  	v7 =	vcvt.f32.s32 v7;
	v6 =	vsel vm8, $0x3, v6;
	v11 =	vadd.f32 $5.000000000e-01, v11  }
0x8a: {  	v6 =	vsel vm9, $0x4, v6;
	v10 =	vadd.f32 $5.000000000e-01, v10;
	v3 =	vadd.f32 $5.000000000e-01, v12  }
0x8b: {  	v7 =	vshll.u32 v7, $0x7;
	v6 =	vsel vm10, $0x5, v6;
	v11 =	vmul.f32 $1.270000000e+02, v11  }
0x8c: {  	v6 =	vadd.s32 v8, v6;
	v10 =	vmul.f32 $1.270000000e+02, v10;
	v3 =	vmul.f32 $1.270000000e+02, v3;
	v8 =	vpop (erf)  }
0x8d: {  	v11 =	vmax.f32 v11, $0.0e+00;
	v5 =	vmul.f32 v8, v5;
	v4 =	vmul.f32 v8, v4  }
0x8e: {  	v2 =	vmul.f32 v8, v2;
	v3 =	vmax.f32 v3, $0.0e+00;
	v10 =	vmax.f32 v10, $0.0e+00  }
0x8f: {  	v11 =	vmin.f32 v11, $1.270000000e+02;
	v10 =	vmin.f32 v10, $1.270000000e+02;
	v3 =	vmin.f32 v3, $1.270000000e+02  }
0x90: {  	vm11 =	vle.f32 v5, $-1.000000000e+00;
	v5 =	vtrunc.f32 v11;
	vm12 =	vge.f32 v4, $1.000000000e+00  }
0x91: {  	vm13 =	vle.f32 v4, $-1.000000000e+00;
	v3 =	vtrunc.f32 v3;
	v8 =	vsel vm11, $0x1, v1  }
0x92: {  	vm14 =	vge.f32 v2, $1.000000000e+00;
	v4 =	vsel vm12, $0x2, v8;
	v3 =	vcvt.f32.s32 v3  }
0x93: {  	vm15 =	vle.f32 v2, $-1.000000000e+00;
	v10 =	vtrunc.f32 v10;
	v4 =	vsel vm13, $0x3, v4  }
0x94: {  	v5 =	vcvt.f32.s32 v5;
	v2 =	vsel vm14, $0x4, v4;
	v3 =	vmul.u32 $0x6, v3  }
0x95: {  	v4 =	vshll.u32 v6, $0xE;
	v6 =	vcvt.f32.s32 v10;
	v2 =	vsel vm15, $0x5, v2  }
0x96: {  	v7 =	vadd.s32 v9, v7;
	v2 =	vadd.s32 v3, v2;
	v3 =	vshll.u32 v5, $0x7  }
0x97: {  	v4 =	vadd.s32 v4, v7;
	v2 =	vshll.u32 v2, $0xE;
	v3 =	vadd.s32 v6, v3  }
0x98: {  	[tilespmem:s30+$0xC000] =	vst v4;
	v2 =	vadd.s32 v2, v3  }
0x99: {  	[tilespmem:s31+$0xC000] =	vst v2  }
0x9a: {  	[tilespmem:s13], [sflag:$0x2] =	stream.indirect.gather [hbm4b:s1+s7], $0x1, s12, s7, $0xb8;
	[tilespmem:$0x14000] =	vst v63  }
0x9b: {  	_ = 	snop  }
0x9c: {  	[tilespmem:s14], [sflag:$0x2] =	stream.indirect.gather [hbm4b:s2+s7], $0x1, s12, s7, $0xb8;
	[tilespmem:$0x14000] =	vst v63  }
0x9d: {  	s0 =	simm.s32 $0x0;
	s3 =	rddreg [dreg:$0x16]  }
0x9e: {  	[tilespmem:s15], [sflag:$0x1] =	stream.linear.gather [hbm4b:s3+s0], $0x1000, $0x38;
	[tilespmem:$0x14000] =	vst v63  }
0x9f: {  	s5 =	rddreg [dreg:$0x17]  }
0xa0: {  	[tilespmem:s16], [sflag:$0x1] =	stream.linear.gather [hbm4b:s5+s0], $0x1000, $0x38;
	[tilespmem:$0x14000] =	vst v63  }
0xa1: {  	s5 =	rddreg [dreg:$0xa]  }
0xa2: {  	[tilespmem:s17], [sflag:$0x1] =	stream.linear.gather [hbm4b:s5+s0], $0x1000, $0x38;
	[tilespmem:$0x14000] =	vst v63  }
0xa3: {  	s5 =	rddreg [dreg:$0xb]  }
0xa4: {  	[tilespmem:s18], [sflag:$0x1] =	stream.linear.gather [hbm4b:s5+s0], $0x1000, $0x38;
	[tilespmem:$0x14000] =	vst v63  }
0xa5: {  	s5 =	rddreg [dreg:$0xc]  }
0xa6: {  	[tilespmem:s19], [sflag:$0x1] =	stream.linear.gather [hbm4b:s5+s0], $0x1000, $0x38;
	[tilespmem:$0x14000] =	vst v63  }
0xa7: {  	s5 =	rddreg [dreg:$0xd]  }
0xa8: {  	[tilespmem:s20], [sflag:$0x1] =	stream.linear.gather [hbm4b:s5+s0], $0x1000, $0x38;
	[tilespmem:$0x14000] =	vst v63  }
0xa9: {  	_ =	swait.ge [sflag:s11], $0x1000  }
0xaa: {  	[sflag:s11] =	ssyncset.done $0x0  }
0xab: {  	[sflag:s11] =	ssyncadd.s32 $0xFFFFF000  }
0xac: {  	_ =	swait.ge [sflag:s11], $0x1000  }
0xad: {  	[sflag:s11] =	ssyncset.done $0x0  }
0xae: {  	[sflag:s11] =	ssyncadd.s32 $0xFFFFF000  }
0xaf: {  	_ =	swait.ge [sflag:s11], $0x1000  }
0xb0: {  	[sflag:s11] =	ssyncset.done $0x0  }
0xb1: {  	[sflag:s11] =	ssyncadd.s32 $0xFFFFF000  }
0xb2: {  	_ =	swait.ge [sflag:s11], $0x1000  }
0xb3: {  	[sflag:s11] =	ssyncset.done $0x0  }
0xb4: {  	[sflag:s11] =	ssyncadd.s32 $0xFFFFF000  }
0xb5: {  	_ =	swait.ge [sflag:s11], $0x1000  }
0xb6: {  	[sflag:s11] =	ssyncset.done $0x0  }
0xb7: {  	[sflag:s11] =	ssyncadd.s32 $0xFFFFF000  }
0xb8: {  	_ =	swait.ge [sflag:s11], $0x1000  }
0xb9: {  	[sflag:s11] =	ssyncset.done $0x0  }
0xba: {  	s30 =	simm.s32 $0x0;
	[sflag:s11] =	ssyncadd.s32 $0xFFFFF000  }
0xbb: {  	v7 =	vld [tilespmem:s30+$0x9000]  }
0xbc: {  	v6 =	vld [tilespmem:s30+$0xA000]  }
0xbd: {  	v3 =	vld [tilespmem:s30+$0xB000];
	_ =	sdelay $0x3  }
0xbe: {  	v2 =	vand.u32 $0x7FFFFFFF, v7;
	v4 =	vand.u32 $0x7FFFFFFF, v6  }
0xbf: {  	v8 =	vld [tilespmem:s30+$0x8000];
	v2 =	vmax.f32 v2, v4;
	v4 =	vand.u32 $0x7FFFFFFF, v3  }
0xc0: {  	v9 =	vld [tilespmem:s30+$0x7000];
	v2 =	vmax.f32 v2, v4  }
0xc1: {  	s31 =	simm.s32 $0x10;
	v10 =	vld [tilespmem:s30+$0x6000];
	(erf) = vrcp.f32 v2  }
0xc2: {  	v5 =	vld [tilespmem:s31+$0x9000]  }
0xc3: {  	v4 =	vld [tilespmem:s31+$0xA000]  }
0xc4: {  	v8 =	vmul.f32 v8, v0;
	v2 =	vld [tilespmem:s31+$0xB000];
	_ =	sdelay $0x1  }
0xc5: {  	v9 =	vmul.f32 v9, v0;
	v10 =	vmul.f32 v10, v0;
	v8 =	vadd.f32 $5.000000000e-01, v8  }
0xc6: {  	v11 =	vand.u32 $0x7FFFFFFF, v5  }
0xc7: {  	v13 =	vadd.f32 $5.000000000e-01, v10;
	v14 =	vadd.f32 $5.000000000e-01, v9;
	v12 =	vand.u32 $0x7FFFFFFF, v4  }
0xc8: {  	v9 =	vmul.f32 $1.270000000e+02, v8;
	v10 =	vmax.f32 v11, v12;
	v11 =	vand.u32 $0x7FFFFFFF, v2  }
0xc9: {  	s0 =	simm.s32 $0x80;
	v12 =	vmul.f32 $1.270000000e+02, v13;
	v10 =	vmax.f32 v10, v11;
	v11 =	vmul.f32 $1.270000000e+02, v14;
	v8 =	vpop (erf)  }
.LBB2_4:
0xca: {  	p0 =	sne.s32 s0, $0x3FC0;
	(erf) = vrcp.f32 v10  }
0xcb: {  	v9 =	vmax.f32 v9, $0.0e+00;
	v10 =	vmax.f32 v12, $0.0e+00;
	v11 =	vmax.f32 v11, $0.0e+00  }
0xcc: {  	v12 =	vmul.f32 v8, v7;
	v9 =	vmin.f32 v9, $1.270000000e+02;
	v7 =	vmovc v5;
	v11 =	vmin.f32 v11, $1.270000000e+02  }
0xcd: {  	v5 =	vmul.f32 v8, v6;
	v6 =	vmovc v4;
	v10 =	vmin.f32 v10, $1.270000000e+02;
	v9 =	vtrunc.f32 v9  }
0xce: {  	vm0 =	vle.f32 v12, $-1.000000000e+00;
	v4 =	vtrunc.f32 v10;
	v10 =	vtrunc.f32 v11;
	v13 =	vld [tilespmem:s31+$0x8000]  }
0xcf: {  	v8 =	vmul.f32 v8, v3;
	v3 =	vmovc v2;
	vm1 =	vge.f32 v5, $1.000000000e+00;
	v12 =	vsel vm0, $0x1, v1;
	v11 =	vld [tilespmem:s31+$0x7000]  }
0xd0: {  	s3 =	sshra.s32 s0, $0x2;
	vm0 =	vle.f32 v5, $-1.000000000e+00;
	v2 =	vsel vm1, $0x2, v12;
	v12 =	vcvt.f32.s32 v4;
	v14 =	vld [tilespmem:s31+$0x6000]  }
0xd1: {  	v10 =	vcvt.f32.s32 v10;
	vm1 =	vge.f32 v8, $1.000000000e+00;
	v2 =	vsel vm0, $0x3, v2;
	v5 =	vld [tilespmem:s3+$0x9000]  }
0xd2: {  	vm0 =	vle.f32 v8, $-1.000000000e+00;
	v15 =	vsel vm1, $0x4, v2;
	v12 =	vmul.u32 $0x6, v12;
	v4 =	vld [tilespmem:s3+$0xA000]  }
0xd3: {  	v9 =	vcvt.f32.s32 v9;
	v15 =	vsel vm0, $0x5, v15;
	v2 =	vld [tilespmem:s3+$0xB000];
	v13 =	vmul.f32 v13, v0;
	v8 =	vpop (erf)  }
0xd4: {  	v10 =	vshll.u32 v10, $0x7;
	v12 =	vadd.s32 v12, v15;
	v11 =	vmul.f32 v11, v0  }
.Ltmp1:
0xd5: {  	v9 =	vadd.s32 v9, v10;
	v12 =	vshll.u32 v12, $0xE;
	v14 =	vmul.f32 v14, v0;
	(pc) =	sbr.rel @p0 .LBB2_4-.Ltmp1, $4  }
0xd6: {  	v13 =	vadd.f32 $5.000000000e-01, v13;
	v9 =	vadd.s32 v12, v9;
	v10 =	vand.u32 $0x7FFFFFFF, v5  }
0xd7: {  	v11 =	vadd.f32 $5.000000000e-01, v11;
	v12 =	vand.u32 $0x7FFFFFFF, v4;
	v14 =	vadd.f32 $5.000000000e-01, v14;
	[tilespmem:s30+$0xD000] =	vst v9;
	s30 =	smov.u32 s31;
	s31 =	smov.u32 s3  }
0xd8: {  	v9 =	vmul.f32 $1.270000000e+02, v13;
	v10 =	vmax.f32 v10, v12;
	v12 =	vand.u32 $0x7FFFFFFF, v2  }
0xd9: {  	s0 =	sadd.s32 $0x40, s0;
	v11 =	vmul.f32 $1.270000000e+02, v11;
	v10 =	vmax.f32 v10, v12;
	v12 =	vmul.f32 $1.270000000e+02, v14  }
0xda: {  	(erf) = vrcp.f32 v10;
	v7 =	vmul.f32 v8, v7  }
0xdb: {  	v56 =	vld [tilespmem:s31+$0x8000];
	v9 =	vmax.f32 v9, $0.0e+00;
	v6 =	vmul.f32 v8, v6;
	v3 =	vmul.f32 v8, v3  }
0xdc: {  	v14 =	vld [tilespmem:s31+$0x6000];
	v55 =	vmax.f32 v12, $0.0e+00;
	v11 =	vmax.f32 v11, $0.0e+00;
	v9 =	vmin.f32 v9, $1.270000000e+02  }
0xdd: {  	v13 =	vld [tilespmem:s31+$0x7000];
	v10 =	vmin.f32 v55, $1.270000000e+02;
	v11 =	vmin.f32 v11, $1.270000000e+02;
	v9 =	vtrunc.f32 v9  }
0xde: {  	vm0 =	vle.f32 v7, $-1.000000000e+00;
	vm1 =	vge.f32 v6, $1.000000000e+00;
	vm8 =	vle.f32 v6, $-1.000000000e+00  }
0xdf: {  	vm9 =	vge.f32 v3, $1.000000000e+00;
	v10 =	vtrunc.f32 v10;
	v7 =	vtrunc.f32 v11  }
0xe0: {  	vm10 =	vle.f32 v3, $-1.000000000e+00;
	v9 =	vcvt.f32.s32 v9;
	v58 =	vcvt.f32.s32 v10  }
0xe1: {  	v57 =	vsel vm0, $0x1, v1;
	v59 =	vmul.f32 v56, v0;
	v61 =	vmul.f32 v14, v0  }
0xe2: {  	v6 =	vsel vm1, $0x2, v57;
	v7 =	vcvt.f32.s32 v7;
	v60 =	vmul.f32 v13, v0  }
0xe3: {  	v6 =	vsel vm8, $0x3, v6;
	v10 =	vadd.f32 $5.000000000e-01, v59;
	v3 =	vadd.f32 $5.000000000e-01, v61  }
0xe4: {  	v6 =	vsel vm9, $0x4, v6;
	v8 =	vmul.u32 $0x6, v58;
	v11 =	vadd.f32 $5.000000000e-01, v60  }
0xe5: {  	v7 =	vshll.u32 v7, $0x7;
	v10 =	vmul.f32 $1.270000000e+02, v10;
	v3 =	vmul.f32 $1.270000000e+02, v3;
	v62 =	vpop (erf)  }
0xe6: {  	v6 =	vsel vm10, $0x5, v6;
	v11 =	vmul.f32 $1.270000000e+02, v11;
	v5 =	vmul.f32 v62, v5  }
0xe7: {  	v6 =	vadd.s32 v8, v6;
	v4 =	vmul.f32 v62, v4;
	v2 =	vmul.f32 v62, v2  }
0xe8: {  	v3 =	vmax.f32 v3, $0.0e+00;
	v11 =	vmax.f32 v11, $0.0e+00;
	v10 =	vmax.f32 v10, $0.0e+00  }
0xe9: {  	v11 =	vmin.f32 v11, $1.270000000e+02;
	v10 =	vmin.f32 v10, $1.270000000e+02;
	v3 =	vmin.f32 v3, $1.270000000e+02  }
0xea: {  	vm11 =	vle.f32 v5, $-1.000000000e+00;
	vm12 =	vge.f32 v4, $1.000000000e+00;
	vm13 =	vle.f32 v4, $-1.000000000e+00  }
0xeb: {  	vm14 =	vge.f32 v2, $1.000000000e+00;
	v3 =	vtrunc.f32 v3;
	v63 =	vsel vm11, $0x1, v1  }
0xec: {  	vm15 =	vle.f32 v2, $-1.000000000e+00;
	v4 =	vsel vm12, $0x2, v63;
	v3 =	vcvt.f32.s32 v3  }
0xed: {  	v10 =	vtrunc.f32 v10;
	v5 =	vtrunc.f32 v11;
	v4 =	vsel vm13, $0x3, v4  }
0xee: {  	v5 =	vcvt.f32.s32 v5;
	v2 =	vsel vm14, $0x4, v4;
	v3 =	vmul.u32 $0x6, v3  }
0xef: {  	v4 =	vshll.u32 v6, $0xE;
	v6 =	vcvt.f32.s32 v10;
	v2 =	vsel vm15, $0x5, v2  }
0xf0: {  	v7 =	vadd.s32 v9, v7;
	v2 =	vadd.s32 v3, v2;
	v3 =	vshll.u32 v5, $0x7  }
0xf1: {  	v4 =	vadd.s32 v4, v7;
	v2 =	vshll.u32 v2, $0xE;
	v3 =	vadd.s32 v6, v3  }
0xf2: {  	[tilespmem:s30+$0xD000] =	vst v4;
	v2 =	vadd.s32 v2, v3  }
0xf3: {  	[tilespmem:s31+$0xD000] =	vst v2  }
0xf4: {  	_ =	swait.ge [sflag:s21], $0x1000  }
0xf5: {  	[sflag:s21] =	ssyncset.done $0x0  }
0xf6: {  	[sflag:s21] =	ssyncadd.s32 $0xFFFFF000  }
0xf7: {  	_ =	swait.ge [sflag:s21], $0x1000  }
0xf8: {  	[sflag:s21] =	ssyncset.done $0x0  }
0xf9: {  	[sflag:s21] =	ssyncadd.s32 $0xFFFFF000  }
0xfa: {  	[tilespmem:s23], [sflag:$0x2] =	stream.indirect.gather [hbm4b:s1+s7], $0x1, s22, s7, $0xb8;
	[tilespmem:$0x14000] =	vst v63  }
0xfb: {  	_ = 	snop  }
0xfc: {  	[tilespmem:s24], [sflag:$0x2] =	stream.indirect.gather [hbm4b:s2+s7], $0x1, s22, s7, $0xb8;
	[tilespmem:$0x14000] =	vst v63  }
0xfd: {  	s0 =	simm.s32 $0x0;
	s3 =	rddreg [dreg:$0x1d]  }
0xfe: {  	[tilespmem:s0], [sflag:$0x1] =	stream.linear.gather [hbm4b:s3+s0], $0x1000, $0x38;
	[tilespmem:$0x14000] =	vst v63  }
0xff: {  	s5 =	rddreg [dreg:$0x1e]  }
0x100: {  	[tilespmem:s6], [sflag:$0x1] =	stream.linear.gather [hbm4b:s5+s0], $0x1000, $0x38;
	[tilespmem:$0x14000] =	vst v63  }
0x101: {  	s5 =	rddreg [dreg:$0xe]  }
0x102: {  	[tilespmem:s7], [sflag:$0x1] =	stream.linear.gather [hbm4b:s5+s0], $0x1000, $0x38;
	[tilespmem:$0x14000] =	vst v63  }
0x103: {  	s5 =	rddreg [dreg:$0xf]  }
0x104: {  	[tilespmem:s8], [sflag:$0x1] =	stream.linear.gather [hbm4b:s5+s0], $0x1000, $0x38;
	[tilespmem:$0x14000] =	vst v63  }
0x105: {  	s5 =	rddreg [dreg:$0x10]  }
0x106: {  	[tilespmem:s9], [sflag:$0x1] =	stream.linear.gather [hbm4b:s5+s0], $0x1000, $0x38;
	[tilespmem:$0x14000] =	vst v63  }
0x107: {  	s31 =	simm.s32 $0x0;
	s5 =	rddreg [dreg:$0x11]  }
0x108: {  	[tilespmem:s10], [sflag:$0x1] =	stream.linear.gather [hbm4b:s5+s0], $0x1000, $0x38;
	[tilespmem:$0x14000] =	vst v63  }
0x109: {  	v2 =	vld [tilespmem:s31+$0xF000];
	_ =	sdelay $0x4  }
0x10a: {  	v2 =	vcvt.s32.f32 v2  }
0x10b: {  	s0 =	simm.s32 $0x10  }
0x10c: {  	(erf) = vrcp.f32 v2;
	v2 =	vld [tilespmem:s0+$0xF000];
	_ =	sdelay $0x3  }
0x10d: {  	v4 =	vld [tilespmem:s31+$0xE000]  }
0x10e: {  	s30 =	simm.s32 $0x20;
	v2 =	vcvt.s32.f32 v2  }
0x10f: {  	v3 =	vld [tilespmem:s30+$0xF000]  }
0x110: {  	(erf) = vrcp.f32 v2;
	_ =	sdelay $0x1  }
0x111: {  	v4 =	vcvt.s32.f32 v4  }
0x112: {  	s3 =	simm.s32 $0xC0;
	v2 =	vld [tilespmem:s0+$0xE000];
	v5 =	vpop (erf)  }
.LBB2_6:
0x113: {  	s5 =	sshra.s32 s3, $0x2;
	p0 =	sne.s32 s3, $0x3FC0;
	s3 =	sadd.s32 $0x40, s3;
	v6 =	vcvt.s32.f32 v3;
	v4 =	vmul.f32 v4, v5  }
.Ltmp2:
0x114: {  	v3 =	vld [tilespmem:s5+$0xF000];
	(pc) =	sbr.rel @p0 .LBB2_6-.Ltmp2, $4  }
0x115: {  	(erf) = vrcp.f32 v6;
	[tilespmem:s31+$0x12000] =	vst v4;
	s31 =	smov.u32 s0;
	s0 =	smov.u32 s30;
	s30 =	smov.u32 s5  }
0x116: {  	_ = 	snop  }
0x117: {  	v4 =	vcvt.s32.f32 v2  }
0x118: {  	v2 =	vld [tilespmem:s0+$0xE000];
	v5 =	vpop (erf)  }
0x119: {  	v3 =	vcvt.s32.f32 v3;
	_ =	sdelay $0x1  }
0x11a: {  	v4 =	vmul.f32 v4, v5;
	(erf) = vrcp.f32 v3;
	_ =	sdelay $0x1  }
0x11b: {  	[tilespmem:s31+$0x12000] =	vst v4  }
0x11c: {  	v3 =	vld [tilespmem:s30+$0xE000];
	_ =	sdelay $0x3  }
0x11d: {  	v2 =	vcvt.s32.f32 v2  }
0x11e: {  	v4 =	vpop (erf);
	v3 =	vcvt.s32.f32 v3  }
0x11f: {  	v2 =	vmul.f32 v2, v4;
	v4 =	vpop (erf)  }
0x120: {  	s3 =	sld [smem:$0x7F1];
	v3 =	vmul.f32 v3, v4  }
0x121: {  	[tilespmem:s0+$0x12000] =	vst v2  }
0x122: {  	s5 =	simm.s32 $0x0;
	[tilespmem:s30+$0x12000] =	vst v3  }
0x123: {  	[hbm4b:s3+s5] =	stream.linear.scatter [tilespmem:s25], [sflag:$0x3], $0x1000, $0x38;
	[tilespmem:$0x14000] =	vst v63  }
0x124: {  	_ =	swait.ge [sflag:s11], $0x1000  }
0x125: {  	[sflag:s11] =	ssyncset.done $0x0  }
0x126: {  	[sflag:s11] =	ssyncadd.s32 $0xFFFFF000  }
0x127: {  	_ =	swait.ge [sflag:s11], $0x1000  }
0x128: {  	[sflag:s11] =	ssyncset.done $0x0  }
0x129: {  	[sflag:s11] =	ssyncadd.s32 $0xFFFFF000  }
0x12a: {  	_ =	swait.ge [sflag:s11], $0x1000  }
0x12b: {  	[sflag:s11] =	ssyncset.done $0x0  }
0x12c: {  	[sflag:s11] =	ssyncadd.s32 $0xFFFFF000  }
0x12d: {  	_ =	swait.ge [sflag:s11], $0x1000  }
0x12e: {  	[sflag:s11] =	ssyncset.done $0x0  }
0x12f: {  	[sflag:s11] =	ssyncadd.s32 $0xFFFFF000  }
0x130: {  	_ =	swait.ge [sflag:s11], $0x1000  }
0x131: {  	[sflag:s11] =	ssyncset.done $0x0  }
0x132: {  	[sflag:s11] =	ssyncadd.s32 $0xFFFFF000  }
0x133: {  	_ =	swait.ge [sflag:s11], $0x1000  }
0x134: {  	[sflag:s11] =	ssyncset.done $0x0  }
0x135: {  	s30 =	simm.s32 $0x0;
	[sflag:s11] =	ssyncadd.s32 $0xFFFFF000  }
0x136: {  	v7 =	vld [tilespmem:s30+$0x3000]  }
0x137: {  	v6 =	vld [tilespmem:s30+$0x4000]  }
0x138: {  	v3 =	vld [tilespmem:s30+$0x5000];
	_ =	sdelay $0x3  }
0x139: {  	v2 =	vand.u32 $0x7FFFFFFF, v7;
	v4 =	vand.u32 $0x7FFFFFFF, v6  }
0x13a: {  	v8 =	vld [tilespmem:s30+$0x2000];
	v2 =	vmax.f32 v2, v4;
	v4 =	vand.u32 $0x7FFFFFFF, v3  }
0x13b: {  	v9 =	vld [tilespmem:s30+$0x1000];
	v2 =	vmax.f32 v2, v4  }
0x13c: {  	s31 =	simm.s32 $0x10;
	v10 =	vld [tilespmem:s30+$0x0];
	(erf) = vrcp.f32 v2  }
0x13d: {  	v5 =	vld [tilespmem:s31+$0x3000]  }
0x13e: {  	v4 =	vld [tilespmem:s31+$0x4000]  }
0x13f: {  	v8 =	vmul.f32 v8, v0;
	v2 =	vld [tilespmem:s31+$0x5000];
	_ =	sdelay $0x1  }
0x140: {  	v9 =	vmul.f32 v9, v0;
	v10 =	vmul.f32 v10, v0;
	v8 =	vadd.f32 $5.000000000e-01, v8  }
0x141: {  	v11 =	vand.u32 $0x7FFFFFFF, v5  }
0x142: {  	v13 =	vadd.f32 $5.000000000e-01, v10;
	v14 =	vadd.f32 $5.000000000e-01, v9;
	v12 =	vand.u32 $0x7FFFFFFF, v4  }
0x143: {  	v9 =	vmul.f32 $1.270000000e+02, v8;
	v10 =	vmax.f32 v11, v12;
	v11 =	vand.u32 $0x7FFFFFFF, v2  }
0x144: {  	s0 =	simm.s32 $0x80;
	v12 =	vmul.f32 $1.270000000e+02, v13;
	v10 =	vmax.f32 v10, v11;
	v11 =	vmul.f32 $1.270000000e+02, v14;
	v8 =	vpop (erf)  }
.LBB2_8:
0x145: {  	p0 =	sne.s32 s0, $0x3FC0;
	(erf) = vrcp.f32 v10  }
0x146: {  	v9 =	vmax.f32 v9, $0.0e+00;
	v10 =	vmax.f32 v12, $0.0e+00;
	v11 =	vmax.f32 v11, $0.0e+00  }
0x147: {  	v12 =	vmul.f32 v8, v7;
	v9 =	vmin.f32 v9, $1.270000000e+02;
	v7 =	vmovc v5;
	v11 =	vmin.f32 v11, $1.270000000e+02  }
0x148: {  	v5 =	vmul.f32 v8, v6;
	v6 =	vmovc v4;
	v10 =	vmin.f32 v10, $1.270000000e+02;
	v9 =	vtrunc.f32 v9  }
0x149: {  	vm0 =	vle.f32 v12, $-1.000000000e+00;
	v4 =	vtrunc.f32 v10;
	v10 =	vtrunc.f32 v11;
	v13 =	vld [tilespmem:s31+$0x2000]  }
0x14a: {  	v8 =	vmul.f32 v8, v3;
	v3 =	vmovc v2;
	vm1 =	vge.f32 v5, $1.000000000e+00;
	v12 =	vsel vm0, $0x1, v1;
	v11 =	vld [tilespmem:s31+$0x1000]  }
0x14b: {  	s3 =	sshra.s32 s0, $0x2;
	vm0 =	vle.f32 v5, $-1.000000000e+00;
	v2 =	vsel vm1, $0x2, v12;
	v12 =	vcvt.f32.s32 v4;
	v14 =	vld [tilespmem:s31+$0x0]  }
0x14c: {  	v10 =	vcvt.f32.s32 v10;
	vm1 =	vge.f32 v8, $1.000000000e+00;
	v2 =	vsel vm0, $0x3, v2;
	v5 =	vld [tilespmem:s3+$0x3000]  }
0x14d: {  	vm0 =	vle.f32 v8, $-1.000000000e+00;
	v15 =	vsel vm1, $0x4, v2;
	v12 =	vmul.u32 $0x6, v12;
	v4 =	vld [tilespmem:s3+$0x4000]  }
0x14e: {  	v9 =	vcvt.f32.s32 v9;
	v15 =	vsel vm0, $0x5, v15;
	v2 =	vld [tilespmem:s3+$0x5000];
	v13 =	vmul.f32 v13, v0;
	v8 =	vpop (erf)  }
0x14f: {  	v10 =	vshll.u32 v10, $0x7;
	v12 =	vadd.s32 v12, v15;
	v11 =	vmul.f32 v11, v0  }
.Ltmp3:
0x150: {  	v9 =	vadd.s32 v9, v10;
	v12 =	vshll.u32 v12, $0xE;
	v14 =	vmul.f32 v14, v0;
	(pc) =	sbr.rel @p0 .LBB2_8-.Ltmp3, $4  }
0x151: {  	v13 =	vadd.f32 $5.000000000e-01, v13;
	v9 =	vadd.s32 v12, v9;
	v10 =	vand.u32 $0x7FFFFFFF, v5  }
0x152: {  	v11 =	vadd.f32 $5.000000000e-01, v11;
	v12 =	vand.u32 $0x7FFFFFFF, v4;
	v14 =	vadd.f32 $5.000000000e-01, v14;
	[tilespmem:s30+$0xC000] =	vst v9;
	s30 =	smov.u32 s31;
	s31 =	smov.u32 s3  }
0x153: {  	v9 =	vmul.f32 $1.270000000e+02, v13;
	v10 =	vmax.f32 v10, v12;
	v12 =	vand.u32 $0x7FFFFFFF, v2  }
0x154: {  	s0 =	sadd.s32 $0x40, s0;
	v11 =	vmul.f32 $1.270000000e+02, v11;
	v10 =	vmax.f32 v10, v12;
	v12 =	vmul.f32 $1.270000000e+02, v14  }
0x155: {  	(erf) = vrcp.f32 v10;
	v7 =	vmul.f32 v8, v7  }
0x156: {  	v56 =	vld [tilespmem:s31+$0x2000];
	v9 =	vmax.f32 v9, $0.0e+00;
	v6 =	vmul.f32 v8, v6;
	v3 =	vmul.f32 v8, v3  }
0x157: {  	v14 =	vld [tilespmem:s31+$0x0];
	v55 =	vmax.f32 v12, $0.0e+00;
	v11 =	vmax.f32 v11, $0.0e+00;
	v9 =	vmin.f32 v9, $1.270000000e+02  }
0x158: {  	v13 =	vld [tilespmem:s31+$0x1000];
	v10 =	vmin.f32 v55, $1.270000000e+02;
	v11 =	vmin.f32 v11, $1.270000000e+02;
	v9 =	vtrunc.f32 v9  }
0x159: {  	vm0 =	vle.f32 v7, $-1.000000000e+00;
	vm1 =	vge.f32 v6, $1.000000000e+00;
	vm8 =	vle.f32 v6, $-1.000000000e+00  }
0x15a: {  	vm9 =	vge.f32 v3, $1.000000000e+00;
	v10 =	vtrunc.f32 v10;
	v7 =	vtrunc.f32 v11  }
0x15b: {  	vm10 =	vle.f32 v3, $-1.000000000e+00;
	v9 =	vcvt.f32.s32 v9;
	v58 =	vcvt.f32.s32 v10  }
0x15c: {  	v57 =	vsel vm0, $0x1, v1;
	v59 =	vmul.f32 v56, v0;
	v61 =	vmul.f32 v14, v0  }
0x15d: {  	v6 =	vsel vm1, $0x2, v57;
	v7 =	vcvt.f32.s32 v7;
	v60 =	vmul.f32 v13, v0  }
0x15e: {  	v6 =	vsel vm8, $0x3, v6;
	v10 =	vadd.f32 $5.000000000e-01, v59;
	v3 =	vadd.f32 $5.000000000e-01, v61  }
0x15f: {  	v6 =	vsel vm9, $0x4, v6;
	v8 =	vmul.u32 $0x6, v58;
	v11 =	vadd.f32 $5.000000000e-01, v60  }
0x160: {  	v7 =	vshll.u32 v7, $0x7;
	v10 =	vmul.f32 $1.270000000e+02, v10;
	v3 =	vmul.f32 $1.270000000e+02, v3;
	v62 =	vpop (erf)  }
0x161: {  	v6 =	vsel vm10, $0x5, v6;
	v11 =	vmul.f32 $1.270000000e+02, v11;
	v5 =	vmul.f32 v62, v5  }
0x162: {  	v6 =	vadd.s32 v8, v6;
	v4 =	vmul.f32 v62, v4;
	v2 =	vmul.f32 v62, v2  }
0x163: {  	v3 =	vmax.f32 v3, $0.0e+00;
	v11 =	vmax.f32 v11, $0.0e+00;
	v10 =	vmax.f32 v10, $0.0e+00  }
0x164: {  	v11 =	vmin.f32 v11, $1.270000000e+02;
	v10 =	vmin.f32 v10, $1.270000000e+02;
	v3 =	vmin.f32 v3, $1.270000000e+02  }
0x165: {  	vm11 =	vle.f32 v5, $-1.000000000e+00;
	vm12 =	vge.f32 v4, $1.000000000e+00;
	vm13 =	vle.f32 v4, $-1.000000000e+00  }
0x166: {  	vm14 =	vge.f32 v2, $1.000000000e+00;
	v3 =	vtrunc.f32 v3;
	v63 =	vsel vm11, $0x1, v1  }
0x167: {  	vm15 =	vle.f32 v2, $-1.000000000e+00;
	v4 =	vsel vm12, $0x2, v63;
	v3 =	vcvt.f32.s32 v3  }
0x168: {  	v10 =	vtrunc.f32 v10;
	v5 =	vtrunc.f32 v11;
	v4 =	vsel vm13, $0x3, v4  }
0x169: {  	v5 =	vcvt.f32.s32 v5;
	v2 =	vsel vm14, $0x4, v4;
	v3 =	vmul.u32 $0x6, v3  }
0x16a: {  	v4 =	vshll.u32 v6, $0xE;
	v6 =	vcvt.f32.s32 v10;
	v2 =	vsel vm15, $0x5, v2  }
0x16b: {  	v7 =	vadd.s32 v9, v7;
	v2 =	vadd.s32 v3, v2;
	v3 =	vshll.u32 v5, $0x7  }
0x16c: {  	v4 =	vadd.s32 v4, v7;
	v2 =	vshll.u32 v2, $0xE;
	v3 =	vadd.s32 v6, v3  }
0x16d: {  	[tilespmem:s30+$0xC000] =	vst v4;
	v2 =	vadd.s32 v2, v3  }
0x16e: {  	[tilespmem:s31+$0xC000] =	vst v2  }
0x16f: {  	_ =	swait.ge [sflag:s21], $0x1000  }
0x170: {  	[sflag:s21] =	ssyncset.done $0x0  }
0x171: {  	[sflag:s21] =	ssyncadd.s32 $0xFFFFF000  }
0x172: {  	_ =	swait.ge [sflag:s21], $0x1000  }
0x173: {  	[sflag:s21] =	ssyncset.done $0x0  }
0x174: {  	[sflag:s21] =	ssyncadd.s32 $0xFFFFF000  }
0x175: {  	[tilespmem:s13], [sflag:$0x2] =	stream.indirect.gather [hbm4b:s1+s7], $0x1, s12, s7, $0xb8;
	[tilespmem:$0x14000] =	vst v63  }
0x176: {  	s3 =	sld [smem:$0x7E3]  }
0x177: {  	[tilespmem:s14], [sflag:$0x2] =	stream.indirect.gather [hbm4b:s2+s7], $0x1, s12, s7, $0xb8;
	[tilespmem:$0x14000] =	vst v63  }
0x178: {  	s0 =	simm.s32 $0x0;
	s5 =	sld [smem:$0x7E4]  }
0x179: {  	[tilespmem:s15], [sflag:$0x1] =	stream.linear.gather [hbm4b:s3+s0], $0x1000, $0x38;
	[tilespmem:$0x14000] =	vst v63  }
0x17a: {  	_ = 	snop  }
0x17b: {  	[tilespmem:s16], [sflag:$0x1] =	stream.linear.gather [hbm4b:s5+s0], $0x1000, $0x38;
	[tilespmem:$0x14000] =	vst v63  }
0x17c: {  	s5 =	rddreg [dreg:$0x12]  }
0x17d: {  	[tilespmem:s17], [sflag:$0x1] =	stream.linear.gather [hbm4b:s5+s0], $0x1000, $0x38;
	[tilespmem:$0x14000] =	vst v63  }
0x17e: {  	s5 =	rddreg [dreg:$0x13]  }
0x17f: {  	[tilespmem:s18], [sflag:$0x1] =	stream.linear.gather [hbm4b:s5+s0], $0x1000, $0x38;
	[tilespmem:$0x14000] =	vst v63  }
0x180: {  	s5 =	rddreg [dreg:$0x14]  }
0x181: {  	[tilespmem:s19], [sflag:$0x1] =	stream.linear.gather [hbm4b:s5+s0], $0x1000, $0x38;
	[tilespmem:$0x14000] =	vst v63  }
0x182: {  	s31 =	simm.s32 $0x0;
	s5 =	rddreg [dreg:$0x15]  }
0x183: {  	[tilespmem:s20], [sflag:$0x1] =	stream.linear.gather [hbm4b:s5+s0], $0x1000, $0x38;
	[tilespmem:$0x14000] =	vst v63  }
0x184: {  	v2 =	vld [tilespmem:s31+$0x11000];
	_ =	sdelay $0x4  }
0x185: {  	v2 =	vcvt.s32.f32 v2  }
0x186: {  	s0 =	simm.s32 $0x10  }
0x187: {  	(erf) = vrcp.f32 v2;
	v2 =	vld [tilespmem:s0+$0x11000];
	_ =	sdelay $0x3  }
0x188: {  	v4 =	vld [tilespmem:s31+$0x10000]  }
0x189: {  	s30 =	simm.s32 $0x20;
	v2 =	vcvt.s32.f32 v2  }
0x18a: {  	v3 =	vld [tilespmem:s30+$0x11000]  }
0x18b: {  	(erf) = vrcp.f32 v2;
	_ =	sdelay $0x1  }
0x18c: {  	v4 =	vcvt.s32.f32 v4  }
0x18d: {  	s3 =	simm.s32 $0xC0;
	v2 =	vld [tilespmem:s0+$0x10000];
	v5 =	vpop (erf)  }
.LBB2_10:
0x18e: {  	s5 =	sshra.s32 s3, $0x2;
	p0 =	sne.s32 s3, $0x3FC0;
	s3 =	sadd.s32 $0x40, s3;
	v6 =	vcvt.s32.f32 v3;
	v4 =	vmul.f32 v4, v5  }
.Ltmp4:
0x18f: {  	v3 =	vld [tilespmem:s5+$0x11000];
	(pc) =	sbr.rel @p0 .LBB2_10-.Ltmp4, $4  }
0x190: {  	(erf) = vrcp.f32 v6;
	[tilespmem:s31+$0x13000] =	vst v4;
	s31 =	smov.u32 s0;
	s0 =	smov.u32 s30;
	s30 =	smov.u32 s5  }
0x191: {  	_ = 	snop  }
0x192: {  	v4 =	vcvt.s32.f32 v2  }
0x193: {  	v2 =	vld [tilespmem:s0+$0x10000];
	v5 =	vpop (erf)  }
0x194: {  	v3 =	vcvt.s32.f32 v3;
	_ =	sdelay $0x1  }
0x195: {  	v4 =	vmul.f32 v4, v5;
	(erf) = vrcp.f32 v3;
	_ =	sdelay $0x1  }
0x196: {  	[tilespmem:s31+$0x13000] =	vst v4  }
0x197: {  	v3 =	vld [tilespmem:s30+$0x10000];
	_ =	sdelay $0x3  }
0x198: {  	v2 =	vcvt.s32.f32 v2  }
0x199: {  	v4 =	vpop (erf);
	v3 =	vcvt.s32.f32 v3  }
0x19a: {  	v2 =	vmul.f32 v2, v4;
	v4 =	vpop (erf)  }
0x19b: {  	v3 =	vmul.f32 v3, v4  }
0x19c: {  	[tilespmem:s0+$0x13000] =	vst v2  }
0x19d: {  	s5 =	simm.s32 $0x0;
	s3 =	rddreg [dreg:$0x18];
	[tilespmem:s30+$0x13000] =	vst v3  }
0x19e: {  	[hbm4b:s3+s5] =	stream.linear.scatter [tilespmem:s26], [sflag:$0x3], $0x1000, $0x38;
	[tilespmem:$0x14000] =	vst v63  }
0x19f: {  	_ =	swait.ge [sflag:s11], $0x1000  }
0x1a0: {  	[sflag:s11] =	ssyncset.done $0x0  }
0x1a1: {  	[sflag:s11] =	ssyncadd.s32 $0xFFFFF000  }
0x1a2: {  	_ =	swait.ge [sflag:s11], $0x1000  }
0x1a3: {  	[sflag:s11] =	ssyncset.done $0x0  }
0x1a4: {  	[sflag:s11] =	ssyncadd.s32 $0xFFFFF000  }
0x1a5: {  	_ =	swait.ge [sflag:s11], $0x1000  }
0x1a6: {  	[sflag:s11] =	ssyncset.done $0x0  }
0x1a7: {  	[sflag:s11] =	ssyncadd.s32 $0xFFFFF000  }
0x1a8: {  	_ =	swait.ge [sflag:s11], $0x1000  }
0x1a9: {  	[sflag:s11] =	ssyncset.done $0x0  }
0x1aa: {  	[sflag:s11] =	ssyncadd.s32 $0xFFFFF000  }
0x1ab: {  	_ =	swait.ge [sflag:s11], $0x1000  }
0x1ac: {  	[sflag:s11] =	ssyncset.done $0x0  }
0x1ad: {  	[sflag:s11] =	ssyncadd.s32 $0xFFFFF000  }
0x1ae: {  	_ =	swait.ge [sflag:s11], $0x1000  }
0x1af: {  	[sflag:s11] =	ssyncset.done $0x0  }
0x1b0: {  	s30 =	simm.s32 $0x0;
	[sflag:s11] =	ssyncadd.s32 $0xFFFFF000  }
0x1b1: {  	v7 =	vld [tilespmem:s30+$0x9000]  }
0x1b2: {  	v6 =	vld [tilespmem:s30+$0xA000]  }
0x1b3: {  	v3 =	vld [tilespmem:s30+$0xB000];
	_ =	sdelay $0x3  }
0x1b4: {  	v2 =	vand.u32 $0x7FFFFFFF, v7;
	v4 =	vand.u32 $0x7FFFFFFF, v6  }
0x1b5: {  	v8 =	vld [tilespmem:s30+$0x8000];
	v2 =	vmax.f32 v2, v4;
	v4 =	vand.u32 $0x7FFFFFFF, v3  }
0x1b6: {  	v9 =	vld [tilespmem:s30+$0x7000];
	v2 =	vmax.f32 v2, v4  }
0x1b7: {  	s31 =	simm.s32 $0x10;
	v10 =	vld [tilespmem:s30+$0x6000];
	(erf) = vrcp.f32 v2  }
0x1b8: {  	v5 =	vld [tilespmem:s31+$0x9000]  }
0x1b9: {  	v4 =	vld [tilespmem:s31+$0xA000]  }
0x1ba: {  	v8 =	vmul.f32 v8, v0;
	v2 =	vld [tilespmem:s31+$0xB000];
	_ =	sdelay $0x1  }
0x1bb: {  	v9 =	vmul.f32 v9, v0;
	v10 =	vmul.f32 v10, v0;
	v8 =	vadd.f32 $5.000000000e-01, v8  }
0x1bc: {  	v11 =	vand.u32 $0x7FFFFFFF, v5  }
0x1bd: {  	v13 =	vadd.f32 $5.000000000e-01, v10;
	v14 =	vadd.f32 $5.000000000e-01, v9;
	v12 =	vand.u32 $0x7FFFFFFF, v4  }
0x1be: {  	v9 =	vmul.f32 $1.270000000e+02, v8;
	v10 =	vmax.f32 v11, v12;
	v11 =	vand.u32 $0x7FFFFFFF, v2  }
0x1bf: {  	s0 =	simm.s32 $0x80;
	v12 =	vmul.f32 $1.270000000e+02, v13;
	v10 =	vmax.f32 v10, v11;
	v11 =	vmul.f32 $1.270000000e+02, v14;
	v8 =	vpop (erf)  }
.LBB2_12:
0x1c0: {  	p0 =	sne.s32 s0, $0x3FC0;
	(erf) = vrcp.f32 v10  }
0x1c1: {  	v9 =	vmax.f32 v9, $0.0e+00;
	v10 =	vmax.f32 v12, $0.0e+00;
	v11 =	vmax.f32 v11, $0.0e+00  }
0x1c2: {  	v12 =	vmul.f32 v8, v7;
	v9 =	vmin.f32 v9, $1.270000000e+02;
	v7 =	vmovc v5;
	v11 =	vmin.f32 v11, $1.270000000e+02  }
0x1c3: {  	v5 =	vmul.f32 v8, v6;
	v6 =	vmovc v4;
	v10 =	vmin.f32 v10, $1.270000000e+02;
	v9 =	vtrunc.f32 v9  }
0x1c4: {  	vm0 =	vle.f32 v12, $-1.000000000e+00;
	v4 =	vtrunc.f32 v10;
	v10 =	vtrunc.f32 v11;
	v13 =	vld [tilespmem:s31+$0x8000]  }
0x1c5: {  	v8 =	vmul.f32 v8, v3;
	v3 =	vmovc v2;
	vm1 =	vge.f32 v5, $1.000000000e+00;
	v12 =	vsel vm0, $0x1, v1;
	v11 =	vld [tilespmem:s31+$0x7000]  }
0x1c6: {  	s3 =	sshra.s32 s0, $0x2;
	vm0 =	vle.f32 v5, $-1.000000000e+00;
	v2 =	vsel vm1, $0x2, v12;
	v12 =	vcvt.f32.s32 v4;
	v14 =	vld [tilespmem:s31+$0x6000]  }
0x1c7: {  	v10 =	vcvt.f32.s32 v10;
	vm1 =	vge.f32 v8, $1.000000000e+00;
	v2 =	vsel vm0, $0x3, v2;
	v5 =	vld [tilespmem:s3+$0x9000]  }
0x1c8: {  	vm0 =	vle.f32 v8, $-1.000000000e+00;
	v15 =	vsel vm1, $0x4, v2;
	v12 =	vmul.u32 $0x6, v12;
	v4 =	vld [tilespmem:s3+$0xA000]  }
0x1c9: {  	v9 =	vcvt.f32.s32 v9;
	v15 =	vsel vm0, $0x5, v15;
	v2 =	vld [tilespmem:s3+$0xB000];
	v13 =	vmul.f32 v13, v0;
	v8 =	vpop (erf)  }
0x1ca: {  	v10 =	vshll.u32 v10, $0x7;
	v12 =	vadd.s32 v12, v15;
	v11 =	vmul.f32 v11, v0  }
.Ltmp5:
0x1cb: {  	v9 =	vadd.s32 v9, v10;
	v12 =	vshll.u32 v12, $0xE;
	v14 =	vmul.f32 v14, v0;
	(pc) =	sbr.rel @p0 .LBB2_12-.Ltmp5, $4  }
0x1cc: {  	v13 =	vadd.f32 $5.000000000e-01, v13;
	v9 =	vadd.s32 v12, v9;
	v10 =	vand.u32 $0x7FFFFFFF, v5  }
0x1cd: {  	v11 =	vadd.f32 $5.000000000e-01, v11;
	v12 =	vand.u32 $0x7FFFFFFF, v4;
	v14 =	vadd.f32 $5.000000000e-01, v14;
	[tilespmem:s30+$0xD000] =	vst v9;
	s30 =	smov.u32 s31;
	s31 =	smov.u32 s3  }
0x1ce: {  	v9 =	vmul.f32 $1.270000000e+02, v13;
	v10 =	vmax.f32 v10, v12;
	v12 =	vand.u32 $0x7FFFFFFF, v2  }
0x1cf: {  	s0 =	sadd.s32 $0x40, s0;
	v11 =	vmul.f32 $1.270000000e+02, v11;
	v10 =	vmax.f32 v10, v12;
	v12 =	vmul.f32 $1.270000000e+02, v14  }
0x1d0: {  	(erf) = vrcp.f32 v10;
	v7 =	vmul.f32 v8, v7  }
0x1d1: {  	v56 =	vld [tilespmem:s31+$0x8000];
	v9 =	vmax.f32 v9, $0.0e+00;
	v6 =	vmul.f32 v8, v6;
	v3 =	vmul.f32 v8, v3  }
0x1d2: {  	v14 =	vld [tilespmem:s31+$0x6000];
	v55 =	vmax.f32 v12, $0.0e+00;
	v11 =	vmax.f32 v11, $0.0e+00;
	v9 =	vmin.f32 v9, $1.270000000e+02  }
0x1d3: {  	v13 =	vld [tilespmem:s31+$0x7000];
	v10 =	vmin.f32 v55, $1.270000000e+02;
	v11 =	vmin.f32 v11, $1.270000000e+02;
	v9 =	vtrunc.f32 v9  }
0x1d4: {  	vm0 =	vle.f32 v7, $-1.000000000e+00;
	vm1 =	vge.f32 v6, $1.000000000e+00;
	vm8 =	vle.f32 v6, $-1.000000000e+00  }
0x1d5: {  	vm9 =	vge.f32 v3, $1.000000000e+00;
	v10 =	vtrunc.f32 v10;
	v7 =	vtrunc.f32 v11  }
0x1d6: {  	vm10 =	vle.f32 v3, $-1.000000000e+00;
	v9 =	vcvt.f32.s32 v9;
	v58 =	vcvt.f32.s32 v10  }
0x1d7: {  	v57 =	vsel vm0, $0x1, v1;
	v59 =	vmul.f32 v56, v0;
	v61 =	vmul.f32 v14, v0  }
0x1d8: {  	v6 =	vsel vm1, $0x2, v57;
	v7 =	vcvt.f32.s32 v7;
	v60 =	vmul.f32 v13, v0  }
0x1d9: {  	v6 =	vsel vm8, $0x3, v6;
	v10 =	vadd.f32 $5.000000000e-01, v59;
	v3 =	vadd.f32 $5.000000000e-01, v61  }
0x1da: {  	v6 =	vsel vm9, $0x4, v6;
	v8 =	vmul.u32 $0x6, v58;
	v11 =	vadd.f32 $5.000000000e-01, v60  }
0x1db: {  	v7 =	vshll.u32 v7, $0x7;
	v10 =	vmul.f32 $1.270000000e+02, v10;
	v3 =	vmul.f32 $1.270000000e+02, v3;
	v62 =	vpop (erf)  }
0x1dc: {  	v6 =	vsel vm10, $0x5, v6;
	v11 =	vmul.f32 $1.270000000e+02, v11;
	v5 =	vmul.f32 v62, v5  }
0x1dd: {  	v6 =	vadd.s32 v8, v6;
	v4 =	vmul.f32 v62, v4;
	v2 =	vmul.f32 v62, v2  }
0x1de: {  	v3 =	vmax.f32 v3, $0.0e+00;
	v11 =	vmax.f32 v11, $0.0e+00;
	v10 =	vmax.f32 v10, $0.0e+00  }
0x1df: {  	v11 =	vmin.f32 v11, $1.270000000e+02;
	v10 =	vmin.f32 v10, $1.270000000e+02;
	v3 =	vmin.f32 v3, $1.270000000e+02  }
0x1e0: {  	vm11 =	vle.f32 v5, $-1.000000000e+00;
	vm12 =	vge.f32 v4, $1.000000000e+00;
	vm13 =	vle.f32 v4, $-1.000000000e+00  }
0x1e1: {  	vm14 =	vge.f32 v2, $1.000000000e+00;
	v3 =	vtrunc.f32 v3;
	v63 =	vsel vm11, $0x1, v1  }
0x1e2: {  	vm15 =	vle.f32 v2, $-1.000000000e+00;
	v4 =	vsel vm12, $0x2, v63;
	v3 =	vcvt.f32.s32 v3  }
0x1e3: {  	v10 =	vtrunc.f32 v10;
	v5 =	vtrunc.f32 v11;
	v4 =	vsel vm13, $0x3, v4  }
0x1e4: {  	v5 =	vcvt.f32.s32 v5;
	v2 =	vsel vm14, $0x4, v4;
	v3 =	vmul.u32 $0x6, v3  }
0x1e5: {  	v4 =	vshll.u32 v6, $0xE;
	v6 =	vcvt.f32.s32 v10;
	v2 =	vsel vm15, $0x5, v2  }
0x1e6: {  	v7 =	vadd.s32 v9, v7;
	v2 =	vadd.s32 v3, v2;
	v3 =	vshll.u32 v5, $0x7  }
0x1e7: {  	v4 =	vadd.s32 v4, v7;
	v2 =	vshll.u32 v2, $0xE;
	v3 =	vadd.s32 v6, v3  }
0x1e8: {  	[tilespmem:s30+$0xD000] =	vst v4;
	v2 =	vadd.s32 v2, v3  }
0x1e9: {  	[tilespmem:s31+$0xD000] =	vst v2  }
0x1ea: {  	_ =	swait.ge [sflag:s21], $0x1000  }
0x1eb: {  	[sflag:s21] =	ssyncset.done $0x0  }
0x1ec: {  	[sflag:s21] =	ssyncadd.s32 $0xFFFFF000  }
0x1ed: {  	_ =	swait.ge [sflag:s21], $0x1000  }
0x1ee: {  	[sflag:s21] =	ssyncset.done $0x0  }
0x1ef: {  	[sflag:s21] =	ssyncadd.s32 $0xFFFFF000  }
0x1f0: {  	[tilespmem:s23], [sflag:$0x2] =	stream.indirect.gather [hbm4b:s1+s7], $0x1, s22, s7, $0xb8;
	[tilespmem:$0x14000] =	vst v63  }
0x1f1: {  	s3 =	sld [smem:$0x7EA]  }
0x1f2: {  	[tilespmem:s24], [sflag:$0x2] =	stream.indirect.gather [hbm4b:s2+s7], $0x1, s22, s7, $0xb8;
	[tilespmem:$0x14000] =	vst v63  }
0x1f3: {  	s0 =	simm.s32 $0x0;
	s5 =	sld [smem:$0x7EB]  }
0x1f4: {  	[tilespmem:s0], [sflag:$0x1] =	stream.linear.gather [hbm4b:s3+s0], $0x1000, $0x38;
	[tilespmem:$0x14000] =	vst v63  }
0x1f5: {  	_ = 	snop  }
0x1f6: {  	[tilespmem:s6], [sflag:$0x1] =	stream.linear.gather [hbm4b:s5+s0], $0x1000, $0x38;
	[tilespmem:$0x14000] =	vst v63  }
0x1f7: {  	s5 =	rddreg [dreg:$0x19]  }
0x1f8: {  	[tilespmem:s7], [sflag:$0x1] =	stream.linear.gather [hbm4b:s5+s0], $0x1000, $0x38;
	[tilespmem:$0x14000] =	vst v63  }
0x1f9: {  	s5 =	rddreg [dreg:$0x1a]  }
0x1fa: {  	[tilespmem:s8], [sflag:$0x1] =	stream.linear.gather [hbm4b:s5+s0], $0x1000, $0x38;
	[tilespmem:$0x14000] =	vst v63  }
0x1fb: {  	s5 =	rddreg [dreg:$0x1b]  }
0x1fc: {  	[tilespmem:s9], [sflag:$0x1] =	stream.linear.gather [hbm4b:s5+s0], $0x1000, $0x38;
	[tilespmem:$0x14000] =	vst v63  }
0x1fd: {  	s5 =	rddreg [dreg:$0x1c]  }
0x1fe: {  	[tilespmem:s10], [sflag:$0x1] =	stream.linear.gather [hbm4b:s5+s0], $0x1000, $0x38;
	[tilespmem:$0x14000] =	vst v63  }
0x1ff: {  	_ =	swait.ge [sflag:s28], $0x1000  }
0x200: {  	[sflag:s28] =	ssyncset.done $0x0  }
0x201: {  	s31 =	simm.s32 $0x0;
	[sflag:s28] =	ssyncadd.s32 $0xFFFFF000  }
0x202: {  	v2 =	vld [tilespmem:s31+$0xF000];
	_ =	sdelay $0x4  }
0x203: {  	v2 =	vcvt.s32.f32 v2  }
0x204: {  	s0 =	simm.s32 $0x10  }
0x205: {  	(erf) = vrcp.f32 v2;
	v2 =	vld [tilespmem:s0+$0xF000];
	_ =	sdelay $0x3  }
0x206: {  	v4 =	vld [tilespmem:s31+$0xE000]  }
0x207: {  	s30 =	simm.s32 $0x20;
	v2 =	vcvt.s32.f32 v2  }
0x208: {  	v3 =	vld [tilespmem:s30+$0xF000]  }
0x209: {  	(erf) = vrcp.f32 v2;
	_ =	sdelay $0x1  }
0x20a: {  	v4 =	vcvt.s32.f32 v4  }
0x20b: {  	s3 =	simm.s32 $0xC0;
	v2 =	vld [tilespmem:s0+$0xE000];
	v5 =	vpop (erf)  }
.LBB2_14:
0x20c: {  	s5 =	sshra.s32 s3, $0x2;
	p0 =	sne.s32 s3, $0x3FC0;
	s3 =	sadd.s32 $0x40, s3;
	v6 =	vcvt.s32.f32 v3;
	v4 =	vmul.f32 v4, v5  }
.Ltmp6:
0x20d: {  	v3 =	vld [tilespmem:s5+$0xF000];
	(pc) =	sbr.rel @p0 .LBB2_14-.Ltmp6, $4  }
0x20e: {  	(erf) = vrcp.f32 v6;
	[tilespmem:s31+$0x12000] =	vst v4;
	s31 =	smov.u32 s0;
	s0 =	smov.u32 s30;
	s30 =	smov.u32 s5  }
0x20f: {  	_ = 	snop  }
0x210: {  	v4 =	vcvt.s32.f32 v2  }
0x211: {  	v2 =	vld [tilespmem:s0+$0xE000];
	v5 =	vpop (erf)  }
0x212: {  	v3 =	vcvt.s32.f32 v3;
	_ =	sdelay $0x1  }
0x213: {  	v4 =	vmul.f32 v4, v5;
	(erf) = vrcp.f32 v3;
	_ =	sdelay $0x1  }
0x214: {  	[tilespmem:s31+$0x12000] =	vst v4  }
0x215: {  	v3 =	vld [tilespmem:s30+$0xE000];
	_ =	sdelay $0x3  }
0x216: {  	v2 =	vcvt.s32.f32 v2  }
0x217: {  	v4 =	vpop (erf);
	v3 =	vcvt.s32.f32 v3  }
0x218: {  	v2 =	vmul.f32 v2, v4;
	v4 =	vpop (erf)  }
0x219: {  	v3 =	vmul.f32 v3, v4  }
0x21a: {  	[tilespmem:s0+$0x12000] =	vst v2  }
0x21b: {  	s5 =	simm.s32 $0x0;
	s3 =	rddreg [dreg:$0x1f];
	[tilespmem:s30+$0x12000] =	vst v3  }
0x21c: {  	[hbm4b:s3+s5] =	stream.linear.scatter [tilespmem:s25], [sflag:$0x3], $0x1000, $0x38;
	[tilespmem:$0x14000] =	vst v63  }
0x21d: {  	_ =	swait.ge [sflag:s11], $0x1000  }
0x21e: {  	[sflag:s11] =	ssyncset.done $0x0  }
0x21f: {  	[sflag:s11] =	ssyncadd.s32 $0xFFFFF000  }
0x220: {  	_ =	swait.ge [sflag:s11], $0x1000  }
0x221: {  	[sflag:s11] =	ssyncset.done $0x0  }
0x222: {  	[sflag:s11] =	ssyncadd.s32 $0xFFFFF000  }
0x223: {  	_ =	swait.ge [sflag:s11], $0x1000  }
0x224: {  	[sflag:s11] =	ssyncset.done $0x0  }
0x225: {  	[sflag:s11] =	ssyncadd.s32 $0xFFFFF000  }
0x226: {  	_ =	swait.ge [sflag:s11], $0x1000  }
0x227: {  	[sflag:s11] =	ssyncset.done $0x0  }
0x228: {  	[sflag:s11] =	ssyncadd.s32 $0xFFFFF000  }
0x229: {  	_ =	swait.ge [sflag:s11], $0x1000  }
0x22a: {  	[sflag:s11] =	ssyncset.done $0x0  }
0x22b: {  	[sflag:s11] =	ssyncadd.s32 $0xFFFFF000  }
0x22c: {  	_ =	swait.ge [sflag:s11], $0x1000  }
0x22d: {  	[sflag:s11] =	ssyncset.done $0x0  }
0x22e: {  	s30 =	simm.s32 $0x0;
	[sflag:s11] =	ssyncadd.s32 $0xFFFFF000  }
0x22f: {  	v7 =	vld [tilespmem:s30+$0x3000]  }
0x230: {  	v6 =	vld [tilespmem:s30+$0x4000]  }
0x231: {  	v3 =	vld [tilespmem:s30+$0x5000];
	_ =	sdelay $0x3  }
0x232: {  	v2 =	vand.u32 $0x7FFFFFFF, v7;
	v4 =	vand.u32 $0x7FFFFFFF, v6  }
0x233: {  	v8 =	vld [tilespmem:s30+$0x2000];
	v2 =	vmax.f32 v2, v4;
	v4 =	vand.u32 $0x7FFFFFFF, v3  }
0x234: {  	v9 =	vld [tilespmem:s30+$0x1000];
	v2 =	vmax.f32 v2, v4  }
0x235: {  	s31 =	simm.s32 $0x10;
	v10 =	vld [tilespmem:s30+$0x0];
	(erf) = vrcp.f32 v2  }
0x236: {  	v5 =	vld [tilespmem:s31+$0x3000]  }
0x237: {  	v4 =	vld [tilespmem:s31+$0x4000]  }
0x238: {  	v8 =	vmul.f32 v8, v0;
	v2 =	vld [tilespmem:s31+$0x5000];
	_ =	sdelay $0x1  }
0x239: {  	v9 =	vmul.f32 v9, v0;
	v10 =	vmul.f32 v10, v0;
	v8 =	vadd.f32 $5.000000000e-01, v8  }
0x23a: {  	v11 =	vand.u32 $0x7FFFFFFF, v5  }
0x23b: {  	v13 =	vadd.f32 $5.000000000e-01, v10;
	v14 =	vadd.f32 $5.000000000e-01, v9;
	v12 =	vand.u32 $0x7FFFFFFF, v4  }
0x23c: {  	v9 =	vmul.f32 $1.270000000e+02, v8;
	v10 =	vmax.f32 v11, v12;
	v11 =	vand.u32 $0x7FFFFFFF, v2  }
0x23d: {  	s0 =	simm.s32 $0x80;
	v12 =	vmul.f32 $1.270000000e+02, v13;
	v10 =	vmax.f32 v10, v11;
	v11 =	vmul.f32 $1.270000000e+02, v14;
	v8 =	vpop (erf)  }
.LBB2_16:
0x23e: {  	p0 =	sne.s32 s0, $0x3FC0;
	(erf) = vrcp.f32 v10  }
0x23f: {  	v9 =	vmax.f32 v9, $0.0e+00;
	v10 =	vmax.f32 v12, $0.0e+00;
	v11 =	vmax.f32 v11, $0.0e+00  }
0x240: {  	v12 =	vmul.f32 v8, v7;
	v9 =	vmin.f32 v9, $1.270000000e+02;
	v7 =	vmovc v5;
	v11 =	vmin.f32 v11, $1.270000000e+02  }
0x241: {  	v5 =	vmul.f32 v8, v6;
	v6 =	vmovc v4;
	v10 =	vmin.f32 v10, $1.270000000e+02;
	v9 =	vtrunc.f32 v9  }
0x242: {  	vm0 =	vle.f32 v12, $-1.000000000e+00;
	v4 =	vtrunc.f32 v10;
	v10 =	vtrunc.f32 v11;
	v13 =	vld [tilespmem:s31+$0x2000]  }
0x243: {  	v8 =	vmul.f32 v8, v3;
	v3 =	vmovc v2;
	vm1 =	vge.f32 v5, $1.000000000e+00;
	v12 =	vsel vm0, $0x1, v1;
	v11 =	vld [tilespmem:s31+$0x1000]  }
0x244: {  	s3 =	sshra.s32 s0, $0x2;
	vm0 =	vle.f32 v5, $-1.000000000e+00;
	v2 =	vsel vm1, $0x2, v12;
	v12 =	vcvt.f32.s32 v4;
	v14 =	vld [tilespmem:s31+$0x0]  }
0x245: {  	v10 =	vcvt.f32.s32 v10;
	vm1 =	vge.f32 v8, $1.000000000e+00;
	v2 =	vsel vm0, $0x3, v2;
	v5 =	vld [tilespmem:s3+$0x3000]  }
0x246: {  	vm0 =	vle.f32 v8, $-1.000000000e+00;
	v15 =	vsel vm1, $0x4, v2;
	v12 =	vmul.u32 $0x6, v12;
	v4 =	vld [tilespmem:s3+$0x4000]  }
0x247: {  	v9 =	vcvt.f32.s32 v9;
	v15 =	vsel vm0, $0x5, v15;
	v2 =	vld [tilespmem:s3+$0x5000];
	v13 =	vmul.f32 v13, v0;
	v8 =	vpop (erf)  }
0x248: {  	v10 =	vshll.u32 v10, $0x7;
	v12 =	vadd.s32 v12, v15;
	v11 =	vmul.f32 v11, v0  }
.Ltmp7:
0x249: {  	v9 =	vadd.s32 v9, v10;
	v12 =	vshll.u32 v12, $0xE;
	v14 =	vmul.f32 v14, v0;
	(pc) =	sbr.rel @p0 .LBB2_16-.Ltmp7, $4  }
0x24a: {  	v13 =	vadd.f32 $5.000000000e-01, v13;
	v9 =	vadd.s32 v12, v9;
	v10 =	vand.u32 $0x7FFFFFFF, v5  }
0x24b: {  	v11 =	vadd.f32 $5.000000000e-01, v11;
	v12 =	vand.u32 $0x7FFFFFFF, v4;
	v14 =	vadd.f32 $5.000000000e-01, v14;
	[tilespmem:s30+$0xC000] =	vst v9;
	s30 =	smov.u32 s31;
	s31 =	smov.u32 s3  }
0x24c: {  	v9 =	vmul.f32 $1.270000000e+02, v13;
	v10 =	vmax.f32 v10, v12;
	v12 =	vand.u32 $0x7FFFFFFF, v2  }
0x24d: {  	s0 =	sadd.s32 $0x40, s0;
	v11 =	vmul.f32 $1.270000000e+02, v11;
	v10 =	vmax.f32 v10, v12;
	v12 =	vmul.f32 $1.270000000e+02, v14  }
0x24e: {  	(erf) = vrcp.f32 v10;
	v7 =	vmul.f32 v8, v7  }
0x24f: {  	v56 =	vld [tilespmem:s31+$0x2000];
	v9 =	vmax.f32 v9, $0.0e+00;
	v6 =	vmul.f32 v8, v6;
	v3 =	vmul.f32 v8, v3  }
0x250: {  	v14 =	vld [tilespmem:s31+$0x0];
	v55 =	vmax.f32 v12, $0.0e+00;
	v11 =	vmax.f32 v11, $0.0e+00;
	v9 =	vmin.f32 v9, $1.270000000e+02  }
0x251: {  	v13 =	vld [tilespmem:s31+$0x1000];
	v10 =	vmin.f32 v55, $1.270000000e+02;
	v11 =	vmin.f32 v11, $1.270000000e+02;
	v9 =	vtrunc.f32 v9  }
0x252: {  	vm0 =	vle.f32 v7, $-1.000000000e+00;
	vm1 =	vge.f32 v6, $1.000000000e+00;
	vm8 =	vle.f32 v6, $-1.000000000e+00  }
0x253: {  	vm9 =	vge.f32 v3, $1.000000000e+00;
	v10 =	vtrunc.f32 v10;
	v7 =	vtrunc.f32 v11  }
0x254: {  	vm10 =	vle.f32 v3, $-1.000000000e+00;
	v9 =	vcvt.f32.s32 v9;
	v58 =	vcvt.f32.s32 v10  }
0x255: {  	v57 =	vsel vm0, $0x1, v1;
	v59 =	vmul.f32 v56, v0;
	v61 =	vmul.f32 v14, v0  }
0x256: {  	v6 =	vsel vm1, $0x2, v57;
	v7 =	vcvt.f32.s32 v7;
	v60 =	vmul.f32 v13, v0  }
0x257: {  	v6 =	vsel vm8, $0x3, v6;
	v10 =	vadd.f32 $5.000000000e-01, v59;
	v3 =	vadd.f32 $5.000000000e-01, v61  }
0x258: {  	v6 =	vsel vm9, $0x4, v6;
	v8 =	vmul.u32 $0x6, v58;
	v11 =	vadd.f32 $5.000000000e-01, v60  }
0x259: {  	v7 =	vshll.u32 v7, $0x7;
	v10 =	vmul.f32 $1.270000000e+02, v10;
	v3 =	vmul.f32 $1.270000000e+02, v3;
	v62 =	vpop (erf)  }
0x25a: {  	v6 =	vsel vm10, $0x5, v6;
	v11 =	vmul.f32 $1.270000000e+02, v11;
	v5 =	vmul.f32 v62, v5  }
0x25b: {  	v6 =	vadd.s32 v8, v6;
	v4 =	vmul.f32 v62, v4;
	v2 =	vmul.f32 v62, v2  }
0x25c: {  	v3 =	vmax.f32 v3, $0.0e+00;
	v11 =	vmax.f32 v11, $0.0e+00;
	v10 =	vmax.f32 v10, $0.0e+00  }
0x25d: {  	v11 =	vmin.f32 v11, $1.270000000e+02;
	v10 =	vmin.f32 v10, $1.270000000e+02;
	v3 =	vmin.f32 v3, $1.270000000e+02  }
0x25e: {  	vm11 =	vle.f32 v5, $-1.000000000e+00;
	vm12 =	vge.f32 v4, $1.000000000e+00;
	vm13 =	vle.f32 v4, $-1.000000000e+00  }
0x25f: {  	vm14 =	vge.f32 v2, $1.000000000e+00;
	v3 =	vtrunc.f32 v3;
	v63 =	vsel vm11, $0x1, v1  }
0x260: {  	vm15 =	vle.f32 v2, $-1.000000000e+00;
	v4 =	vsel vm12, $0x2, v63;
	v3 =	vcvt.f32.s32 v3  }
0x261: {  	v10 =	vtrunc.f32 v10;
	v5 =	vtrunc.f32 v11;
	v4 =	vsel vm13, $0x3, v4  }
0x262: {  	v5 =	vcvt.f32.s32 v5;
	v2 =	vsel vm14, $0x4, v4;
	v3 =	vmul.u32 $0x6, v3  }
0x263: {  	v4 =	vshll.u32 v6, $0xE;
	v6 =	vcvt.f32.s32 v10;
	v2 =	vsel vm15, $0x5, v2  }
0x264: {  	v7 =	vadd.s32 v9, v7;
	v2 =	vadd.s32 v3, v2;
	v3 =	vshll.u32 v5, $0x7  }
0x265: {  	v4 =	vadd.s32 v4, v7;
	v2 =	vshll.u32 v2, $0xE;
	v3 =	vadd.s32 v6, v3  }
0x266: {  	[tilespmem:s30+$0xC000] =	vst v4;
	v2 =	vadd.s32 v2, v3  }
0x267: {  	[tilespmem:s31+$0xC000] =	vst v2  }
0x268: {  	_ =	swait.ge [sflag:s21], $0x1000  }
0x269: {  	[sflag:s21] =	ssyncset.done $0x0  }
0x26a: {  	[sflag:s21] =	ssyncadd.s32 $0xFFFFF000  }
0x26b: {  	_ =	swait.ge [sflag:s21], $0x1000  }
0x26c: {  	[sflag:s21] =	ssyncset.done $0x0  }
0x26d: {  	[sflag:s21] =	ssyncadd.s32 $0xFFFFF000  }
0x26e: {  	[tilespmem:s13], [sflag:$0x2] =	stream.indirect.gather [hbm4b:s1+s7], $0x1, s12, s7, $0xb8;
	[tilespmem:$0x14000] =	vst v63  }
0x26f: {  	s3 =	sld [smem:$0x7F2]  }
0x270: {  	[tilespmem:s14], [sflag:$0x2] =	stream.indirect.gather [hbm4b:s2+s7], $0x1, s12, s7, $0xb8;
	[tilespmem:$0x14000] =	vst v63  }
0x271: {  	s0 =	simm.s32 $0x0;
	s5 =	sld [smem:$0x7F7]  }
0x272: {  	[tilespmem:s15], [sflag:$0x1] =	stream.linear.gather [hbm4b:s3+s0], $0x1000, $0x38;
	[tilespmem:$0x14000] =	vst v63  }
0x273: {  	_ = 	snop  }
0x274: {  	[tilespmem:s16], [sflag:$0x1] =	stream.linear.gather [hbm4b:s5+s0], $0x1000, $0x38;
	[tilespmem:$0x14000] =	vst v63  }
0x275: {  	s5 =	sld [smem:$0x7DF];
	_ =	sdelay $0x2  }
0x276: {  	[tilespmem:s17], [sflag:$0x1] =	stream.linear.gather [hbm4b:s5+s0], $0x1000, $0x38;
	[tilespmem:$0x14000] =	vst v63  }
0x277: {  	s5 =	sld [smem:$0x7E0];
	_ =	sdelay $0x2  }
0x278: {  	[tilespmem:s18], [sflag:$0x1] =	stream.linear.gather [hbm4b:s5+s0], $0x1000, $0x38;
	[tilespmem:$0x14000] =	vst v63  }
0x279: {  	s5 =	sld [smem:$0x7E1];
	_ =	sdelay $0x2  }
0x27a: {  	[tilespmem:s19], [sflag:$0x1] =	stream.linear.gather [hbm4b:s5+s0], $0x1000, $0x38;
	[tilespmem:$0x14000] =	vst v63  }
0x27b: {  	s5 =	sld [smem:$0x7E2];
	_ =	sdelay $0x2  }
0x27c: {  	[tilespmem:s20], [sflag:$0x1] =	stream.linear.gather [hbm4b:s5+s0], $0x1000, $0x38;
	[tilespmem:$0x14000] =	vst v63  }
0x27d: {  	_ =	swait.ge [sflag:s28], $0x1000  }
0x27e: {  	[sflag:s28] =	ssyncset.done $0x0  }
0x27f: {  	s31 =	simm.s32 $0x0;
	[sflag:s28] =	ssyncadd.s32 $0xFFFFF000  }
0x280: {  	v2 =	vld [tilespmem:s31+$0x11000];
	_ =	sdelay $0x4  }
0x281: {  	v2 =	vcvt.s32.f32 v2  }
0x282: {  	s0 =	simm.s32 $0x10  }
0x283: {  	(erf) = vrcp.f32 v2;
	v2 =	vld [tilespmem:s0+$0x11000];
	_ =	sdelay $0x3  }
0x284: {  	v4 =	vld [tilespmem:s31+$0x10000]  }
0x285: {  	s30 =	simm.s32 $0x20;
	v2 =	vcvt.s32.f32 v2  }
0x286: {  	v3 =	vld [tilespmem:s30+$0x11000]  }
0x287: {  	(erf) = vrcp.f32 v2;
	_ =	sdelay $0x1  }
0x288: {  	v4 =	vcvt.s32.f32 v4  }
0x289: {  	s3 =	simm.s32 $0xC0;
	v2 =	vld [tilespmem:s0+$0x10000];
	v5 =	vpop (erf)  }
.LBB2_18:
0x28a: {  	s5 =	sshra.s32 s3, $0x2;
	p0 =	sne.s32 s3, $0x3FC0;
	s3 =	sadd.s32 $0x40, s3;
	v6 =	vcvt.s32.f32 v3;
	v4 =	vmul.f32 v4, v5  }
.Ltmp8:
0x28b: {  	v3 =	vld [tilespmem:s5+$0x11000];
	(pc) =	sbr.rel @p0 .LBB2_18-.Ltmp8, $4  }
0x28c: {  	(erf) = vrcp.f32 v6;
	[tilespmem:s31+$0x13000] =	vst v4;
	s31 =	smov.u32 s0;
	s0 =	smov.u32 s30;
	s30 =	smov.u32 s5  }
0x28d: {  	_ = 	snop  }
0x28e: {  	v4 =	vcvt.s32.f32 v2  }
0x28f: {  	v2 =	vld [tilespmem:s0+$0x10000];
	v5 =	vpop (erf)  }
0x290: {  	v3 =	vcvt.s32.f32 v3;
	_ =	sdelay $0x1  }
0x291: {  	v4 =	vmul.f32 v4, v5;
	(erf) = vrcp.f32 v3;
	_ =	sdelay $0x1  }
0x292: {  	[tilespmem:s31+$0x13000] =	vst v4  }
0x293: {  	v3 =	vld [tilespmem:s30+$0x10000];
	_ =	sdelay $0x3  }
0x294: {  	v2 =	vcvt.s32.f32 v2  }
0x295: {  	v4 =	vpop (erf);
	v3 =	vcvt.s32.f32 v3  }
0x296: {  	v2 =	vmul.f32 v2, v4;
	v4 =	vpop (erf)  }
0x297: {  	s3 =	sld [smem:$0x7E5];
	v3 =	vmul.f32 v3, v4  }
0x298: {  	[tilespmem:s0+$0x13000] =	vst v2  }
0x299: {  	s5 =	simm.s32 $0x0;
	[tilespmem:s30+$0x13000] =	vst v3  }
0x29a: {  	[hbm4b:s3+s5] =	stream.linear.scatter [tilespmem:s26], [sflag:$0x3], $0x1000, $0x38;
	[tilespmem:$0x14000] =	vst v63  }
0x29b: {  	_ =	swait.ge [sflag:s11], $0x1000  }
0x29c: {  	[sflag:s11] =	ssyncset.done $0x0  }
0x29d: {  	[sflag:s11] =	ssyncadd.s32 $0xFFFFF000  }
0x29e: {  	_ =	swait.ge [sflag:s11], $0x1000  }
0x29f: {  	[sflag:s11] =	ssyncset.done $0x0  }
0x2a0: {  	[sflag:s11] =	ssyncadd.s32 $0xFFFFF000  }
0x2a1: {  	_ =	swait.ge [sflag:s11], $0x1000  }
0x2a2: {  	[sflag:s11] =	ssyncset.done $0x0  }
0x2a3: {  	[sflag:s11] =	ssyncadd.s32 $0xFFFFF000  }
0x2a4: {  	_ =	swait.ge [sflag:s11], $0x1000  }
0x2a5: {  	[sflag:s11] =	ssyncset.done $0x0  }
0x2a6: {  	[sflag:s11] =	ssyncadd.s32 $0xFFFFF000  }
0x2a7: {  	_ =	swait.ge [sflag:s11], $0x1000  }
0x2a8: {  	[sflag:s11] =	ssyncset.done $0x0  }
0x2a9: {  	[sflag:s11] =	ssyncadd.s32 $0xFFFFF000  }
0x2aa: {  	_ =	swait.ge [sflag:s11], $0x1000  }
0x2ab: {  	[sflag:s11] =	ssyncset.done $0x0  }
0x2ac: {  	s30 =	simm.s32 $0x0;
	[sflag:s11] =	ssyncadd.s32 $0xFFFFF000  }
0x2ad: {  	v7 =	vld [tilespmem:s30+$0x9000]  }
0x2ae: {  	v6 =	vld [tilespmem:s30+$0xA000]  }
0x2af: {  	v3 =	vld [tilespmem:s30+$0xB000];
	_ =	sdelay $0x3  }
0x2b0: {  	v2 =	vand.u32 $0x7FFFFFFF, v7;
	v4 =	vand.u32 $0x7FFFFFFF, v6  }
0x2b1: {  	v8 =	vld [tilespmem:s30+$0x8000];
	v2 =	vmax.f32 v2, v4;
	v4 =	vand.u32 $0x7FFFFFFF, v3  }
0x2b2: {  	v9 =	vld [tilespmem:s30+$0x7000];
	v2 =	vmax.f32 v2, v4  }
0x2b3: {  	s31 =	simm.s32 $0x10;
	v10 =	vld [tilespmem:s30+$0x6000];
	(erf) = vrcp.f32 v2  }
0x2b4: {  	v5 =	vld [tilespmem:s31+$0x9000]  }
0x2b5: {  	v4 =	vld [tilespmem:s31+$0xA000]  }
0x2b6: {  	v8 =	vmul.f32 v8, v0;
	v2 =	vld [tilespmem:s31+$0xB000];
	_ =	sdelay $0x1  }
0x2b7: {  	v9 =	vmul.f32 v9, v0;
	v10 =	vmul.f32 v10, v0;
	v8 =	vadd.f32 $5.000000000e-01, v8  }
0x2b8: {  	v11 =	vand.u32 $0x7FFFFFFF, v5  }
0x2b9: {  	v13 =	vadd.f32 $5.000000000e-01, v10;
	v14 =	vadd.f32 $5.000000000e-01, v9;
	v12 =	vand.u32 $0x7FFFFFFF, v4  }
0x2ba: {  	v9 =	vmul.f32 $1.270000000e+02, v8;
	v10 =	vmax.f32 v11, v12;
	v11 =	vand.u32 $0x7FFFFFFF, v2  }
0x2bb: {  	s0 =	simm.s32 $0x80;
	v12 =	vmul.f32 $1.270000000e+02, v13;
	v10 =	vmax.f32 v10, v11;
	v11 =	vmul.f32 $1.270000000e+02, v14;
	v8 =	vpop (erf)  }
.LBB2_20:
0x2bc: {  	p0 =	sne.s32 s0, $0x3FC0;
	(erf) = vrcp.f32 v10  }
0x2bd: {  	v9 =	vmax.f32 v9, $0.0e+00;
	v10 =	vmax.f32 v12, $0.0e+00;
	v11 =	vmax.f32 v11, $0.0e+00  }
0x2be: {  	v12 =	vmul.f32 v8, v7;
	v9 =	vmin.f32 v9, $1.270000000e+02;
	v7 =	vmovc v5;
	v11 =	vmin.f32 v11, $1.270000000e+02  }
0x2bf: {  	v5 =	vmul.f32 v8, v6;
	v6 =	vmovc v4;
	v10 =	vmin.f32 v10, $1.270000000e+02;
	v9 =	vtrunc.f32 v9  }
0x2c0: {  	vm0 =	vle.f32 v12, $-1.000000000e+00;
	v4 =	vtrunc.f32 v10;
	v10 =	vtrunc.f32 v11;
	v13 =	vld [tilespmem:s31+$0x8000]  }
0x2c1: {  	v8 =	vmul.f32 v8, v3;
	v3 =	vmovc v2;
	vm1 =	vge.f32 v5, $1.000000000e+00;
	v12 =	vsel vm0, $0x1, v1;
	v11 =	vld [tilespmem:s31+$0x7000]  }
0x2c2: {  	s3 =	sshra.s32 s0, $0x2;
	vm0 =	vle.f32 v5, $-1.000000000e+00;
	v2 =	vsel vm1, $0x2, v12;
	v12 =	vcvt.f32.s32 v4;
	v14 =	vld [tilespmem:s31+$0x6000]  }
0x2c3: {  	v10 =	vcvt.f32.s32 v10;
	vm1 =	vge.f32 v8, $1.000000000e+00;
	v2 =	vsel vm0, $0x3, v2;
	v5 =	vld [tilespmem:s3+$0x9000]  }
0x2c4: {  	vm0 =	vle.f32 v8, $-1.000000000e+00;
	v15 =	vsel vm1, $0x4, v2;
	v12 =	vmul.u32 $0x6, v12;
	v4 =	vld [tilespmem:s3+$0xA000]  }
0x2c5: {  	v9 =	vcvt.f32.s32 v9;
	v15 =	vsel vm0, $0x5, v15;
	v2 =	vld [tilespmem:s3+$0xB000];
	v13 =	vmul.f32 v13, v0;
	v8 =	vpop (erf)  }
0x2c6: {  	v10 =	vshll.u32 v10, $0x7;
	v12 =	vadd.s32 v12, v15;
	v11 =	vmul.f32 v11, v0  }
.Ltmp9:
0x2c7: {  	v9 =	vadd.s32 v9, v10;
	v12 =	vshll.u32 v12, $0xE;
	v14 =	vmul.f32 v14, v0;
	(pc) =	sbr.rel @p0 .LBB2_20-.Ltmp9, $4  }
0x2c8: {  	v13 =	vadd.f32 $5.000000000e-01, v13;
	v9 =	vadd.s32 v12, v9;
	v10 =	vand.u32 $0x7FFFFFFF, v5  }
0x2c9: {  	v11 =	vadd.f32 $5.000000000e-01, v11;
	v12 =	vand.u32 $0x7FFFFFFF, v4;
	v14 =	vadd.f32 $5.000000000e-01, v14;
	[tilespmem:s30+$0xD000] =	vst v9;
	s30 =	smov.u32 s31;
	s31 =	smov.u32 s3  }
0x2ca: {  	v9 =	vmul.f32 $1.270000000e+02, v13;
	v10 =	vmax.f32 v10, v12;
	v12 =	vand.u32 $0x7FFFFFFF, v2  }
0x2cb: {  	s0 =	sadd.s32 $0x40, s0;
	v11 =	vmul.f32 $1.270000000e+02, v11;
	v10 =	vmax.f32 v10, v12;
	v12 =	vmul.f32 $1.270000000e+02, v14  }
0x2cc: {  	(erf) = vrcp.f32 v10;
	v7 =	vmul.f32 v8, v7  }
0x2cd: {  	v56 =	vld [tilespmem:s31+$0x8000];
	v9 =	vmax.f32 v9, $0.0e+00;
	v6 =	vmul.f32 v8, v6;
	v3 =	vmul.f32 v8, v3  }
0x2ce: {  	v14 =	vld [tilespmem:s31+$0x6000];
	v55 =	vmax.f32 v12, $0.0e+00;
	v11 =	vmax.f32 v11, $0.0e+00;
	v9 =	vmin.f32 v9, $1.270000000e+02  }
0x2cf: {  	v13 =	vld [tilespmem:s31+$0x7000];
	v10 =	vmin.f32 v55, $1.270000000e+02;
	v11 =	vmin.f32 v11, $1.270000000e+02;
	v9 =	vtrunc.f32 v9  }
0x2d0: {  	vm0 =	vle.f32 v7, $-1.000000000e+00;
	vm1 =	vge.f32 v6, $1.000000000e+00;
	vm8 =	vle.f32 v6, $-1.000000000e+00  }
0x2d1: {  	vm9 =	vge.f32 v3, $1.000000000e+00;
	v10 =	vtrunc.f32 v10;
	v7 =	vtrunc.f32 v11  }
0x2d2: {  	vm10 =	vle.f32 v3, $-1.000000000e+00;
	v9 =	vcvt.f32.s32 v9;
	v58 =	vcvt.f32.s32 v10  }
0x2d3: {  	v57 =	vsel vm0, $0x1, v1;
	v59 =	vmul.f32 v56, v0;
	v61 =	vmul.f32 v14, v0  }
0x2d4: {  	v6 =	vsel vm1, $0x2, v57;
	v7 =	vcvt.f32.s32 v7;
	v60 =	vmul.f32 v13, v0  }
0x2d5: {  	v6 =	vsel vm8, $0x3, v6;
	v10 =	vadd.f32 $5.000000000e-01, v59;
	v3 =	vadd.f32 $5.000000000e-01, v61  }
0x2d6: {  	v6 =	vsel vm9, $0x4, v6;
	v8 =	vmul.u32 $0x6, v58;
	v11 =	vadd.f32 $5.000000000e-01, v60  }
0x2d7: {  	v7 =	vshll.u32 v7, $0x7;
	v10 =	vmul.f32 $1.270000000e+02, v10;
	v3 =	vmul.f32 $1.270000000e+02, v3;
	v62 =	vpop (erf)  }
0x2d8: {  	v6 =	vsel vm10, $0x5, v6;
	v11 =	vmul.f32 $1.270000000e+02, v11;
	v5 =	vmul.f32 v62, v5  }
0x2d9: {  	v6 =	vadd.s32 v8, v6;
	v4 =	vmul.f32 v62, v4;
	v2 =	vmul.f32 v62, v2  }
0x2da: {  	v3 =	vmax.f32 v3, $0.0e+00;
	v11 =	vmax.f32 v11, $0.0e+00;
	v10 =	vmax.f32 v10, $0.0e+00  }
0x2db: {  	v11 =	vmin.f32 v11, $1.270000000e+02;
	v10 =	vmin.f32 v10, $1.270000000e+02;
	v3 =	vmin.f32 v3, $1.270000000e+02  }
0x2dc: {  	vm11 =	vle.f32 v5, $-1.000000000e+00;
	vm12 =	vge.f32 v4, $1.000000000e+00;
	vm13 =	vle.f32 v4, $-1.000000000e+00  }
0x2dd: {  	vm14 =	vge.f32 v2, $1.000000000e+00;
	v3 =	vtrunc.f32 v3;
	v63 =	vsel vm11, $0x1, v1  }
0x2de: {  	vm15 =	vle.f32 v2, $-1.000000000e+00;
	v4 =	vsel vm12, $0x2, v63;
	v3 =	vcvt.f32.s32 v3  }
0x2df: {  	v10 =	vtrunc.f32 v10;
	v5 =	vtrunc.f32 v11;
	v4 =	vsel vm13, $0x3, v4  }
0x2e0: {  	v5 =	vcvt.f32.s32 v5;
	v2 =	vsel vm14, $0x4, v4;
	v3 =	vmul.u32 $0x6, v3  }
0x2e1: {  	v4 =	vshll.u32 v6, $0xE;
	v6 =	vcvt.f32.s32 v10;
	v2 =	vsel vm15, $0x5, v2  }
0x2e2: {  	v7 =	vadd.s32 v9, v7;
	v2 =	vadd.s32 v3, v2;
	v3 =	vshll.u32 v5, $0x7  }
0x2e3: {  	v4 =	vadd.s32 v4, v7;
	v2 =	vshll.u32 v2, $0xE;
	v3 =	vadd.s32 v6, v3  }
0x2e4: {  	[tilespmem:s30+$0xD000] =	vst v4;
	v2 =	vadd.s32 v2, v3  }
0x2e5: {  	[tilespmem:s31+$0xD000] =	vst v2  }
0x2e6: {  	_ =	swait.ge [sflag:s21], $0x1000  }
0x2e7: {  	[sflag:s21] =	ssyncset.done $0x0  }
0x2e8: {  	[sflag:s21] =	ssyncadd.s32 $0xFFFFF000  }
0x2e9: {  	_ =	swait.ge [sflag:s21], $0x1000  }
0x2ea: {  	[sflag:s21] =	ssyncset.done $0x0  }
0x2eb: {  	[sflag:s21] =	ssyncadd.s32 $0xFFFFF000  }
0x2ec: {  	[tilespmem:s23], [sflag:$0x2] =	stream.indirect.gather [hbm4b:s1+s7], $0x1, s22, s7, $0xb8;
	[tilespmem:$0x14000] =	vst v63  }
0x2ed: {  	s3 =	sld [smem:$0x7F3]  }
0x2ee: {  	[tilespmem:s24], [sflag:$0x2] =	stream.indirect.gather [hbm4b:s2+s7], $0x1, s22, s7, $0xb8;
	[tilespmem:$0x14000] =	vst v63  }
0x2ef: {  	s0 =	simm.s32 $0x0;
	s5 =	sld [smem:$0x7F8]  }
0x2f0: {  	[tilespmem:s0], [sflag:$0x1] =	stream.linear.gather [hbm4b:s3+s0], $0x1000, $0x38;
	[tilespmem:$0x14000] =	vst v63  }
0x2f1: {  	_ = 	snop  }
0x2f2: {  	[tilespmem:s6], [sflag:$0x1] =	stream.linear.gather [hbm4b:s5+s0], $0x1000, $0x38;
	[tilespmem:$0x14000] =	vst v63  }
0x2f3: {  	s5 =	sld [smem:$0x7E6];
	_ =	sdelay $0x2  }
0x2f4: {  	[tilespmem:s7], [sflag:$0x1] =	stream.linear.gather [hbm4b:s5+s0], $0x1000, $0x38;
	[tilespmem:$0x14000] =	vst v63  }
0x2f5: {  	s5 =	sld [smem:$0x7E7];
	_ =	sdelay $0x2  }
0x2f6: {  	[tilespmem:s8], [sflag:$0x1] =	stream.linear.gather [hbm4b:s5+s0], $0x1000, $0x38;
	[tilespmem:$0x14000] =	vst v63  }
0x2f7: {  	s5 =	sld [smem:$0x7E8];
	_ =	sdelay $0x2  }
0x2f8: {  	[tilespmem:s9], [sflag:$0x1] =	stream.linear.gather [hbm4b:s5+s0], $0x1000, $0x38;
	[tilespmem:$0x14000] =	vst v63  }
0x2f9: {  	s5 =	sld [smem:$0x7E9];
	_ =	sdelay $0x2  }
0x2fa: {  	[tilespmem:s10], [sflag:$0x1] =	stream.linear.gather [hbm4b:s5+s0], $0x1000, $0x38;
	[tilespmem:$0x14000] =	vst v63  }
0x2fb: {  	_ =	swait.ge [sflag:s28], $0x1000  }
0x2fc: {  	[sflag:s28] =	ssyncset.done $0x0  }
0x2fd: {  	s31 =	simm.s32 $0x0;
	[sflag:s28] =	ssyncadd.s32 $0xFFFFF000  }
0x2fe: {  	v2 =	vld [tilespmem:s31+$0xF000];
	_ =	sdelay $0x4  }
0x2ff: {  	v2 =	vcvt.s32.f32 v2  }
0x300: {  	s0 =	simm.s32 $0x10  }
0x301: {  	(erf) = vrcp.f32 v2;
	v2 =	vld [tilespmem:s0+$0xF000];
	_ =	sdelay $0x3  }
0x302: {  	v4 =	vld [tilespmem:s31+$0xE000]  }
0x303: {  	s30 =	simm.s32 $0x20;
	v2 =	vcvt.s32.f32 v2  }
0x304: {  	v3 =	vld [tilespmem:s30+$0xF000]  }
0x305: {  	(erf) = vrcp.f32 v2;
	_ =	sdelay $0x1  }
0x306: {  	v4 =	vcvt.s32.f32 v4  }
0x307: {  	s3 =	simm.s32 $0xC0;
	v2 =	vld [tilespmem:s0+$0xE000];
	v5 =	vpop (erf)  }
.LBB2_22:
0x308: {  	s5 =	sshra.s32 s3, $0x2;
	p0 =	sne.s32 s3, $0x3FC0;
	s3 =	sadd.s32 $0x40, s3;
	v6 =	vcvt.s32.f32 v3;
	v4 =	vmul.f32 v4, v5  }
.Ltmp10:
0x309: {  	v3 =	vld [tilespmem:s5+$0xF000];
	(pc) =	sbr.rel @p0 .LBB2_22-.Ltmp10, $4  }
0x30a: {  	(erf) = vrcp.f32 v6;
	[tilespmem:s31+$0x12000] =	vst v4;
	s31 =	smov.u32 s0;
	s0 =	smov.u32 s30;
	s30 =	smov.u32 s5  }
0x30b: {  	_ = 	snop  }
0x30c: {  	v4 =	vcvt.s32.f32 v2  }
0x30d: {  	v2 =	vld [tilespmem:s0+$0xE000];
	v5 =	vpop (erf)  }
0x30e: {  	v3 =	vcvt.s32.f32 v3;
	_ =	sdelay $0x1  }
0x30f: {  	v4 =	vmul.f32 v4, v5;
	(erf) = vrcp.f32 v3;
	_ =	sdelay $0x1  }
0x310: {  	[tilespmem:s31+$0x12000] =	vst v4  }
0x311: {  	v3 =	vld [tilespmem:s30+$0xE000];
	_ =	sdelay $0x3  }
0x312: {  	v2 =	vcvt.s32.f32 v2  }
0x313: {  	v4 =	vpop (erf);
	v3 =	vcvt.s32.f32 v3  }
0x314: {  	v2 =	vmul.f32 v2, v4;
	v4 =	vpop (erf)  }
0x315: {  	s3 =	sld [smem:$0x7EC];
	v3 =	vmul.f32 v3, v4  }
0x316: {  	[tilespmem:s0+$0x12000] =	vst v2  }
0x317: {  	s5 =	simm.s32 $0x0;
	[tilespmem:s30+$0x12000] =	vst v3  }
0x318: {  	[hbm4b:s3+s5] =	stream.linear.scatter [tilespmem:s25], [sflag:$0x3], $0x1000, $0x38;
	[tilespmem:$0x14000] =	vst v63  }
0x319: {  	_ =	swait.ge [sflag:s11], $0x1000  }
0x31a: {  	[sflag:s11] =	ssyncset.done $0x0  }
0x31b: {  	[sflag:s11] =	ssyncadd.s32 $0xFFFFF000  }
0x31c: {  	_ =	swait.ge [sflag:s11], $0x1000  }
0x31d: {  	[sflag:s11] =	ssyncset.done $0x0  }
0x31e: {  	[sflag:s11] =	ssyncadd.s32 $0xFFFFF000  }
0x31f: {  	_ =	swait.ge [sflag:s11], $0x1000  }
0x320: {  	[sflag:s11] =	ssyncset.done $0x0  }
0x321: {  	[sflag:s11] =	ssyncadd.s32 $0xFFFFF000  }
0x322: {  	_ =	swait.ge [sflag:s11], $0x1000  }
0x323: {  	[sflag:s11] =	ssyncset.done $0x0  }
0x324: {  	[sflag:s11] =	ssyncadd.s32 $0xFFFFF000  }
0x325: {  	_ =	swait.ge [sflag:s11], $0x1000  }
0x326: {  	[sflag:s11] =	ssyncset.done $0x0  }
0x327: {  	[sflag:s11] =	ssyncadd.s32 $0xFFFFF000  }
0x328: {  	_ =	swait.ge [sflag:s11], $0x1000  }
0x329: {  	[sflag:s11] =	ssyncset.done $0x0  }
0x32a: {  	s30 =	simm.s32 $0x0;
	[sflag:s11] =	ssyncadd.s32 $0xFFFFF000  }
0x32b: {  	v7 =	vld [tilespmem:s30+$0x3000]  }
0x32c: {  	v6 =	vld [tilespmem:s30+$0x4000]  }
0x32d: {  	v3 =	vld [tilespmem:s30+$0x5000];
	_ =	sdelay $0x3  }
0x32e: {  	v2 =	vand.u32 $0x7FFFFFFF, v7;
	v4 =	vand.u32 $0x7FFFFFFF, v6  }
0x32f: {  	v8 =	vld [tilespmem:s30+$0x2000];
	v2 =	vmax.f32 v2, v4;
	v4 =	vand.u32 $0x7FFFFFFF, v3  }
0x330: {  	v9 =	vld [tilespmem:s30+$0x1000];
	v2 =	vmax.f32 v2, v4  }
0x331: {  	s31 =	simm.s32 $0x10;
	v10 =	vld [tilespmem:s30+$0x0];
	(erf) = vrcp.f32 v2  }
0x332: {  	v5 =	vld [tilespmem:s31+$0x3000]  }
0x333: {  	v4 =	vld [tilespmem:s31+$0x4000]  }
0x334: {  	v8 =	vmul.f32 v8, v0;
	v2 =	vld [tilespmem:s31+$0x5000];
	_ =	sdelay $0x1  }
0x335: {  	v9 =	vmul.f32 v9, v0;
	v10 =	vmul.f32 v10, v0;
	v8 =	vadd.f32 $5.000000000e-01, v8  }
0x336: {  	v11 =	vand.u32 $0x7FFFFFFF, v5  }
0x337: {  	v13 =	vadd.f32 $5.000000000e-01, v10;
	v14 =	vadd.f32 $5.000000000e-01, v9;
	v12 =	vand.u32 $0x7FFFFFFF, v4  }
0x338: {  	v9 =	vmul.f32 $1.270000000e+02, v8;
	v10 =	vmax.f32 v11, v12;
	v11 =	vand.u32 $0x7FFFFFFF, v2  }
0x339: {  	s0 =	simm.s32 $0x80;
	v12 =	vmul.f32 $1.270000000e+02, v13;
	v10 =	vmax.f32 v10, v11;
	v11 =	vmul.f32 $1.270000000e+02, v14;
	v8 =	vpop (erf)  }
.LBB2_24:
0x33a: {  	p0 =	sne.s32 s0, $0x3FC0;
	(erf) = vrcp.f32 v10  }
0x33b: {  	v9 =	vmax.f32 v9, $0.0e+00;
	v10 =	vmax.f32 v12, $0.0e+00;
	v11 =	vmax.f32 v11, $0.0e+00  }
0x33c: {  	v12 =	vmul.f32 v8, v7;
	v9 =	vmin.f32 v9, $1.270000000e+02;
	v7 =	vmovc v5;
	v11 =	vmin.f32 v11, $1.270000000e+02  }
0x33d: {  	v5 =	vmul.f32 v8, v6;
	v6 =	vmovc v4;
	v10 =	vmin.f32 v10, $1.270000000e+02;
	v9 =	vtrunc.f32 v9  }
0x33e: {  	vm0 =	vle.f32 v12, $-1.000000000e+00;
	v4 =	vtrunc.f32 v10;
	v10 =	vtrunc.f32 v11;
	v13 =	vld [tilespmem:s31+$0x2000]  }
0x33f: {  	v8 =	vmul.f32 v8, v3;
	v3 =	vmovc v2;
	vm1 =	vge.f32 v5, $1.000000000e+00;
	v12 =	vsel vm0, $0x1, v1;
	v11 =	vld [tilespmem:s31+$0x1000]  }
0x340: {  	s3 =	sshra.s32 s0, $0x2;
	vm0 =	vle.f32 v5, $-1.000000000e+00;
	v2 =	vsel vm1, $0x2, v12;
	v12 =	vcvt.f32.s32 v4;
	v14 =	vld [tilespmem:s31+$0x0]  }
0x341: {  	v10 =	vcvt.f32.s32 v10;
	vm1 =	vge.f32 v8, $1.000000000e+00;
	v2 =	vsel vm0, $0x3, v2;
	v5 =	vld [tilespmem:s3+$0x3000]  }
0x342: {  	vm0 =	vle.f32 v8, $-1.000000000e+00;
	v15 =	vsel vm1, $0x4, v2;
	v12 =	vmul.u32 $0x6, v12;
	v4 =	vld [tilespmem:s3+$0x4000]  }
0x343: {  	v9 =	vcvt.f32.s32 v9;
	v15 =	vsel vm0, $0x5, v15;
	v2 =	vld [tilespmem:s3+$0x5000];
	v13 =	vmul.f32 v13, v0;
	v8 =	vpop (erf)  }
0x344: {  	v10 =	vshll.u32 v10, $0x7;
	v12 =	vadd.s32 v12, v15;
	v11 =	vmul.f32 v11, v0  }
.Ltmp11:
0x345: {  	v9 =	vadd.s32 v9, v10;
	v12 =	vshll.u32 v12, $0xE;
	v14 =	vmul.f32 v14, v0;
	(pc) =	sbr.rel @p0 .LBB2_24-.Ltmp11, $4  }
0x346: {  	v13 =	vadd.f32 $5.000000000e-01, v13;
	v9 =	vadd.s32 v12, v9;
	v10 =	vand.u32 $0x7FFFFFFF, v5  }
0x347: {  	v11 =	vadd.f32 $5.000000000e-01, v11;
	v12 =	vand.u32 $0x7FFFFFFF, v4;
	v14 =	vadd.f32 $5.000000000e-01, v14;
	[tilespmem:s30+$0xC000] =	vst v9;
	s30 =	smov.u32 s31;
	s31 =	smov.u32 s3  }
0x348: {  	v9 =	vmul.f32 $1.270000000e+02, v13;
	v10 =	vmax.f32 v10, v12;
	v12 =	vand.u32 $0x7FFFFFFF, v2  }
0x349: {  	s0 =	sadd.s32 $0x40, s0;
	v11 =	vmul.f32 $1.270000000e+02, v11;
	v10 =	vmax.f32 v10, v12;
	v12 =	vmul.f32 $1.270000000e+02, v14  }
0x34a: {  	(erf) = vrcp.f32 v10;
	v7 =	vmul.f32 v8, v7  }
0x34b: {  	v56 =	vld [tilespmem:s31+$0x2000];
	v9 =	vmax.f32 v9, $0.0e+00;
	v6 =	vmul.f32 v8, v6;
	v3 =	vmul.f32 v8, v3  }
0x34c: {  	v14 =	vld [tilespmem:s31+$0x0];
	v55 =	vmax.f32 v12, $0.0e+00;
	v11 =	vmax.f32 v11, $0.0e+00;
	v9 =	vmin.f32 v9, $1.270000000e+02  }
0x34d: {  	v13 =	vld [tilespmem:s31+$0x1000];
	v10 =	vmin.f32 v55, $1.270000000e+02;
	v11 =	vmin.f32 v11, $1.270000000e+02;
	v9 =	vtrunc.f32 v9  }
0x34e: {  	vm0 =	vle.f32 v7, $-1.000000000e+00;
	vm1 =	vge.f32 v6, $1.000000000e+00;
	vm8 =	vle.f32 v6, $-1.000000000e+00  }
0x34f: {  	vm9 =	vge.f32 v3, $1.000000000e+00;
	v10 =	vtrunc.f32 v10;
	v7 =	vtrunc.f32 v11  }
0x350: {  	vm10 =	vle.f32 v3, $-1.000000000e+00;
	v9 =	vcvt.f32.s32 v9;
	v58 =	vcvt.f32.s32 v10  }
0x351: {  	v57 =	vsel vm0, $0x1, v1;
	v59 =	vmul.f32 v56, v0;
	v61 =	vmul.f32 v14, v0  }
0x352: {  	v6 =	vsel vm1, $0x2, v57;
	v7 =	vcvt.f32.s32 v7;
	v60 =	vmul.f32 v13, v0  }
0x353: {  	v6 =	vsel vm8, $0x3, v6;
	v10 =	vadd.f32 $5.000000000e-01, v59;
	v3 =	vadd.f32 $5.000000000e-01, v61  }
0x354: {  	v6 =	vsel vm9, $0x4, v6;
	v8 =	vmul.u32 $0x6, v58;
	v11 =	vadd.f32 $5.000000000e-01, v60  }
0x355: {  	v7 =	vshll.u32 v7, $0x7;
	v10 =	vmul.f32 $1.270000000e+02, v10;
	v3 =	vmul.f32 $1.270000000e+02, v3;
	v62 =	vpop (erf)  }
0x356: {  	v6 =	vsel vm10, $0x5, v6;
	v11 =	vmul.f32 $1.270000000e+02, v11;
	v5 =	vmul.f32 v62, v5  }
0x357: {  	v6 =	vadd.s32 v8, v6;
	v4 =	vmul.f32 v62, v4;
	v2 =	vmul.f32 v62, v2  }
0x358: {  	v3 =	vmax.f32 v3, $0.0e+00;
	v11 =	vmax.f32 v11, $0.0e+00;
	v10 =	vmax.f32 v10, $0.0e+00  }
0x359: {  	v11 =	vmin.f32 v11, $1.270000000e+02;
	v10 =	vmin.f32 v10, $1.270000000e+02;
	v3 =	vmin.f32 v3, $1.270000000e+02  }
0x35a: {  	vm11 =	vle.f32 v5, $-1.000000000e+00;
	vm12 =	vge.f32 v4, $1.000000000e+00;
	vm13 =	vle.f32 v4, $-1.000000000e+00  }
0x35b: {  	vm14 =	vge.f32 v2, $1.000000000e+00;
	v3 =	vtrunc.f32 v3;
	v63 =	vsel vm11, $0x1, v1  }
0x35c: {  	vm15 =	vle.f32 v2, $-1.000000000e+00;
	v4 =	vsel vm12, $0x2, v63;
	v3 =	vcvt.f32.s32 v3  }
0x35d: {  	v10 =	vtrunc.f32 v10;
	v5 =	vtrunc.f32 v11;
	v4 =	vsel vm13, $0x3, v4  }
0x35e: {  	v5 =	vcvt.f32.s32 v5;
	v2 =	vsel vm14, $0x4, v4;
	v3 =	vmul.u32 $0x6, v3  }
0x35f: {  	v4 =	vshll.u32 v6, $0xE;
	v6 =	vcvt.f32.s32 v10;
	v2 =	vsel vm15, $0x5, v2  }
0x360: {  	v7 =	vadd.s32 v9, v7;
	v2 =	vadd.s32 v3, v2;
	v3 =	vshll.u32 v5, $0x7  }
0x361: {  	v4 =	vadd.s32 v4, v7;
	v2 =	vshll.u32 v2, $0xE;
	v3 =	vadd.s32 v6, v3  }
0x362: {  	[tilespmem:s30+$0xC000] =	vst v4;
	v2 =	vadd.s32 v2, v3  }
0x363: {  	[tilespmem:s31+$0xC000] =	vst v2  }
0x364: {  	_ =	swait.ge [sflag:s21], $0x1000  }
0x365: {  	[sflag:s21] =	ssyncset.done $0x0  }
0x366: {  	[sflag:s21] =	ssyncadd.s32 $0xFFFFF000  }
0x367: {  	_ =	swait.ge [sflag:s21], $0x1000  }
0x368: {  	[sflag:s21] =	ssyncset.done $0x0  }
0x369: {  	[sflag:s21] =	ssyncadd.s32 $0xFFFFF000  }
0x36a: {  	[tilespmem:s13], [sflag:$0x2] =	stream.indirect.gather [hbm4b:s1+s7], $0x1, s12, s7, $0xb8;
	[tilespmem:$0x14000] =	vst v63  }
0x36b: {  	s3 =	sld [smem:$0x7F4]  }
0x36c: {  	[tilespmem:s14], [sflag:$0x2] =	stream.indirect.gather [hbm4b:s2+s7], $0x1, s12, s7, $0xb8;
	[tilespmem:$0x14000] =	vst v63  }
0x36d: {  	s0 =	simm.s32 $0x0;
	s5 =	sld [smem:$0x7F9]  }
0x36e: {  	[tilespmem:s15], [sflag:$0x1] =	stream.linear.gather [hbm4b:s3+s0], $0x1000, $0x38;
	[tilespmem:$0x14000] =	vst v63  }
0x36f: {  	_ = 	snop  }
0x370: {  	[tilespmem:s16], [sflag:$0x1] =	stream.linear.gather [hbm4b:s5+s0], $0x1000, $0x38;
	[tilespmem:$0x14000] =	vst v63  }
0x371: {  	s5 =	sld [smem:$0x7ED];
	_ =	sdelay $0x2  }
0x372: {  	[tilespmem:s17], [sflag:$0x1] =	stream.linear.gather [hbm4b:s5+s0], $0x1000, $0x38;
	[tilespmem:$0x14000] =	vst v63  }
0x373: {  	s5 =	sld [smem:$0x7EE];
	_ =	sdelay $0x2  }
0x374: {  	[tilespmem:s18], [sflag:$0x1] =	stream.linear.gather [hbm4b:s5+s0], $0x1000, $0x38;
	[tilespmem:$0x14000] =	vst v63  }
0x375: {  	s5 =	sld [smem:$0x7F5];
	_ =	sdelay $0x2  }
0x376: {  	[tilespmem:s19], [sflag:$0x1] =	stream.linear.gather [hbm4b:s5+s0], $0x1000, $0x38;
	[tilespmem:$0x14000] =	vst v63  }
0x377: {  	s5 =	sld [smem:$0x7F6];
	_ =	sdelay $0x2  }
0x378: {  	[tilespmem:s20], [sflag:$0x1] =	stream.linear.gather [hbm4b:s5+s0], $0x1000, $0x38;
	[tilespmem:$0x14000] =	vst v63  }
0x379: {  	_ =	swait.ge [sflag:s28], $0x1000  }
0x37a: {  	[sflag:s28] =	ssyncset.done $0x0  }
0x37b: {  	s31 =	simm.s32 $0x0;
	[sflag:s28] =	ssyncadd.s32 $0xFFFFF000  }
0x37c: {  	v2 =	vld [tilespmem:s31+$0x11000];
	_ =	sdelay $0x4  }
0x37d: {  	v2 =	vcvt.s32.f32 v2  }
0x37e: {  	s0 =	simm.s32 $0x10  }
0x37f: {  	(erf) = vrcp.f32 v2;
	v2 =	vld [tilespmem:s0+$0x11000];
	_ =	sdelay $0x3  }
0x380: {  	v4 =	vld [tilespmem:s31+$0x10000]  }
0x381: {  	s30 =	simm.s32 $0x20;
	v2 =	vcvt.s32.f32 v2  }
0x382: {  	v3 =	vld [tilespmem:s30+$0x11000]  }
0x383: {  	(erf) = vrcp.f32 v2;
	_ =	sdelay $0x1  }
0x384: {  	v4 =	vcvt.s32.f32 v4  }
0x385: {  	s3 =	simm.s32 $0xC0;
	v2 =	vld [tilespmem:s0+$0x10000];
	v5 =	vpop (erf)  }
.LBB2_26:
0x386: {  	s5 =	sshra.s32 s3, $0x2;
	p0 =	sne.s32 s3, $0x3FC0;
	s3 =	sadd.s32 $0x40, s3;
	v6 =	vcvt.s32.f32 v3;
	v4 =	vmul.f32 v4, v5  }
.Ltmp12:
0x387: {  	v3 =	vld [tilespmem:s5+$0x11000];
	(pc) =	sbr.rel @p0 .LBB2_26-.Ltmp12, $4  }
0x388: {  	(erf) = vrcp.f32 v6;
	[tilespmem:s31+$0x13000] =	vst v4;
	s31 =	smov.u32 s0;
	s0 =	smov.u32 s30;
	s30 =	smov.u32 s5  }
0x389: {  	_ = 	snop  }
0x38a: {  	v4 =	vcvt.s32.f32 v2  }
0x38b: {  	v2 =	vld [tilespmem:s0+$0x10000];
	v5 =	vpop (erf)  }
0x38c: {  	v3 =	vcvt.s32.f32 v3;
	_ =	sdelay $0x1  }
0x38d: {  	v4 =	vmul.f32 v4, v5;
	(erf) = vrcp.f32 v3;
	_ =	sdelay $0x1  }
0x38e: {  	[tilespmem:s31+$0x13000] =	vst v4  }
0x38f: {  	v3 =	vld [tilespmem:s30+$0x10000];
	_ =	sdelay $0x3  }
0x390: {  	v2 =	vcvt.s32.f32 v2  }
0x391: {  	v4 =	vpop (erf);
	v3 =	vcvt.s32.f32 v3  }
0x392: {  	v2 =	vmul.f32 v2, v4;
	v4 =	vpop (erf)  }
0x393: {  	s3 =	sld [smem:$0x7FA];
	v3 =	vmul.f32 v3, v4  }
0x394: {  	[tilespmem:s0+$0x13000] =	vst v2  }
0x395: {  	s5 =	simm.s32 $0x0;
	[tilespmem:s30+$0x13000] =	vst v3  }
0x396: {  	[hbm4b:s3+s5] =	stream.linear.scatter [tilespmem:s26], [sflag:$0x3], $0x1000, $0x38;
	[tilespmem:$0x14000] =	vst v63  }
0x397: {  	_ =	swait.ge [sflag:s11], $0x1000  }
0x398: {  	[sflag:s11] =	ssyncset.done $0x0  }
0x399: {  	[sflag:s11] =	ssyncadd.s32 $0xFFFFF000  }
0x39a: {  	_ =	swait.ge [sflag:s11], $0x1000  }
0x39b: {  	[sflag:s11] =	ssyncset.done $0x0  }
0x39c: {  	[sflag:s11] =	ssyncadd.s32 $0xFFFFF000  }
0x39d: {  	_ =	swait.ge [sflag:s11], $0x1000  }
0x39e: {  	[sflag:s11] =	ssyncset.done $0x0  }
0x39f: {  	[sflag:s11] =	ssyncadd.s32 $0xFFFFF000  }
0x3a0: {  	_ =	swait.ge [sflag:s11], $0x1000  }
0x3a1: {  	[sflag:s11] =	ssyncset.done $0x0  }
0x3a2: {  	[sflag:s11] =	ssyncadd.s32 $0xFFFFF000  }
0x3a3: {  	_ =	swait.ge [sflag:s11], $0x1000  }
0x3a4: {  	[sflag:s11] =	ssyncset.done $0x0  }
0x3a5: {  	[sflag:s11] =	ssyncadd.s32 $0xFFFFF000  }
0x3a6: {  	_ =	swait.ge [sflag:s11], $0x1000  }
0x3a7: {  	[sflag:s11] =	ssyncset.done $0x0  }
0x3a8: {  	s30 =	simm.s32 $0x0;
	[sflag:s11] =	ssyncadd.s32 $0xFFFFF000  }
0x3a9: {  	v7 =	vld [tilespmem:s30+$0x9000]  }
0x3aa: {  	v6 =	vld [tilespmem:s30+$0xA000]  }
0x3ab: {  	v3 =	vld [tilespmem:s30+$0xB000];
	_ =	sdelay $0x3  }
0x3ac: {  	v2 =	vand.u32 $0x7FFFFFFF, v7;
	v4 =	vand.u32 $0x7FFFFFFF, v6  }
0x3ad: {  	v8 =	vld [tilespmem:s30+$0x8000];
	v2 =	vmax.f32 v2, v4;
	v4 =	vand.u32 $0x7FFFFFFF, v3  }
0x3ae: {  	v9 =	vld [tilespmem:s30+$0x7000];
	v2 =	vmax.f32 v2, v4  }
0x3af: {  	s31 =	simm.s32 $0x10;
	v10 =	vld [tilespmem:s30+$0x6000];
	(erf) = vrcp.f32 v2  }
0x3b0: {  	v5 =	vld [tilespmem:s31+$0x9000]  }
0x3b1: {  	v4 =	vld [tilespmem:s31+$0xA000]  }
0x3b2: {  	v8 =	vmul.f32 v8, v0;
	v2 =	vld [tilespmem:s31+$0xB000];
	_ =	sdelay $0x1  }
0x3b3: {  	v9 =	vmul.f32 v9, v0;
	v10 =	vmul.f32 v10, v0;
	v8 =	vadd.f32 $5.000000000e-01, v8  }
0x3b4: {  	v11 =	vand.u32 $0x7FFFFFFF, v5  }
0x3b5: {  	v13 =	vadd.f32 $5.000000000e-01, v10;
	v14 =	vadd.f32 $5.000000000e-01, v9;
	v12 =	vand.u32 $0x7FFFFFFF, v4  }
0x3b6: {  	v9 =	vmul.f32 $1.270000000e+02, v8;
	v10 =	vmax.f32 v11, v12;
	v11 =	vand.u32 $0x7FFFFFFF, v2  }
0x3b7: {  	s0 =	simm.s32 $0x80;
	v12 =	vmul.f32 $1.270000000e+02, v13;
	v10 =	vmax.f32 v10, v11;
	v11 =	vmul.f32 $1.270000000e+02, v14;
	v8 =	vpop (erf)  }
.LBB2_28:
0x3b8: {  	p0 =	sne.s32 s0, $0x3FC0;
	(erf) = vrcp.f32 v10  }
0x3b9: {  	v9 =	vmax.f32 v9, $0.0e+00;
	v10 =	vmax.f32 v12, $0.0e+00;
	v11 =	vmax.f32 v11, $0.0e+00  }
0x3ba: {  	v12 =	vmul.f32 v8, v7;
	v9 =	vmin.f32 v9, $1.270000000e+02;
	v7 =	vmovc v5;
	v11 =	vmin.f32 v11, $1.270000000e+02  }
0x3bb: {  	v5 =	vmul.f32 v8, v6;
	v6 =	vmovc v4;
	v10 =	vmin.f32 v10, $1.270000000e+02;
	v9 =	vtrunc.f32 v9  }
0x3bc: {  	vm0 =	vle.f32 v12, $-1.000000000e+00;
	v4 =	vtrunc.f32 v10;
	v10 =	vtrunc.f32 v11;
	v13 =	vld [tilespmem:s31+$0x8000]  }
0x3bd: {  	v8 =	vmul.f32 v8, v3;
	v3 =	vmovc v2;
	vm1 =	vge.f32 v5, $1.000000000e+00;
	v12 =	vsel vm0, $0x1, v1;
	v11 =	vld [tilespmem:s31+$0x7000]  }
0x3be: {  	s3 =	sshra.s32 s0, $0x2;
	vm0 =	vle.f32 v5, $-1.000000000e+00;
	v2 =	vsel vm1, $0x2, v12;
	v12 =	vcvt.f32.s32 v4;
	v14 =	vld [tilespmem:s31+$0x6000]  }
0x3bf: {  	v10 =	vcvt.f32.s32 v10;
	vm1 =	vge.f32 v8, $1.000000000e+00;
	v2 =	vsel vm0, $0x3, v2;
	v5 =	vld [tilespmem:s3+$0x9000]  }
0x3c0: {  	vm0 =	vle.f32 v8, $-1.000000000e+00;
	v15 =	vsel vm1, $0x4, v2;
	v12 =	vmul.u32 $0x6, v12;
	v4 =	vld [tilespmem:s3+$0xA000]  }
0x3c1: {  	v9 =	vcvt.f32.s32 v9;
	v15 =	vsel vm0, $0x5, v15;
	v2 =	vld [tilespmem:s3+$0xB000];
	v13 =	vmul.f32 v13, v0;
	v8 =	vpop (erf)  }
0x3c2: {  	v10 =	vshll.u32 v10, $0x7;
	v12 =	vadd.s32 v12, v15;
	v11 =	vmul.f32 v11, v0  }
.Ltmp13:
0x3c3: {  	v9 =	vadd.s32 v9, v10;
	v12 =	vshll.u32 v12, $0xE;
	v14 =	vmul.f32 v14, v0;
	(pc) =	sbr.rel @p0 .LBB2_28-.Ltmp13, $4  }
0x3c4: {  	v13 =	vadd.f32 $5.000000000e-01, v13;
	v9 =	vadd.s32 v12, v9;
	v10 =	vand.u32 $0x7FFFFFFF, v5  }
0x3c5: {  	v11 =	vadd.f32 $5.000000000e-01, v11;
	v12 =	vand.u32 $0x7FFFFFFF, v4;
	v14 =	vadd.f32 $5.000000000e-01, v14;
	[tilespmem:s30+$0xD000] =	vst v9;
	s30 =	smov.u32 s31;
	s31 =	smov.u32 s3  }
0x3c6: {  	v9 =	vmul.f32 $1.270000000e+02, v13;
	v10 =	vmax.f32 v10, v12;
	v12 =	vand.u32 $0x7FFFFFFF, v2  }
0x3c7: {  	s0 =	sadd.s32 $0x40, s0;
	v11 =	vmul.f32 $1.270000000e+02, v11;
	v10 =	vmax.f32 v10, v12;
	v12 =	vmul.f32 $1.270000000e+02, v14  }
0x3c8: {  	(erf) = vrcp.f32 v10;
	v7 =	vmul.f32 v8, v7  }
0x3c9: {  	v56 =	vld [tilespmem:s31+$0x8000];
	v9 =	vmax.f32 v9, $0.0e+00;
	v6 =	vmul.f32 v8, v6;
	v3 =	vmul.f32 v8, v3  }
0x3ca: {  	v14 =	vld [tilespmem:s31+$0x6000];
	v55 =	vmax.f32 v12, $0.0e+00;
	v11 =	vmax.f32 v11, $0.0e+00;
	v9 =	vmin.f32 v9, $1.270000000e+02  }
0x3cb: {  	v13 =	vld [tilespmem:s31+$0x7000];
	v10 =	vmin.f32 v55, $1.270000000e+02;
	v11 =	vmin.f32 v11, $1.270000000e+02;
	v9 =	vtrunc.f32 v9  }
0x3cc: {  	vm0 =	vle.f32 v7, $-1.000000000e+00;
	vm1 =	vge.f32 v6, $1.000000000e+00;
	vm8 =	vle.f32 v6, $-1.000000000e+00  }
0x3cd: {  	vm9 =	vge.f32 v3, $1.000000000e+00;
	v10 =	vtrunc.f32 v10;
	v7 =	vtrunc.f32 v11  }
0x3ce: {  	vm10 =	vle.f32 v3, $-1.000000000e+00;
	v9 =	vcvt.f32.s32 v9;
	v58 =	vcvt.f32.s32 v10  }
0x3cf: {  	v57 =	vsel vm0, $0x1, v1;
	v59 =	vmul.f32 v56, v0;
	v61 =	vmul.f32 v14, v0  }
0x3d0: {  	v6 =	vsel vm1, $0x2, v57;
	v7 =	vcvt.f32.s32 v7;
	v60 =	vmul.f32 v13, v0  }
0x3d1: {  	v6 =	vsel vm8, $0x3, v6;
	v10 =	vadd.f32 $5.000000000e-01, v59;
	v3 =	vadd.f32 $5.000000000e-01, v61  }
0x3d2: {  	v6 =	vsel vm9, $0x4, v6;
	v8 =	vmul.u32 $0x6, v58;
	v11 =	vadd.f32 $5.000000000e-01, v60  }
0x3d3: {  	v7 =	vshll.u32 v7, $0x7;
	v10 =	vmul.f32 $1.270000000e+02, v10;
	v3 =	vmul.f32 $1.270000000e+02, v3;
	v62 =	vpop (erf)  }
0x3d4: {  	v6 =	vsel vm10, $0x5, v6;
	v11 =	vmul.f32 $1.270000000e+02, v11;
	v5 =	vmul.f32 v62, v5  }
0x3d5: {  	v6 =	vadd.s32 v8, v6;
	v4 =	vmul.f32 v62, v4;
	v2 =	vmul.f32 v62, v2  }
0x3d6: {  	v3 =	vmax.f32 v3, $0.0e+00;
	v11 =	vmax.f32 v11, $0.0e+00;
	v10 =	vmax.f32 v10, $0.0e+00  }
0x3d7: {  	v11 =	vmin.f32 v11, $1.270000000e+02;
	v10 =	vmin.f32 v10, $1.270000000e+02;
	v3 =	vmin.f32 v3, $1.270000000e+02  }
0x3d8: {  	vm11 =	vle.f32 v5, $-1.000000000e+00;
	vm12 =	vge.f32 v4, $1.000000000e+00;
	vm13 =	vle.f32 v4, $-1.000000000e+00  }
0x3d9: {  	vm14 =	vge.f32 v2, $1.000000000e+00;
	v3 =	vtrunc.f32 v3;
	v63 =	vsel vm11, $0x1, v1  }
0x3da: {  	vm15 =	vle.f32 v2, $-1.000000000e+00;
	v4 =	vsel vm12, $0x2, v63;
	v3 =	vcvt.f32.s32 v3  }
0x3db: {  	v10 =	vtrunc.f32 v10;
	v5 =	vtrunc.f32 v11;
	v4 =	vsel vm13, $0x3, v4  }
0x3dc: {  	v5 =	vcvt.f32.s32 v5;
	v2 =	vsel vm14, $0x4, v4;
	v3 =	vmul.u32 $0x6, v3  }
0x3dd: {  	v4 =	vshll.u32 v6, $0xE;
	v6 =	vcvt.f32.s32 v10;
	v2 =	vsel vm15, $0x5, v2  }
0x3de: {  	v7 =	vadd.s32 v9, v7;
	v2 =	vadd.s32 v3, v2;
	v3 =	vshll.u32 v5, $0x7  }
0x3df: {  	v4 =	vadd.s32 v4, v7;
	v2 =	vshll.u32 v2, $0xE;
	v3 =	vadd.s32 v6, v3  }
0x3e0: {  	[tilespmem:s30+$0xD000] =	vst v4;
	v2 =	vadd.s32 v2, v3  }
0x3e1: {  	[tilespmem:s31+$0xD000] =	vst v2  }
0x3e2: {  	_ =	swait.ge [sflag:s21], $0x1000  }
0x3e3: {  	[sflag:s21] =	ssyncset.done $0x0  }
0x3e4: {  	[sflag:s21] =	ssyncadd.s32 $0xFFFFF000  }
0x3e5: {  	_ =	swait.ge [sflag:s21], $0x1000  }
0x3e6: {  	[sflag:s21] =	ssyncset.done $0x0  }
0x3e7: {  	[sflag:s21] =	ssyncadd.s32 $0xFFFFF000  }
0x3e8: {  	[tilespmem:s23], [sflag:$0x2] =	stream.indirect.gather [hbm4b:s1+s7], $0x1, s22, s7, $0xb8;
	[tilespmem:$0x14000] =	vst v63  }
0x3e9: {  	_ = 	snop  }
0x3ea: {  	[tilespmem:s24], [sflag:$0x2] =	stream.indirect.gather [hbm4b:s2+s7], $0x1, s22, s7, $0xb8;
	[tilespmem:$0x14000] =	vst v63  }
0x3eb: {  	_ =	swait.ge [sflag:s28], $0x1000  }
0x3ec: {  	[sflag:s28] =	ssyncset.done $0x0  }
0x3ed: {  	s31 =	simm.s32 $0x0;
	[sflag:s28] =	ssyncadd.s32 $0xFFFFF000  }
0x3ee: {  	v2 =	vld [tilespmem:s31+$0xF000];
	_ =	sdelay $0x4  }
0x3ef: {  	v2 =	vcvt.s32.f32 v2  }
0x3f0: {  	s0 =	simm.s32 $0x10  }
0x3f1: {  	(erf) = vrcp.f32 v2;
	v2 =	vld [tilespmem:s0+$0xF000];
	_ =	sdelay $0x3  }
0x3f2: {  	v4 =	vld [tilespmem:s31+$0xE000]  }
0x3f3: {  	s30 =	simm.s32 $0x20;
	v2 =	vcvt.s32.f32 v2  }
0x3f4: {  	v3 =	vld [tilespmem:s30+$0xF000]  }
0x3f5: {  	(erf) = vrcp.f32 v2;
	_ =	sdelay $0x1  }
0x3f6: {  	v4 =	vcvt.s32.f32 v4  }
0x3f7: {  	s3 =	simm.s32 $0xC0;
	v2 =	vld [tilespmem:s0+$0xE000];
	v5 =	vpop (erf)  }
.LBB2_30:
0x3f8: {  	s5 =	sshra.s32 s3, $0x2;
	p0 =	sne.s32 s3, $0x3FC0;
	s3 =	sadd.s32 $0x40, s3;
	v6 =	vcvt.s32.f32 v3;
	v4 =	vmul.f32 v4, v5  }
.Ltmp14:
0x3f9: {  	v3 =	vld [tilespmem:s5+$0xF000];
	(pc) =	sbr.rel @p0 .LBB2_30-.Ltmp14, $4  }
0x3fa: {  	(erf) = vrcp.f32 v6;
	[tilespmem:s31+$0x12000] =	vst v4;
	s31 =	smov.u32 s0;
	s0 =	smov.u32 s30;
	s30 =	smov.u32 s5  }
0x3fb: {  	_ = 	snop  }
0x3fc: {  	v4 =	vcvt.s32.f32 v2  }
0x3fd: {  	v2 =	vld [tilespmem:s0+$0xE000];
	v5 =	vpop (erf)  }
0x3fe: {  	v3 =	vcvt.s32.f32 v3;
	_ =	sdelay $0x1  }
0x3ff: {  	v4 =	vmul.f32 v4, v5;
	(erf) = vrcp.f32 v3;
	_ =	sdelay $0x1  }
0x400: {  	[tilespmem:s31+$0x12000] =	vst v4  }
0x401: {  	v3 =	vld [tilespmem:s30+$0xE000];
	_ =	sdelay $0x3  }
0x402: {  	v2 =	vcvt.s32.f32 v2  }
0x403: {  	v4 =	vpop (erf);
	v3 =	vcvt.s32.f32 v3  }
0x404: {  	v2 =	vmul.f32 v2, v4;
	v4 =	vpop (erf)  }
0x405: {  	s3 =	sld [smem:$0x7FB];
	v3 =	vmul.f32 v3, v4  }
0x406: {  	[tilespmem:s0+$0x12000] =	vst v2  }
0x407: {  	s5 =	simm.s32 $0x0;
	[tilespmem:s30+$0x12000] =	vst v3  }
0x408: {  	[hbm4b:s3+s5] =	stream.linear.scatter [tilespmem:s25], [sflag:$0x3], $0x1000, $0x38;
	[tilespmem:$0x14000] =	vst v63  }
0x409: {  	_ =	swait.ge [sflag:s21], $0x1000  }
0x40a: {  	[sflag:s21] =	ssyncset.done $0x0  }
0x40b: {  	[sflag:s21] =	ssyncadd.s32 $0xFFFFF000  }
0x40c: {  	_ =	swait.ge [sflag:s21], $0x1000  }
0x40d: {  	[sflag:s21] =	ssyncset.done $0x0  }
0x40e: {  	s31 =	simm.s32 $0x0;
	[sflag:s21] =	ssyncadd.s32 $0xFFFFF000  }
0x40f: {  	v2 =	vld [tilespmem:s31+$0x11000];
	_ =	sdelay $0x4  }
0x410: {  	v2 =	vcvt.s32.f32 v2  }
0x411: {  	s0 =	simm.s32 $0x10  }
0x412: {  	(erf) = vrcp.f32 v2;
	v2 =	vld [tilespmem:s0+$0x11000];
	_ =	sdelay $0x3  }
0x413: {  	v4 =	vld [tilespmem:s31+$0x10000]  }
0x414: {  	s30 =	simm.s32 $0x20;
	v2 =	vcvt.s32.f32 v2  }
0x415: {  	v3 =	vld [tilespmem:s30+$0x11000]  }
0x416: {  	(erf) = vrcp.f32 v2;
	_ =	sdelay $0x1  }
0x417: {  	v4 =	vcvt.s32.f32 v4  }
0x418: {  	s3 =	simm.s32 $0xC0;
	v2 =	vld [tilespmem:s0+$0x10000];
	v5 =	vpop (erf)  }
.LBB2_32:
0x419: {  	s5 =	sshra.s32 s3, $0x2;
	p0 =	sne.s32 s3, $0x3FC0;
	s3 =	sadd.s32 $0x40, s3;
	v6 =	vcvt.s32.f32 v3;
	v4 =	vmul.f32 v4, v5  }
.Ltmp15:
0x41a: {  	v3 =	vld [tilespmem:s5+$0x11000];
	(pc) =	sbr.rel @p0 .LBB2_32-.Ltmp15, $4  }
0x41b: {  	(erf) = vrcp.f32 v6;
	[tilespmem:s31+$0x13000] =	vst v4;
	s31 =	smov.u32 s0;
	s0 =	smov.u32 s30;
	s30 =	smov.u32 s5  }
0x41c: {  	_ = 	snop  }
0x41d: {  	v4 =	vcvt.s32.f32 v2  }
0x41e: {  	v2 =	vld [tilespmem:s0+$0x10000];
	v5 =	vpop (erf)  }
0x41f: {  	v3 =	vcvt.s32.f32 v3;
	_ =	sdelay $0x1  }
0x420: {  	v4 =	vmul.f32 v4, v5;
	(erf) = vrcp.f32 v3;
	_ =	sdelay $0x1  }
0x421: {  	[tilespmem:s31+$0x13000] =	vst v4  }
0x422: {  	v3 =	vld [tilespmem:s30+$0x10000];
	_ =	sdelay $0x3  }
0x423: {  	v2 =	vcvt.s32.f32 v2  }
0x424: {  	v62 =	vpop (erf);
	v3 =	vcvt.s32.f32 v3  }
0x425: {  	v2 =	vmul.f32 v2, v62;
	v63 =	vpop (erf)  }
0x426: {  	v3 =	vmul.f32 v3, v63  }
0x427: {  	[tilespmem:s0+$0x13000] =	vst v2  }
0x428: {  	[tilespmem:s30+$0x13000] =	vst v3;
	s30 =	sld [smem:$0x7FC];
	_ =	sdelay $0x2  }
0x429: {  	[hbm4b:s30+s4] =	stream.linear.scatter [tilespmem:s26], [sflag:$0x3], $0x1000, $0x38;
	[tilespmem:$0x14000] =	vst v63  }
0x42a: {  	_ =	swait.ge [sflag:s28], $0x1000  }
0x42b: {  	[sflag:s28] =	ssyncset.done $0x0  }
0x42c: {  	[sflag:s28] =	ssyncadd.s32 $0xFFFFF000  }
0x42d: {  	_ =	swait.ge [sflag:s28], $0x1000  }
0x42e: {  	[sflag:s28] =	ssyncset.done $0x0  }
0x42f: {  	[sflag:s28] =	ssyncadd.s32 $0xFFFFF000  }
0x430: {  	_ =	swait.ge [sflag:s28], $0x1000  }
0x431: {  	s31 =	sld [smem:$0x7FD];
	_ =	sdelay $0x1  }
0x432: {  	s29 =	sadd.s32 $0x1, s29  }
0x433: {  	p0 =	sne.s32 s29, s31  }
.Ltmp16:
0x434: {  	_ = 	snop;
	(pc) =	sbr.rel @p0 .LBB2_1-.Ltmp16, $3  }
0x435: {  	_ =	sdelay $0x1  }
0x436: {  	[sflag:s28] =	ssyncset.done $0x0  }
0x437: {  	[sflag:s28] =	ssyncadd.s32 $0xFFFFF000  }
0x438: {  	_ =	sfence.sel $0x180000  }
0x439: {  	[bflag:$0x0] =	sbarrier.arrive $0xFFFF  }
0x43a: {  	_ =	strace $0x90000047  }
0x43b: {  	s0 =	stileid.u32;
	[bflag:$0x2] =	sbarrier.arrive $0xFFFF  }
0x43c: {  	p0 =	sne.s32 s0, $0x0;
	s0 =	rddreg [dreg:$0x5]  }
0x43d: {  	s0 =	sadd.s32 @!p0 $0x100000, s0  }
0x43e: {  	[sflag:s0] =	ssyncadd.tile.s32 @!p0 $0x1;
	_ =	shalt  }
.Lfunc_end2:
_tile_overlayer_lowered:
.L_overlay_start_2:
0x43f: {  	(tag) =	ssettag $0x2  }
0x440: {  	s0 =	rddreg [dreg:$0x0];
	s2 =	stileid.u32  }
0x441: {  	s1 =	rddreg [dreg:$0x1];
	p0 =	sne.s32 s2, $0x0  }
0x442: {  	s3 =	rddreg [dreg:$0x2];
	[bflag:$0x3] =	sbarrier.arrive $0xFFFF;
	s2 =	simm.s32 @!p0 $0x1C04  }
0x443: {  	[timem:s3], [sflag:s2] =	dma.local @!p0 [hbm:s0], s1  }
0x444: {  	s0 =	simm.s32 @!p0 $0x4  }
0x445: {  	_ =	swait.ge @!p0 [sflag:s0], s1  }
0x446: {  	s1 =	ssub.s32 @!p0 $0x0, s1;
	[sflag:s0] =	ssyncset.done @!p0 $0x0  }
0x447: {  	[sflag:s0] =	ssyncadd.s32 @!p0 s1  }
0x448: {  	[bflag:$0x3] =	sbarrier.arrive $0xFFFF  }
0x449: {  	_ =	shalt  }

</sc_bundles>
